<compile_context>
chip_gen: v7x
topology: tpu7x:2x2x1
jax: 0.10.2.dev20260603
libtpu: 0.0.44.dev20260713+nightly
codegen_flags: <defaults>
</compile_context>

<pallas_src>
import functools

import jax
import jax.numpy as jnp
from jax import lax
from jax.experimental import pallas as pl
from jax.experimental.pallas import tpu as pltpu
from jax.experimental.pallas import tpu_sc as plsc

N = 10000
B = 400
NPER = 25
E = 160000
F_X = 128
F_E = 16
F_U = 128
H = 128
F_OUT = 128
HID = 128
D = 128

NW = 32
CHUNK = 128
CH_PER_W = 40
E_PAD = NW * CH_PER_W * CHUNK
N_ACC = 10240
ROWS_PER_TILE = N_ACC // 16
STAGE = 128

NB = 1000
GB = 40
BE = 2048
RB = 200

_f32 = jnp.float32


def _mesh():
    return plsc.VectorSubcoreMesh(core_axis_name="c", subcore_axis_name="s")



def _sc_gather(pd, ps, src, dst):

    @functools.partial(
        pl.kernel,
        out_type=jax.ShapeDtypeStruct((E_PAD, D), _f32),
        mesh=_mesh(),
        scratch_types=[
            pltpu.VMEM((CHUNK,), jnp.int32),
            pltpu.VMEM((CHUNK,), jnp.int32),
            pltpu.VMEM((CHUNK, D), _f32),
            pltpu.VMEM((CHUNK, D), _f32),
            pltpu.SemaphoreType.DMA,
            pltpu.SemaphoreType.DMA,
        ],
    )
    def k(pd_hbm, ps_hbm, src_hbm, dst_hbm, out_hbm,
          idx_d, idx_s, buf_d, buf_s, sem_d, sem_s):
        wid = lax.axis_index("s") * 2 + lax.axis_index("c")

        def body(ci, carry):
            eoff = (wid * CH_PER_W + ci) * CHUNK
            pltpu.sync_copy(dst_hbm.at[pl.ds(eoff, CHUNK)], idx_d)
            pltpu.sync_copy(src_hbm.at[pl.ds(eoff, CHUNK)], idx_s)
            cd = pltpu.async_copy(pd_hbm.at[idx_d], buf_d, sem_d)
            cs = pltpu.async_copy(ps_hbm.at[idx_s], buf_s, sem_s)
            cd.wait()
            cs.wait()

            def rbody(r, c2):
                for v in range(D // 16):
                    sl = pl.ds(v * 16, 16)
                    buf_d[r, sl] = buf_d[r, sl] + buf_s[r, sl]
                return c2

            lax.fori_loop(0, CHUNK, rbody, 0)
            pltpu.sync_copy(buf_d, out_hbm.at[pl.ds(eoff, CHUNK)])
            return carry

        lax.fori_loop(0, CH_PER_W, body, 0)

    return k(pd, ps, src, dst)


def _sc_scatter_both(rows1, dst1, rows2, dst2):

    @functools.partial(
        pl.kernel,
        out_type=[
            jax.ShapeDtypeStruct((2, N_ACC, H), _f32),
            jax.ShapeDtypeStruct((2, N_ACC, H), _f32),
            jax.ShapeDtypeStruct((2, N_ACC, H), _f32),
            jax.ShapeDtypeStruct((2, N_ACC, H), _f32),
        ],
        mesh=_mesh(),
        scratch_types=[
            pltpu.VMEM((CHUNK,), jnp.int32),
            pltpu.VMEM((CHUNK, H), _f32),
            pltpu.VMEM((STAGE, H), _f32),
            pltpu.VMEM_SHARED((N_ACC, H), _f32),
        ],
    )
    def k(rows1_hbm, dst1_hbm, rows2_hbm, dst2_hbm,
          acc1_hbm, cnt1_hbm, acc2_hbm, cnt2_hbm,
          idx_v, rows_v, zbuf, shacc):
        cid = lax.axis_index("c")
        sid = lax.axis_index("s")
        wid = sid * 2 + cid

        def zero_slice():
            def fb(r, c):
                for v in range(H // 16):
                    zbuf[r, pl.ds(v * 16, 16)] = jnp.zeros((16,), _f32)
                return c
            lax.fori_loop(0, STAGE, fb, 0)

            def zc(j, c):
                pltpu.sync_copy(
                    zbuf, shacc.at[pl.ds(sid * ROWS_PER_TILE + j * STAGE, STAGE)])
                return c
            lax.fori_loop(0, ROWS_PER_TILE // STAGE, zc, 0)

        def fill_ones():
            def fb(r, c):
                for v in range(H // 16):
                    rows_v[r, pl.ds(v * 16, 16)] = jnp.full((16,), 1.0, _f32)
                return c
            lax.fori_loop(0, CHUNK, fb, 0)

        def phase(rows_hbm, dst_hbm, out_hbm, with_rows):
            zero_slice()
            if not with_rows:
                fill_ones()
            plsc.subcore_barrier()

            def body(ci, c):
                eoff = (wid * CH_PER_W + ci) * CHUNK
                pltpu.sync_copy(dst_hbm.at[pl.ds(eoff, CHUNK)], idx_v)
                if with_rows:
                    pltpu.sync_copy(rows_hbm.at[pl.ds(eoff, CHUNK)], rows_v)
                pltpu.sync_copy(rows_v, shacc.at[idx_v], add=True)
                return c

            lax.fori_loop(0, CH_PER_W, body, 0)
            plsc.subcore_barrier()

            def oc(j, c):
                rsl = pl.ds(sid * ROWS_PER_TILE + j * STAGE, STAGE)
                pltpu.sync_copy(shacc.at[rsl], zbuf)
                pltpu.sync_copy(zbuf, out_hbm.at[cid, rsl])
                return c
            lax.fori_loop(0, ROWS_PER_TILE // STAGE, oc, 0)

        phase(rows1_hbm, dst1_hbm, acc1_hbm, True)
        phase(rows1_hbm, dst1_hbm, cnt1_hbm, False)
        phase(rows2_hbm, dst2_hbm, acc2_hbm, True)
        phase(rows2_hbm, dst2_hbm, cnt2_hbm, False)

    return k(rows1, dst1, rows2, dst2)



def _prep_body(x_ref, u_ref, wx_ref, wu_ref, b1_ref, pd_ref, ps_ref):
    t = jnp.dot(x_ref[...], wx_ref[...], preferred_element_type=_f32)
    ur = jnp.repeat(u_ref[...], NPER, axis=0)
    pd_ref[...] = t
    ps_ref[...] = jnp.dot(ur, wu_ref[...], preferred_element_type=_f32) + b1_ref[...] - t


def _prep(x, u, w1x, w1u, b1):
    return pl.pallas_call(
        _prep_body,
        grid=(N // NB,),
        in_specs=[
            pl.BlockSpec((NB, F_X), lambda i: (i, 0)),
            pl.BlockSpec((GB, F_U), lambda i: (i, 0)),
            pl.BlockSpec((F_X, HID), lambda i: (0, 0)),
            pl.BlockSpec((F_U, HID), lambda i: (0, 0)),
            pl.BlockSpec((1, HID), lambda i: (0, 0)),
        ],
        out_specs=[
            pl.BlockSpec((NB, HID), lambda i: (i, 0)),
            pl.BlockSpec((NB, HID), lambda i: (i, 0)),
        ],
        out_shape=[
            jax.ShapeDtypeStruct((N, HID), _f32),
            jax.ShapeDtypeStruct((N, HID), _f32),
        ],
    )(x, u, w1x, w1u, b1)


def _edge_body(e_ref, g_ref, we_ref, w2_ref, b2_ref, w3_ref, b3_ref, o_ref):
    h = jnp.dot(e_ref[...], we_ref[...], preferred_element_type=_f32) + g_ref[...]
    h = jnp.maximum(h, 0.0)
    h = jnp.dot(h, w2_ref[...], preferred_element_type=_f32) + b2_ref[...]
    h = jnp.maximum(h, 0.0)
    o_ref[...] = jnp.dot(h, w3_ref[...], preferred_element_type=_f32) + b3_ref[...]


def _edge_mlp(ep, g, w1e, w2, b2, w3, b3):
    return pl.pallas_call(
        _edge_body,
        grid=(E_PAD // BE,),
        in_specs=[
            pl.BlockSpec((BE, F_E), lambda i: (i, 0)),
            pl.BlockSpec((BE, HID), lambda i: (i, 0)),
            pl.BlockSpec((F_E, HID), lambda i: (0, 0)),
            pl.BlockSpec((HID, HID), lambda i: (0, 0)),
            pl.BlockSpec((1, HID), lambda i: (0, 0)),
            pl.BlockSpec((HID, H), lambda i: (0, 0)),
            pl.BlockSpec((1, H), lambda i: (0, 0)),
        ],
        out_specs=pl.BlockSpec((BE, H), lambda i: (i, 0)),
        out_shape=jax.ShapeDtypeStruct((E_PAD, H), _f32),
    )(ep, g, w1e, w2, b2, w3, b3)


def _attn_body(xd_ref, xs_ref, m_ref, o_ref):
    xd = xd_ref[...]
    xs = xs_ref[...]
    nd = jnp.sqrt(jnp.sum(xd * xd, axis=1, keepdims=True))
    ns = jnp.sqrt(jnp.sum(xs * xs, axis=1, keepdims=True))
    s = lax.dot_general(xd, xs, (((1,), (1,)), ((), ())),
                        preferred_element_type=_f32)
    denom = lax.dot_general(nd, ns, (((1,), (1,)), ((), ())),
                            preferred_element_type=_f32) + 1e-8
    s = s / denom
    mask = m_ref[...] > 0.5
    s = jnp.where(mask, s, -1e30)
    mx = jnp.max(s, axis=1, keepdims=True)
    a = jnp.exp(s - mx)
    a = jnp.where(mask, a, 0.0)
    z = jnp.sum(a, axis=1, keepdims=True)
    a = a / (z + 1e-16)
    o_ref[...] = jnp.dot(a, xs, preferred_element_type=_f32)


def _attention(xd, xs, mask):
    return pl.pallas_call(
        _attn_body,
        grid=(N // RB,),
        in_specs=[
            pl.BlockSpec((RB, F_X), lambda i: (i, 0)),
            pl.BlockSpec((RB, F_X), lambda i: (i, 0)),
            pl.BlockSpec((RB, RB), lambda i: (0, 0)),
        ],
        out_specs=pl.BlockSpec((RB, F_X), lambda i: (i, 0)),
        out_shape=jax.ShapeDtypeStruct((N, F_X), _f32),
    )(xd, xs, mask)


def _node_body(acc_ref, cnt_ref, x_ref, att_ref, u_ref,
               wa_ref, wx_ref, wm_ref, wu_ref, b1_ref,
               w2_ref, b2_ref, w3_ref, b3_ref,
               o_ref, eg_ref, xg_ref):
    ssum = acc_ref[0] + acc_ref[1]
    cnt = cnt_ref[0, :, :1] + cnt_ref[1, :, :1]
    ea = ssum / jnp.maximum(cnt, 1.0)
    x = x_ref[...]
    mu = x - att_ref[...]
    ur = jnp.repeat(u_ref[...], NPER, axis=0)
    h = (jnp.dot(ea, wa_ref[...], preferred_element_type=_f32)
         + jnp.dot(x, wx_ref[...], preferred_element_type=_f32)
         + jnp.dot(mu, wm_ref[...], preferred_element_type=_f32)
         + jnp.dot(ur, wu_ref[...], preferred_element_type=_f32)
         + b1_ref[...])
    h = jnp.maximum(h, 0.0)
    h = jnp.dot(h, w2_ref[...], preferred_element_type=_f32) + b2_ref[...]
    h = jnp.maximum(h, 0.0)
    xn = jnp.dot(h, w3_ref[...], preferred_element_type=_f32) + b3_ref[...]
    o_ref[...] = xn
    gsum = jnp.sum(ssum.reshape(GB, NPER, H), axis=1)
    gcnt = jnp.sum(cnt.reshape(GB, NPER), axis=1, keepdims=True)
    eg_ref[...] = gsum / jnp.maximum(gcnt, 1.0)
    xg_ref[...] = jnp.mean(xn.reshape(GB, NPER, H), axis=1)


def _node_mlp(acc, cnt, x, att, u, wa, wx, wm, wu, b1, w2, b2, w3, b3):
    wspec = lambda shape: pl.BlockSpec(shape, lambda i: tuple(0 for _ in shape))
    return pl.pallas_call(
        _node_body,
        grid=(N // NB,),
        in_specs=[
            pl.BlockSpec((2, NB, H), lambda i: (0, i, 0)),
            pl.BlockSpec((2, NB, H), lambda i: (0, i, 0)),
            pl.BlockSpec((NB, F_X), lambda i: (i, 0)),
            pl.BlockSpec((NB, F_X), lambda i: (i, 0)),
            pl.BlockSpec((GB, F_U), lambda i: (i, 0)),
            wspec((H, HID)), wspec((F_X, HID)), wspec((F_X, HID)),
            wspec((F_U, HID)), wspec((1, HID)),
            wspec((HID, HID)), wspec((1, HID)),
            wspec((HID, H)), wspec((1, H)),
        ],
        out_specs=[
            pl.BlockSpec((NB, H), lambda i: (i, 0)),
            pl.BlockSpec((GB, H), lambda i: (i, 0)),
            pl.BlockSpec((GB, H), lambda i: (i, 0)),
        ],
        out_shape=[
            jax.ShapeDtypeStruct((N, H), _f32),
            jax.ShapeDtypeStruct((B, H), _f32),
            jax.ShapeDtypeStruct((B, H), _f32),
        ],
    )(acc, cnt, x, att, u, wa, wx, wm, wu, b1, w2, b2, w3, b3)


def _glob_body(eg_ref, xg_ref, u_ref,
               we_ref, wx_ref, wu_ref, b1_ref,
               w2_ref, b2_ref, w3_ref, b3_ref, o_ref):
    h = (jnp.dot(eg_ref[...], we_ref[...], preferred_element_type=_f32)
         + jnp.dot(xg_ref[...], wx_ref[...], preferred_element_type=_f32)
         + jnp.dot(u_ref[...], wu_ref[...], preferred_element_type=_f32)
         + b1_ref[...])
    h = jnp.maximum(h, 0.0)
    h = jnp.dot(h, w2_ref[...], preferred_element_type=_f32) + b2_ref[...]
    h = jnp.maximum(h, 0.0)
    o_ref[...] = jnp.dot(h, w3_ref[...], preferred_element_type=_f32) + b3_ref[...]


def _glob_mlp(eg, xg, u, we, wx, wu, b1, w2, b2, w3, b3):
    return pl.pallas_call(
        _glob_body,
        out_shape=jax.ShapeDtypeStruct((B, H), _f32),
    )(eg, xg, u, we, wx, wu, b1, w2, b2, w3, b3)


def _out_body(u1_ref, u2_ref, wa_ref, wb_ref, b1_ref,
              w2_ref, b2_ref, w3_ref, b3_ref, o_ref):
    h = (jnp.dot(u1_ref[...], wa_ref[...], preferred_element_type=_f32)
         + jnp.dot(u2_ref[...], wb_ref[...], preferred_element_type=_f32)
         + b1_ref[...])
    h = jnp.maximum(h, 0.0)
    h = jnp.dot(h, w2_ref[...], preferred_element_type=_f32) + b2_ref[...]
    h = jnp.maximum(h, 0.0)
    o_ref[...] = jnp.dot(h, w3_ref[...], preferred_element_type=_f32) + b3_ref[...]


def _out_mlp(u1n, u2n, wa, wb, b1, w2, b2, w3, b3):
    return pl.pallas_call(
        _out_body,
        out_shape=jax.ShapeDtypeStruct((B, F_OUT), _f32),
    )(u1n, u2n, wa, wb, b1, w2, b2, w3, b3)



def kernel(x1, edge_index1, e1, u1, batch1, x2, edge_index2, e2, u2, batch2,
           params_edge, params_node, params_glob, params_out):
    (we1, be1), (we2, be2), (we3, be3) = params_edge
    w1e = we1[:F_E]
    w1x = we1[F_E:F_E + F_X]
    w1u = we1[F_E + F_X:]
    (wn1, bn1), (wn2, bn2), (wn3, bn3) = params_node
    wna = wn1[:H]
    wnx = wn1[H:H + F_X]
    wnm = wn1[H + F_X:H + 2 * F_X]
    wnu = wn1[H + 2 * F_X:]
    (wg1, bg1), (wg2, bg2), (wg3, bg3) = params_glob
    wge = wg1[:H]
    wgx = wg1[H:2 * H]
    wgu = wg1[2 * H:]
    (wo1, bo1), (wo2, bo2), (wo3, bo3) = params_out
    woa = wo1[:H]
    wob = wo1[H:]

    r = lambda b: b.reshape(1, -1)
    be1r, be2r, be3r = r(be1), r(be2), r(be3)
    bn1r, bn2r, bn3r = r(bn1), r(bn2), r(bn3)
    bg1r, bg2r, bg3r = r(bg1), r(bg2), r(bg3)
    bo1r, bo2r, bo3r = r(bo1), r(bo2), r(bo3)

    mask = jnp.kron(jnp.eye(RB // NPER, dtype=_f32), jnp.ones((NPER, NPER), _f32))

    pad = E_PAD - E

    def prep_edges(edge_index, e):
        src = jnp.concatenate([edge_index[0], jnp.zeros((pad,), jnp.int32)])
        dstg = jnp.concatenate([edge_index[1], jnp.zeros((pad,), jnp.int32)])
        dsts = jnp.concatenate([edge_index[1], jnp.full((pad,), N, jnp.int32)])
        ep = jnp.pad(e, ((0, pad), (0, 0)))
        return src, dstg, dsts, ep

    src1, dst1g, dst1s, e1p = prep_edges(edge_index1, e1)
    src2, dst2g, dst2s, e2p = prep_edges(edge_index2, e2)

    def edge_path(x, src, dstg, ep, u):
        pd, ps = _prep(x, u, w1x, w1u, be1r)
        g = _sc_gather(pd, ps, src, dstg)
        return _edge_mlp(ep, g, w1e, we2, be2r, we3, be3r)

    enew1 = edge_path(x1, src1, dst1g, e1p, u1)
    enew2 = edge_path(x2, src2, dst2g, e2p, u2)
    acc1, cnt1, acc2, cnt2 = _sc_scatter_both(enew1, dst1s, enew2, dst2s)

    def node_glob(acc, cnt, x, xs_attn, u):
        att = _attention(x, xs_attn, mask)
        xn, eg, xg = _node_mlp(acc, cnt, x, att, u, wna, wnx, wnm, wnu, bn1r,
                               wn2, bn2r, wn3, bn3r)
        un = _glob_mlp(eg, xg, u, wge, wgx, wgu, bg1r, wg2, bg2r, wg3, bg3r)
        return xn, un

    x1n, u1n = node_glob(acc1, cnt1, x1, x2, u1)
    _, u2n = node_glob(acc2, cnt2, x2, x1n, u2)

    return _out_mlp(u1n, u2n, woa, wob, bo1r, wo2, bo2r, wo3, bo3r)

# --- scband reference (transcript-rebuilt; emitter-appended) ---
"""Pipeline reference for scband-graph-matching-simple-90340342104456 (READ-ONLY COPY).

The authoritative reference and input builder live on the scoring server;
editing this copy changes nothing except your own understanding.
"""

import jax, jax.numpy as jnp
import numpy as np

N = 10000
B = 400
NPER = 25
E = 160000
F_X = 128
F_E = 16
F_U = 128
H = 128
F_OUT = 128
HID = 128


def make_mlp(key, dims):
    params = []
    for i in range(len(dims) - 1):
        key, k1 = jax.random.split(key)
        W = jax.random.normal(k1, (dims[i], dims[i + 1]), jnp.float32) / np.sqrt(dims[i])
        b = jnp.zeros((dims[i + 1],), jnp.float32)
        params.append((W, b))
    return params, key


def mlp_apply(params, x):
    for (W, b) in params[:-1]:
        x = jax.nn.relu(x @ W + b)
    W, b = params[-1]
    return x @ W + b


def seg_mean(data, ids, num):
    s = jax.ops.segment_sum(data, ids, num_segments=num)
    c = jax.ops.segment_sum(jnp.ones((data.shape[0],), data.dtype), ids, num_segments=num)
    return s / jnp.clip(c, 1.0)[:, None]


def create_cg_ei(batch1, batch2):
    bsize = batch1.shape[0] // NPER
    g1 = jnp.repeat(jnp.arange(NPER, dtype=jnp.int32), NPER)
    g2 = jnp.tile(jnp.arange(NPER, dtype=jnp.int32), NPER)
    c1 = batch1[::NPER].astype(jnp.int32) * NPER
    c2 = batch2[::NPER].astype(jnp.int32) * NPER
    rows = (c1[:, None] + g1[None, :]).reshape(bsize * NPER * NPER)
    cols = (c2[:, None] + g2[None, :]).reshape(bsize * NPER * NPER)
    return jnp.stack([rows, cols]).astype(jnp.int32)


def gnn_layer(x, x_other, edge_index, cg_ei, e, u, batch, pe, pn, pg):
    src, dst = edge_index[0], edge_index[1]
    n = x.shape[0]
    # EdgeModelDiff: phi_e([e, x_dst - x_src, u[batch[src]]])
    e_in = jnp.concatenate([e, x[dst] - x[src], u[batch[src]]], axis=1)
    e_new = mlp_apply(pe, e_in)
    e_agg = seg_mean(e_new, dst, n)
    # CosineAttention over cross-graph edges: row0 = other-graph src, row1 = this-graph dst
    s_idx, d_idx = cg_ei[0], cg_ei[1]
    xs = x_other[s_idx]
    xd = x[d_idx]
    sim = jnp.sum(xs * xd, axis=-1) / (jnp.linalg.norm(xs, axis=-1) * jnp.linalg.norm(xd, axis=-1) + 1e-8)
    m = jax.ops.segment_max(sim, d_idx, num_segments=n)
    a = jnp.exp(sim - m[d_idx])
    z = jax.ops.segment_sum(a, d_idx, num_segments=n)
    a = a / (z[d_idx] + 1e-16)
    attended = jax.ops.segment_sum(a[:, None] * xs, d_idx, num_segments=n)
    mu = x - attended
    # CosineSimNodeModel: phi_x([e_agg, x, mu, u[batch]])
    x_in = jnp.concatenate([e_agg, x, mu, u[batch]], axis=1)
    x_new = mlp_apply(pn, x_in)
    # GlobalModel: phi_u([mean_e, mean_x, u])
    bsize = u.shape[0]
    xg = seg_mean(x_new, batch, bsize)
    eg = seg_mean(e_new, batch[dst], bsize)
    u_new = mlp_apply(pg, jnp.concatenate([eg, xg, u], axis=1))
    return x_new, e_new, u_new


def setup_inputs(seed: int = 0):
    key = jax.random.key(seed)
    ks = jax.random.split(key, 10)
    x1 = jax.random.normal(ks[0], (N, F_X), jnp.float32)
    e1 = jax.random.normal(ks[1], (E, F_E), jnp.float32)
    u1 = jax.random.normal(ks[2], (B, F_U), jnp.float32)
    edge_index1 = jax.random.randint(ks[3], (2, E), 0, N)
    batch1 = jnp.repeat(jnp.arange(B, dtype=jnp.int32), NPER)
    x2 = jax.random.normal(ks[4], (N, F_X), jnp.float32)
    e2 = jax.random.normal(ks[5], (E, F_E), jnp.float32)
    u2 = jax.random.normal(ks[6], (B, F_U), jnp.float32)
    edge_index2 = jax.random.randint(ks[7], (2, E), 0, N)
    batch2 = jnp.repeat(jnp.arange(B, dtype=jnp.int32), NPER)
    pkey = ks[8]
    params_edge, pkey = make_mlp(pkey, [F_E + F_X + F_U, HID, HID, H])
    params_node, pkey = make_mlp(pkey, [H + 2 * F_X + F_U, HID, HID, H])
    params_glob, pkey = make_mlp(pkey, [2 * H + F_U, HID, HID, H])
    params_out, pkey = make_mlp(pkey, [2 * H, HID, HID, F_OUT])
    return {
        'x1': x1, 'edge_index1': edge_index1, 'e1': e1, 'u1': u1, 'batch1': batch1,
        'x2': x2, 'edge_index2': edge_index2, 'e2': e2, 'u2': u2, 'batch2': batch2,
        'params_edge': params_edge, 'params_node': params_node,
        'params_glob': params_glob, 'params_out': params_out,
    }


def reference(x1, edge_index1, e1, u1, batch1, x2, edge_index2, e2, u2, batch2,
              params_edge, params_node, params_glob, params_out):
    cg = create_cg_ei(batch1, batch2)
    cg_flip = cg[::-1]
    x1n, e1n, u1n = gnn_layer(x1, x2, edge_index1, cg_flip, e1, u1, batch1,
                              params_edge, params_node, params_glob)
    x2n, e2n, u2n = gnn_layer(x2, x1n, edge_index2, cg, e2, u2, batch2,
                              params_edge, params_node, params_glob)
    return mlp_apply(params_out, jnp.concatenate([u1n, u2n], axis=1))

if __name__ == "__main__":
    import jax
    _d = setup_inputs()
    print(jax.jit(kernel)(*tuple(_d.values())))

</pallas_src>

<mosaic_0001>
#map = affine_map<(d0, d1) -> (0, 0)>
#map1 = affine_map<(d0, d1) -> (0)>
module attributes {stable_mosaic.version = 14 : i64} {
  func.func @k(%arg0: i32, %arg1: i32, %arg2: memref<10000x128xf32, #tpu.memory_space<hbm>>, %arg3: memref<10000x128xf32, #tpu.memory_space<hbm>>, %arg4: memref<163840xi32, #tpu.memory_space<hbm>>, %arg5: memref<163840xi32, #tpu.memory_space<hbm>>, %arg6: memref<163840x128xf32, #tpu.memory_space<hbm>>, %arg7: memref<128xi32, #tpu.memory_space<vmem>>, %arg8: memref<128xi32, #tpu.memory_space<vmem>>, %arg9: memref<128x128xf32, #tpu.memory_space<vmem>>, %arg10: memref<128x128xf32, #tpu.memory_space<vmem>>, %arg11: memref<!tpu.dma_semaphore, #tpu.memory_space<semaphore_mem>>, %arg12: memref<!tpu.dma_semaphore, #tpu.memory_space<semaphore_mem>>) attributes {dimension_semantics = [#tpu.dimension_semantics<core_parallel>, #tpu.dimension_semantics<subcore_parallel>], iteration_bounds = array<i64: 2, 16>, scalar_prefetch = 0 : i64, scratch_operands = 6 : i64, tpu.core_type = #tpu.core_type<sc_vector_subcore>, window_params = [{transform_indices = #map}, {transform_indices = #map}, {transform_indices = #map1}, {transform_indices = #map1}, {transform_indices = #map}]} {
    %mul3A = arith.constant 2 : i32
    %mul3A_0 = arith.muli %arg1, %mul3A : i32
    %add3A = arith.addi %mul3A_0, %arg0 : i32
    %scan3A = arith.constant 0 : i32
    %scan3A_1 = arith.constant 0 : i32
    %scan3A_2 = arith.constant 40 : i32
    %scan3A_3 = arith.addi %scan3A_1, %scan3A_2 : i32
    %scan3A_4 = arith.constant 1 : i32
    scf.for %scan3A_6 = %scan3A_1 to %scan3A_3 step %scan3A_4  : i32 {
      %mul3A_7 = arith.constant 40 : i32
      %mul3A_8 = arith.muli %add3A, %mul3A_7 : i32
      %add3A_9 = arith.addi %mul3A_8, %scan3A_6 : i32
      %mul3A_10 = arith.constant 128 : i32
      %mul3A_11 = arith.muli %add3A_9, %mul3A_10 : i32
      "tpu.region"() ({
        %run_scoped3A = tpu.sem_alloc : memref<!tpu.dma_semaphore, #tpu.memory_space<semaphore_mem>>
        %dma_start3A_28 = tpu.memref_slice %arg5[%mul3A_11] : memref<163840xi32, #tpu.memory_space<hbm>> -> memref<128xi32, #tpu.memory_space<hbm>>
        %dma_start3A_29 = tpu.memref_slice %arg5[%mul3A_11] : memref<163840xi32, #tpu.memory_space<hbm>> -> memref<128xi32, #tpu.memory_space<hbm>>
        tpu.enqueue_dma source(%dma_start3A_29 : memref<128xi32, #tpu.memory_space<hbm>>) target(%arg7 : memref<128xi32, #tpu.memory_space<vmem>>) target_semaphore(%run_scoped3A : memref<!tpu.dma_semaphore, #tpu.memory_space<semaphore_mem>>)
        %dma_wait3A_30 = tpu.memref_slice %arg5[%mul3A_11] : memref<163840xi32, #tpu.memory_space<hbm>> -> memref<128xi32, #tpu.memory_space<hbm>>
        %dma_wait3A_31 = tpu.memref_slice %arg5[%mul3A_11] : memref<163840xi32, #tpu.memory_space<hbm>> -> memref<128xi32, #tpu.memory_space<hbm>>
        tpu.wait_dma2 semaphore(%run_scoped3A : memref<!tpu.dma_semaphore, #tpu.memory_space<semaphore_mem>>) src(%dma_wait3A_31 : memref<128xi32, #tpu.memory_space<hbm>>) dst(%arg7 : memref<128xi32, #tpu.memory_space<vmem>>)
        tpu.yield
      }) : () -> ()
      "tpu.region"() ({
        %run_scoped3A = tpu.sem_alloc : memref<!tpu.dma_semaphore, #tpu.memory_space<semaphore_mem>>
        %dma_start3A_28 = tpu.memref_slice %arg4[%mul3A_11] : memref<163840xi32, #tpu.memory_space<hbm>> -> memref<128xi32, #tpu.memory_space<hbm>>
        %dma_start3A_29 = tpu.memref_slice %arg4[%mul3A_11] : memref<163840xi32, #tpu.memory_space<hbm>> -> memref<128xi32, #tpu.memory_space<hbm>>
        tpu.enqueue_dma source(%dma_start3A_29 : memref<128xi32, #tpu.memory_space<hbm>>) target(%arg8 : memref<128xi32, #tpu.memory_space<vmem>>) target_semaphore(%run_scoped3A : memref<!tpu.dma_semaphore, #tpu.memory_space<semaphore_mem>>)
        %dma_wait3A_30 = tpu.memref_slice %arg4[%mul3A_11] : memref<163840xi32, #tpu.memory_space<hbm>> -> memref<128xi32, #tpu.memory_space<hbm>>
        %dma_wait3A_31 = tpu.memref_slice %arg4[%mul3A_11] : memref<163840xi32, #tpu.memory_space<hbm>> -> memref<128xi32, #tpu.memory_space<hbm>>
        tpu.wait_dma2 semaphore(%run_scoped3A : memref<!tpu.dma_semaphore, #tpu.memory_space<semaphore_mem>>) src(%dma_wait3A_31 : memref<128xi32, #tpu.memory_space<hbm>>) dst(%arg8 : memref<128xi32, #tpu.memory_space<vmem>>)
        tpu.yield
      }) : () -> ()
      %dma_start3A = arith.constant 0 : i32
      %dma_start3A_12 = arith.constant 0 : i32
      %dma_start3A_13 = tpu.memref_slice %arg2[%dma_start3A, %dma_start3A_12] : memref<10000x128xf32, #tpu.memory_space<hbm>> -> memref<10000x128xf32, #tpu.memory_space<hbm>>
      tpu.enqueue_indirect_dma source(%dma_start3A_13 : memref<10000x128xf32, #tpu.memory_space<hbm>>) target(%arg9 : memref<128x128xf32, #tpu.memory_space<vmem>>) offsets(%arg7 : memref<128xi32, #tpu.memory_space<vmem>>) semaphore(%arg11 : memref<!tpu.dma_semaphore, #tpu.memory_space<semaphore_mem>>)
      %dma_start3A_14 = arith.constant 0 : i32
      %dma_start3A_15 = arith.constant 0 : i32
      %dma_start3A_16 = tpu.memref_slice %arg3[%dma_start3A_14, %dma_start3A_15] : memref<10000x128xf32, #tpu.memory_space<hbm>> -> memref<10000x128xf32, #tpu.memory_space<hbm>>
      tpu.enqueue_indirect_dma source(%dma_start3A_16 : memref<10000x128xf32, #tpu.memory_space<hbm>>) target(%arg10 : memref<128x128xf32, #tpu.memory_space<vmem>>) offsets(%arg8 : memref<128xi32, #tpu.memory_space<vmem>>) semaphore(%arg12 : memref<!tpu.dma_semaphore, #tpu.memory_space<semaphore_mem>>)
      %dma_wait3A = arith.constant 0 : i32
      %dma_wait3A_17 = arith.constant 0 : i32
      %dma_wait3A_18 = tpu.memref_slice %arg2[%dma_wait3A, %dma_wait3A_17] : memref<10000x128xf32, #tpu.memory_space<hbm>> -> memref<10000x128xf32, #tpu.memory_space<hbm>>
      tpu.wait_indirect_dma semaphore(%arg11 : memref<!tpu.dma_semaphore, #tpu.memory_space<semaphore_mem>>) src(%dma_wait3A_18 : memref<10000x128xf32, #tpu.memory_space<hbm>>) dst(%arg9 : memref<128x128xf32, #tpu.memory_space<vmem>>)
      %dma_wait3A_19 = arith.constant 0 : i32
      %dma_wait3A_20 = arith.constant 0 : i32
      %dma_wait3A_21 = tpu.memref_slice %arg3[%dma_wait3A_19, %dma_wait3A_20] : memref<10000x128xf32, #tpu.memory_space<hbm>> -> memref<10000x128xf32, #tpu.memory_space<hbm>>
      tpu.wait_indirect_dma semaphore(%arg12 : memref<!tpu.dma_semaphore, #tpu.memory_space<semaphore_mem>>) src(%dma_wait3A_21 : memref<10000x128xf32, #tpu.memory_space<hbm>>) dst(%arg10 : memref<128x128xf32, #tpu.memory_space<vmem>>)
      %scan3A_22 = arith.constant 0 : i32
      %scan3A_23 = arith.constant 0 : i32
      %scan3A_24 = arith.constant 128 : i32
      %scan3A_25 = arith.addi %scan3A_23, %scan3A_24 : i32
      %scan3A_26 = arith.constant 1 : i32
      scf.for %scan3A_28 = %scan3A_23 to %scan3A_25 step %scan3A_26  : i32 {
        %get3A = arith.index_cast %scan3A_28 : i32 to index
        %get3A_29 = arith.constant 0 : index
        %get3A_30 = tpu.vector_load %arg9[%get3A, %get3A_29] {strides = array<i32>} : memref<128x128xf32, #tpu.memory_space<vmem>>, vector<1x16xf32>,
        %get3A_31 = vector.shape_cast %get3A_30 : vector<1x16xf32> to vector<16xf32>
        %get3A_32 = arith.index_cast %scan3A_28 : i32 to index
        %get3A_33 = arith.constant 0 : index
        %get3A_34 = tpu.vector_load %arg10[%get3A_32, %get3A_33] {strides = array<i32>} : memref<128x128xf32, #tpu.memory_space<vmem>>, vector<1x16xf32>,
        %get3A_35 = vector.shape_cast %get3A_34 : vector<1x16xf32> to vector<16xf32>
        %add3A_36 = arith.addf %get3A_31, %get3A_35 : vector<16xf32>
        %swap3A = arith.index_cast %scan3A_28 : i32 to index
        %swap3A_37 = arith.constant 0 : index
        %swap3A_38 = tpu.vector_load %arg9[%swap3A, %swap3A_37] {strides = array<i32>} : memref<128x128xf32, #tpu.memory_space<vmem>>, vector<1x16xf32>,
        %swap3A_39 = vector.shape_cast %swap3A_38 : vector<1x16xf32> to vector<16xf32>
        %swap3A_40 = vector.shape_cast %add3A_36 : vector<16xf32> to vector<1x16xf32>
        tpu.vector_store %arg9[%swap3A, %swap3A_37], %swap3A_40 {strides = array<i32>} : memref<128x128xf32, #tpu.memory_space<vmem>>, vector<1x16xf32>,
        %get3A_41 = arith.index_cast %scan3A_28 : i32 to index
        %get3A_42 = arith.constant 16 : index
        %get3A_43 = tpu.vector_load %arg9[%get3A_41, %get3A_42] {strides = array<i32>} : memref<128x128xf32, #tpu.memory_space<vmem>>, vector<1x16xf32>,
        %get3A_44 = vector.shape_cast %get3A_43 : vector<1x16xf32> to vector<16xf32>
        %get3A_45 = arith.index_cast %scan3A_28 : i32 to index
        %get3A_46 = arith.constant 16 : index
        %get3A_47 = tpu.vector_load %arg10[%get3A_45, %get3A_46] {strides = array<i32>} : memref<128x128xf32, #tpu.memory_space<vmem>>, vector<1x16xf32>,
        %get3A_48 = vector.shape_cast %get3A_47 : vector<1x16xf32> to vector<16xf32>
        %add3A_49 = arith.addf %get3A_44, %get3A_48 : vector<16xf32>
        %swap3A_50 = arith.index_cast %scan3A_28 : i32 to index
        %swap3A_51 = arith.constant 16 : index
        %swap3A_52 = tpu.vector_load %arg9[%swap3A_50, %swap3A_51] {strides = array<i32>} : memref<128x128xf32, #tpu.memory_space<vmem>>, vector<1x16xf32>,
        %swap3A_53 = vector.shape_cast %swap3A_52 : vector<1x16xf32> to vector<16xf32>
        %swap3A_54 = vector.shape_cast %add3A_49 : vector<16xf32> to vector<1x16xf32>
        tpu.vector_store %arg9[%swap3A_50, %swap3A_51], %swap3A_54 {strides = array<i32>} : memref<128x128xf32, #tpu.memory_space<vmem>>, vector<1x16xf32>,
        %get3A_55 = arith.index_cast %scan3A_28 : i32 to index
        %get3A_56 = arith.constant 32 : index
        %get3A_57 = tpu.vector_load %arg9[%get3A_55, %get3A_56] {strides = array<i32>} : memref<128x128xf32, #tpu.memory_space<vmem>>, vector<1x16xf32>,
        %get3A_58 = vector.shape_cast %get3A_57 : vector<1x16xf32> to vector<16xf32>
        %get3A_59 = arith.index_cast %scan3A_28 : i32 to index
        %get3A_60 = arith.constant 32 : index
        %get3A_61 = tpu.vector_load %arg10[%get3A_59, %get3A_60] {strides = array<i32>} : memref<128x128xf32, #tpu.memory_space<vmem>>, vector<1x16xf32>,
        %get3A_62 = vector.shape_cast %get3A_61 : vector<1x16xf32> to vector<16xf32>
        %add3A_63 = arith.addf %get3A_58, %get3A_62 : vector<16xf32>
        %swap3A_64 = arith.index_cast %scan3A_28 : i32 to index
        %swap3A_65 = arith.constant 32 : index
        %swap3A_66 = tpu.vector_load %arg9[%swap3A_64, %swap3A_65] {strides = array<i32>} : memref<128x128xf32, #tpu.memory_space<vmem>>, vector<1x16xf32>,
        %swap3A_67 = vector.shape_cast %swap3A_66 : vector<1x16xf32> to vector<16xf32>
        %swap3A_68 = vector.shape_cast %add3A_63 : vector<16xf32> to vector<1x16xf32>
        tpu.vector_store %arg9[%swap3A_64, %swap3A_65], %swap3A_68 {strides = array<i32>} : memref<128x128xf32, #tpu.memory_space<vmem>>, vector<1x16xf32>,
        %get3A_69 = arith.index_cast %scan3A_28 : i32 to index
        %get3A_70 = arith.constant 48 : index
        %get3A_71 = tpu.vector_load %arg9[%get3A_69, %get3A_70] {strides = array<i32>} : memref<128x128xf32, #tpu.memory_space<vmem>>, vector<1x16xf32>,
        %get3A_72 = vector.shape_cast %get3A_71 : vector<1x16xf32> to vector<16xf32>
        %get3A_73 = arith.index_cast %scan3A_28 : i32 to index
        %get3A_74 = arith.constant 48 : index
        %get3A_75 = tpu.vector_load %arg10[%get3A_73, %get3A_74] {strides = array<i32>} : memref<128x128xf32, #tpu.memory_space<vmem>>, vector<1x16xf32>,
        %get3A_76 = vector.shape_cast %get3A_75 : vector<1x16xf32> to vector<16xf32>
        %add3A_77 = arith.addf %get3A_72, %get3A_76 : vector<16xf32>
        %swap3A_78 = arith.index_cast %scan3A_28 : i32 to index
        %swap3A_79 = arith.constant 48 : index
        %swap3A_80 = tpu.vector_load %arg9[%swap3A_78, %swap3A_79] {strides = array<i32>} : memref<128x128xf32, #tpu.memory_space<vmem>>, vector<1x16xf32>,
        %swap3A_81 = vector.shape_cast %swap3A_80 : vector<1x16xf32> to vector<16xf32>
        %swap3A_82 = vector.shape_cast %add3A_77 : vector<16xf32> to vector<1x16xf32>
        tpu.vector_store %arg9[%swap3A_78, %swap3A_79], %swap3A_82 {strides = array<i32>} : memref<128x128xf32, #tpu.memory_space<vmem>>, vector<1x16xf32>,
        %get3A_83 = arith.index_cast %scan3A_28 : i32 to index
        %get3A_84 = arith.constant 64 : index
        %get3A_85 = tpu.vector_load %arg9[%get3A_83, %get3A_84] {strides = array<i32>} : memref<128x128xf32, #tpu.memory_space<vmem>>, vector<1x16xf32>,
        %get3A_86 = vector.shape_cast %get3A_85 : vector<1x16xf32> to vector<16xf32>
        %get3A_87 = arith.index_cast %scan3A_28 : i32 to index
        %get3A_88 = arith.constant 64 : index
        %get3A_89 = tpu.vector_load %arg10[%get3A_87, %get3A_88] {strides = array<i32>} : memref<128x128xf32, #tpu.memory_space<vmem>>, vector<1x16xf32>,
        %get3A_90 = vector.shape_cast %get3A_89 : vector<1x16xf32> to vector<16xf32>
        %add3A_91 = arith.addf %get3A_86, %get3A_90 : vector<16xf32>
        %swap3A_92 = arith.index_cast %scan3A_28 : i32 to index
        %swap3A_93 = arith.constant 64 : index
        %swap3A_94 = tpu.vector_load %arg9[%swap3A_92, %swap3A_93] {strides = array<i32>} : memref<128x128xf32, #tpu.memory_space<vmem>>, vector<1x16xf32>,
        %swap3A_95 = vector.shape_cast %swap3A_94 : vector<1x16xf32> to vector<16xf32>
        %swap3A_96 = vector.shape_cast %add3A_91 : vector<16xf32> to vector<1x16xf32>
        tpu.vector_store %arg9[%swap3A_92, %swap3A_93], %swap3A_96 {strides = array<i32>} : memref<128x128xf32, #tpu.memory_space<vmem>>, vector<1x16xf32>,
        %get3A_97 = arith.index_cast %scan3A_28 : i32 to index
        %get3A_98 = arith.constant 80 : index
        %get3A_99 = tpu.vector_load %arg9[%get3A_97, %get3A_98] {strides = array<i32>} : memref<128x128xf32, #tpu.memory_space<vmem>>, vector<1x16xf32>,
        %get3A_100 = vector.shape_cast %get3A_99 : vector<1x16xf32> to vector<16xf32>
        %get3A_101 = arith.index_cast %scan3A_28 : i32 to index
        %get3A_102 = arith.constant 80 : index
        %get3A_103 = tpu.vector_load %arg10[%get3A_101, %get3A_102] {strides = array<i32>} : memref<128x128xf32, #tpu.memory_space<vmem>>, vector<1x16xf32>,
        %get3A_104 = vector.shape_cast %get3A_103 : vector<1x16xf32> to vector<16xf32>
        %add3A_105 = arith.addf %get3A_100, %get3A_104 : vector<16xf32>
        %swap3A_106 = arith.index_cast %scan3A_28 : i32 to index
        %swap3A_107 = arith.constant 80 : index
        %swap3A_108 = tpu.vector_load %arg9[%swap3A_106, %swap3A_107] {strides = array<i32>} : memref<128x128xf32, #tpu.memory_space<vmem>>, vector<1x16xf32>,
        %swap3A_109 = vector.shape_cast %swap3A_108 : vector<1x16xf32> to vector<16xf32>
        %swap3A_110 = vector.shape_cast %add3A_105 : vector<16xf32> to vector<1x16xf32>
        tpu.vector_store %arg9[%swap3A_106, %swap3A_107], %swap3A_110 {strides = array<i32>} : memref<128x128xf32, #tpu.memory_space<vmem>>, vector<1x16xf32>,
        %get3A_111 = arith.index_cast %scan3A_28 : i32 to index
        %get3A_112 = arith.constant 96 : index
        %get3A_113 = tpu.vector_load %arg9[%get3A_111, %get3A_112] {strides = array<i32>} : memref<128x128xf32, #tpu.memory_space<vmem>>, vector<1x16xf32>,
        %get3A_114 = vector.shape_cast %get3A_113 : vector<1x16xf32> to vector<16xf32>
        %get3A_115 = arith.index_cast %scan3A_28 : i32 to index
        %get3A_116 = arith.constant 96 : index
        %get3A_117 = tpu.vector_load %arg10[%get3A_115, %get3A_116] {strides = array<i32>} : memref<128x128xf32, #tpu.memory_space<vmem>>, vector<1x16xf32>,
        %get3A_118 = vector.shape_cast %get3A_117 : vector<1x16xf32> to vector<16xf32>
        %add3A_119 = arith.addf %get3A_114, %get3A_118 : vector<16xf32>
        %swap3A_120 = arith.index_cast %scan3A_28 : i32 to index
        %swap3A_121 = arith.constant 96 : index
        %swap3A_122 = tpu.vector_load %arg9[%swap3A_120, %swap3A_121] {strides = array<i32>} : memref<128x128xf32, #tpu.memory_space<vmem>>, vector<1x16xf32>,
        %swap3A_123 = vector.shape_cast %swap3A_122 : vector<1x16xf32> to vector<16xf32>
        %swap3A_124 = vector.shape_cast %add3A_119 : vector<16xf32> to vector<1x16xf32>
        tpu.vector_store %arg9[%swap3A_120, %swap3A_121], %swap3A_124 {strides = array<i32>} : memref<128x128xf32, #tpu.memory_space<vmem>>, vector<1x16xf32>,
        %get3A_125 = arith.index_cast %scan3A_28 : i32 to index
        %get3A_126 = arith.constant 112 : index
        %get3A_127 = tpu.vector_load %arg9[%get3A_125, %get3A_126] {strides = array<i32>} : memref<128x128xf32, #tpu.memory_space<vmem>>, vector<1x16xf32>,
        %get3A_128 = vector.shape_cast %get3A_127 : vector<1x16xf32> to vector<16xf32>
        %get3A_129 = arith.index_cast %scan3A_28 : i32 to index
        %get3A_130 = arith.constant 112 : index
        %get3A_131 = tpu.vector_load %arg10[%get3A_129, %get3A_130] {strides = array<i32>} : memref<128x128xf32, #tpu.memory_space<vmem>>, vector<1x16xf32>,
        %get3A_132 = vector.shape_cast %get3A_131 : vector<1x16xf32> to vector<16xf32>
        %add3A_133 = arith.addf %get3A_128, %get3A_132 : vector<16xf32>
        %swap3A_134 = arith.index_cast %scan3A_28 : i32 to index
        %swap3A_135 = arith.constant 112 : index
        %swap3A_136 = tpu.vector_load %arg9[%swap3A_134, %swap3A_135] {strides = array<i32>} : memref<128x128xf32, #tpu.memory_space<vmem>>, vector<1x16xf32>,
        %swap3A_137 = vector.shape_cast %swap3A_136 : vector<1x16xf32> to vector<16xf32>
        %swap3A_138 = vector.shape_cast %add3A_133 : vector<16xf32> to vector<1x16xf32>
        tpu.vector_store %arg9[%swap3A_134, %swap3A_135], %swap3A_138 {strides = array<i32>} : memref<128x128xf32, #tpu.memory_space<vmem>>, vector<1x16xf32>,
      }
      %scan3A_27 = arith.constant 128 : i32
      "tpu.region"() ({
        %run_scoped3A = tpu.sem_alloc : memref<!tpu.dma_semaphore, #tpu.memory_space<semaphore_mem>>
        %dma_start3A_28 = arith.constant 0 : i32
        %dma_start3A_29 = tpu.memref_slice %arg6[%mul3A_11, %dma_start3A_28] : memref<163840x128xf32, #tpu.memory_space<hbm>> -> memref<128x128xf32, #tpu.memory_space<hbm>>
        %dma_start3A_30 = arith.constant 0 : i32
        %dma_start3A_31 = tpu.memref_slice %arg6[%mul3A_11, %dma_start3A_30] : memref<163840x128xf32, #tpu.memory_space<hbm>> -> memref<128x128xf32, #tpu.memory_space<hbm>>
        tpu.enqueue_dma source(%arg9 : memref<128x128xf32, #tpu.memory_space<vmem>>) target(%dma_start3A_31 : memref<128x128xf32, #tpu.memory_space<hbm>>) target_semaphore(%run_scoped3A : memref<!tpu.dma_semaphore, #tpu.memory_space<semaphore_mem>>)
        %dma_wait3A_32 = arith.constant 0 : i32
        %dma_wait3A_33 = tpu.memref_slice %arg6[%mul3A_11, %dma_wait3A_32] : memref<163840x128xf32, #tpu.memory_space<hbm>> -> memref<128x128xf32, #tpu.memory_space<hbm>>
        %dma_wait3A_34 = arith.constant 0 : i32
        %dma_wait3A_35 = tpu.memref_slice %arg6[%mul3A_11, %dma_wait3A_34] : memref<163840x128xf32, #tpu.memory_space<hbm>> -> memref<128x128xf32, #tpu.memory_space<hbm>>
        tpu.wait_dma2 semaphore(%run_scoped3A : memref<!tpu.dma_semaphore, #tpu.memory_space<semaphore_mem>>) src(%arg9 : memref<128x128xf32, #tpu.memory_space<vmem>>) dst(%dma_wait3A_35 : memref<128x128xf32, #tpu.memory_space<hbm>>)
        tpu.yield
      }) : () -> ()
    }
    %scan3A_5 = arith.constant 40 : i32
    return
  }
}

#map = affine_map<(d0, d1) -> (0, 0)>
#map1 = affine_map<(d0, d1) -> (0)>
module attributes {stable_mosaic.version = 14 : i64} {
  func.func @k(%arg0: i32, %arg1: i32, %arg2: memref<10000x128xf32, #tpu.memory_space<hbm>>, %arg3: memref<10000x128xf32, #tpu.memory_space<hbm>>, %arg4: memref<163840xi32, #tpu.memory_space<hbm>>, %arg5: memref<163840xi32, #tpu.memory_space<hbm>>, %arg6: memref<163840x128xf32, #tpu.memory_space<hbm>>, %arg7: memref<128xi32, #tpu.memory_space<vmem>>, %arg8: memref<128xi32, #tpu.memory_space<vmem>>, %arg9: memref<128x128xf32, #tpu.memory_space<vmem>>, %arg10: memref<128x128xf32, #tpu.memory_space<vmem>>, %arg11: memref<!tpu.dma_semaphore, #tpu.memory_space<semaphore_mem>>, %arg12: memref<!tpu.dma_semaphore, #tpu.memory_space<semaphore_mem>>) attributes {dimension_semantics = [#tpu.dimension_semantics<core_parallel>, #tpu.dimension_semantics<subcore_parallel>], iteration_bounds = array<i64: 2, 16>, scalar_prefetch = 0 : i64, scratch_operands = 6 : i64, tpu.core_type = #tpu.core_type<sc_vector_subcore>, window_params = [{transform_indices = #map}, {transform_indices = #map}, {transform_indices = #map1}, {transform_indices = #map1}, {transform_indices = #map}]} {
    %mul3A = arith.constant 2 : i32
    %mul3A_0 = arith.muli %arg1, %mul3A : i32
    %add3A = arith.addi %mul3A_0, %arg0 : i32
    %scan3A = arith.constant 0 : i32
    %scan3A_1 = arith.constant 0 : i32
    %scan3A_2 = arith.constant 40 : i32
    %scan3A_3 = arith.addi %scan3A_1, %scan3A_2 : i32
    %scan3A_4 = arith.constant 1 : i32
    scf.for %scan3A_6 = %scan3A_1 to %scan3A_3 step %scan3A_4  : i32 {
      %mul3A_7 = arith.constant 40 : i32
      %mul3A_8 = arith.muli %add3A, %mul3A_7 : i32
      %add3A_9 = arith.addi %mul3A_8, %scan3A_6 : i32
      %mul3A_10 = arith.constant 128 : i32
      %mul3A_11 = arith.muli %add3A_9, %mul3A_10 : i32
      "tpu.region"() ({
        %run_scoped3A = tpu.sem_alloc : memref<!tpu.dma_semaphore, #tpu.memory_space<semaphore_mem>>
        %dma_start3A_28 = tpu.memref_slice %arg5[%mul3A_11] : memref<163840xi32, #tpu.memory_space<hbm>> -> memref<128xi32, #tpu.memory_space<hbm>>
        %dma_start3A_29 = tpu.memref_slice %arg5[%mul3A_11] : memref<163840xi32, #tpu.memory_space<hbm>> -> memref<128xi32, #tpu.memory_space<hbm>>
        tpu.enqueue_dma source(%dma_start3A_29 : memref<128xi32, #tpu.memory_space<hbm>>) target(%arg7 : memref<128xi32, #tpu.memory_space<vmem>>) target_semaphore(%run_scoped3A : memref<!tpu.dma_semaphore, #tpu.memory_space<semaphore_mem>>)
        %dma_wait3A_30 = tpu.memref_slice %arg5[%mul3A_11] : memref<163840xi32, #tpu.memory_space<hbm>> -> memref<128xi32, #tpu.memory_space<hbm>>
        %dma_wait3A_31 = tpu.memref_slice %arg5[%mul3A_11] : memref<163840xi32, #tpu.memory_space<hbm>> -> memref<128xi32, #tpu.memory_space<hbm>>
        tpu.wait_dma2 semaphore(%run_scoped3A : memref<!tpu.dma_semaphore, #tpu.memory_space<semaphore_mem>>) src(%dma_wait3A_31 : memref<128xi32, #tpu.memory_space<hbm>>) dst(%arg7 : memref<128xi32, #tpu.memory_space<vmem>>)
        tpu.yield
      }) : () -> ()
      "tpu.region"() ({
        %run_scoped3A = tpu.sem_alloc : memref<!tpu.dma_semaphore, #tpu.memory_space<semaphore_mem>>
        %dma_start3A_28 = tpu.memref_slice %arg4[%mul3A_11] : memref<163840xi32, #tpu.memory_space<hbm>> -> memref<128xi32, #tpu.memory_space<hbm>>
        %dma_start3A_29 = tpu.memref_slice %arg4[%mul3A_11] : memref<163840xi32, #tpu.memory_space<hbm>> -> memref<128xi32, #tpu.memory_space<hbm>>
        tpu.enqueue_dma source(%dma_start3A_29 : memref<128xi32, #tpu.memory_space<hbm>>) target(%arg8 : memref<128xi32, #tpu.memory_space<vmem>>) target_semaphore(%run_scoped3A : memref<!tpu.dma_semaphore, #tpu.memory_space<semaphore_mem>>)
        %dma_wait3A_30 = tpu.memref_slice %arg4[%mul3A_11] : memref<163840xi32, #tpu.memory_space<hbm>> -> memref<128xi32, #tpu.memory_space<hbm>>
        %dma_wait3A_31 = tpu.memref_slice %arg4[%mul3A_11] : memref<163840xi32, #tpu.memory_space<hbm>> -> memref<128xi32, #tpu.memory_space<hbm>>
        tpu.wait_dma2 semaphore(%run_scoped3A : memref<!tpu.dma_semaphore, #tpu.memory_space<semaphore_mem>>) src(%dma_wait3A_31 : memref<128xi32, #tpu.memory_space<hbm>>) dst(%arg8 : memref<128xi32, #tpu.memory_space<vmem>>)
        tpu.yield
      }) : () -> ()
      %dma_start3A = arith.constant 0 : i32
      %dma_start3A_12 = arith.constant 0 : i32
      %dma_start3A_13 = tpu.memref_slice %arg2[%dma_start3A, %dma_start3A_12] : memref<10000x128xf32, #tpu.memory_space<hbm>> -> memref<10000x128xf32, #tpu.memory_space<hbm>>
      tpu.enqueue_indirect_dma source(%dma_start3A_13 : memref<10000x128xf32, #tpu.memory_space<hbm>>) target(%arg9 : memref<128x128xf32, #tpu.memory_space<vmem>>) offsets(%arg7 : memref<128xi32, #tpu.memory_space<vmem>>) semaphore(%arg11 : memref<!tpu.dma_semaphore, #tpu.memory_space<semaphore_mem>>)
      %dma_start3A_14 = arith.constant 0 : i32
      %dma_start3A_15 = arith.constant 0 : i32
      %dma_start3A_16 = tpu.memref_slice %arg3[%dma_start3A_14, %dma_start3A_15] : memref<10000x128xf32, #tpu.memory_space<hbm>> -> memref<10000x128xf32, #tpu.memory_space<hbm>>
      tpu.enqueue_indirect_dma source(%dma_start3A_16 : memref<10000x128xf32, #tpu.memory_space<hbm>>) target(%arg10 : memref<128x128xf32, #tpu.memory_space<vmem>>) offsets(%arg8 : memref<128xi32, #tpu.memory_space<vmem>>) semaphore(%arg12 : memref<!tpu.dma_semaphore, #tpu.memory_space<semaphore_mem>>)
      %dma_wait3A = arith.constant 0 : i32
      %dma_wait3A_17 = arith.constant 0 : i32
      %dma_wait3A_18 = tpu.memref_slice %arg2[%dma_wait3A, %dma_wait3A_17] : memref<10000x128xf32, #tpu.memory_space<hbm>> -> memref<10000x128xf32, #tpu.memory_space<hbm>>
      tpu.wait_indirect_dma semaphore(%arg11 : memref<!tpu.dma_semaphore, #tpu.memory_space<semaphore_mem>>) src(%dma_wait3A_18 : memref<10000x128xf32, #tpu.memory_space<hbm>>) dst(%arg9 : memref<128x128xf32, #tpu.memory_space<vmem>>)
      %dma_wait3A_19 = arith.constant 0 : i32
      %dma_wait3A_20 = arith.constant 0 : i32
      %dma_wait3A_21 = tpu.memref_slice %arg3[%dma_wait3A_19, %dma_wait3A_20] : memref<10000x128xf32, #tpu.memory_space<hbm>> -> memref<10000x128xf32, #tpu.memory_space<hbm>>
      tpu.wait_indirect_dma semaphore(%arg12 : memref<!tpu.dma_semaphore, #tpu.memory_space<semaphore_mem>>) src(%dma_wait3A_21 : memref<10000x128xf32, #tpu.memory_space<hbm>>) dst(%arg10 : memref<128x128xf32, #tpu.memory_space<vmem>>)
      %scan3A_22 = arith.constant 0 : i32
      %scan3A_23 = arith.constant 0 : i32
      %scan3A_24 = arith.constant 128 : i32
      %scan3A_25 = arith.addi %scan3A_23, %scan3A_24 : i32
      %scan3A_26 = arith.constant 1 : i32
      scf.for %scan3A_28 = %scan3A_23 to %scan3A_25 step %scan3A_26  : i32 {
        %get3A = arith.index_cast %scan3A_28 : i32 to index
        %get3A_29 = arith.constant 0 : index
        %get3A_30 = tpu.vector_load %arg9[%get3A, %get3A_29] {strides = array<i32>} : memref<128x128xf32, #tpu.memory_space<vmem>>, vector<1x16xf32>,
        %get3A_31 = vector.shape_cast %get3A_30 : vector<1x16xf32> to vector<16xf32>
        %get3A_32 = arith.index_cast %scan3A_28 : i32 to index
        %get3A_33 = arith.constant 0 : index
        %get3A_34 = tpu.vector_load %arg10[%get3A_32, %get3A_33] {strides = array<i32>} : memref<128x128xf32, #tpu.memory_space<vmem>>, vector<1x16xf32>,
        %get3A_35 = vector.shape_cast %get3A_34 : vector<1x16xf32> to vector<16xf32>
        %add3A_36 = arith.addf %get3A_31, %get3A_35 : vector<16xf32>
        %swap3A = arith.index_cast %scan3A_28 : i32 to index
        %swap3A_37 = arith.constant 0 : index
        %swap3A_38 = tpu.vector_load %arg9[%swap3A, %swap3A_37] {strides = array<i32>} : memref<128x128xf32, #tpu.memory_space<vmem>>, vector<1x16xf32>,
        %swap3A_39 = vector.shape_cast %swap3A_38 : vector<1x16xf32> to vector<16xf32>
        %swap3A_40 = vector.shape_cast %add3A_36 : vector<16xf32> to vector<1x16xf32>
        tpu.vector_store %arg9[%swap3A, %swap3A_37], %swap3A_40 {strides = array<i32>} : memref<128x128xf32, #tpu.memory_space<vmem>>, vector<1x16xf32>,
        %get3A_41 = arith.index_cast %scan3A_28 : i32 to index
        %get3A_42 = arith.constant 16 : index
        %get3A_43 = tpu.vector_load %arg9[%get3A_41, %get3A_42] {strides = array<i32>} : memref<128x128xf32, #tpu.memory_space<vmem>>, vector<1x16xf32>,
        %get3A_44 = vector.shape_cast %get3A_43 : vector<1x16xf32> to vector<16xf32>
        %get3A_45 = arith.index_cast %scan3A_28 : i32 to index
        %get3A_46 = arith.constant 16 : index
        %get3A_47 = tpu.vector_load %arg10[%get3A_45, %get3A_46] {strides = array<i32>} : memref<128x128xf32, #tpu.memory_space<vmem>>, vector<1x16xf32>,
        %get3A_48 = vector.shape_cast %get3A_47 : vector<1x16xf32> to vector<16xf32>
        %add3A_49 = arith.addf %get3A_44, %get3A_48 : vector<16xf32>
        %swap3A_50 = arith.index_cast %scan3A_28 : i32 to index
        %swap3A_51 = arith.constant 16 : index
        %swap3A_52 = tpu.vector_load %arg9[%swap3A_50, %swap3A_51] {strides = array<i32>} : memref<128x128xf32, #tpu.memory_space<vmem>>, vector<1x16xf32>,
        %swap3A_53 = vector.shape_cast %swap3A_52 : vector<1x16xf32> to vector<16xf32>
        %swap3A_54 = vector.shape_cast %add3A_49 : vector<16xf32> to vector<1x16xf32>
        tpu.vector_store %arg9[%swap3A_50, %swap3A_51], %swap3A_54 {strides = array<i32>} : memref<128x128xf32, #tpu.memory_space<vmem>>, vector<1x16xf32>,
        %get3A_55 = arith.index_cast %scan3A_28 : i32 to index
        %get3A_56 = arith.constant 32 : index
        %get3A_57 = tpu.vector_load %arg9[%get3A_55, %get3A_56] {strides = array<i32>} : memref<128x128xf32, #tpu.memory_space<vmem>>, vector<1x16xf32>,
        %get3A_58 = vector.shape_cast %get3A_57 : vector<1x16xf32> to vector<16xf32>
        %get3A_59 = arith.index_cast %scan3A_28 : i32 to index
        %get3A_60 = arith.constant 32 : index
        %get3A_61 = tpu.vector_load %arg10[%get3A_59, %get3A_60] {strides = array<i32>} : memref<128x128xf32, #tpu.memory_space<vmem>>, vector<1x16xf32>,
        %get3A_62 = vector.shape_cast %get3A_61 : vector<1x16xf32> to vector<16xf32>
        %add3A_63 = arith.addf %get3A_58, %get3A_62 : vector<16xf32>
        %swap3A_64 = arith.index_cast %scan3A_28 : i32 to index
        %swap3A_65 = arith.constant 32 : index
        %swap3A_66 = tpu.vector_load %arg9[%swap3A_64, %swap3A_65] {strides = array<i32>} : memref<128x128xf32, #tpu.memory_space<vmem>>, vector<1x16xf32>,
        %swap3A_67 = vector.shape_cast %swap3A_66 : vector<1x16xf32> to vector<16xf32>
        %swap3A_68 = vector.shape_cast %add3A_63 : vector<16xf32> to vector<1x16xf32>
        tpu.vector_store %arg9[%swap3A_64, %swap3A_65], %swap3A_68 {strides = array<i32>} : memref<128x128xf32, #tpu.memory_space<vmem>>, vector<1x16xf32>,
        %get3A_69 = arith.index_cast %scan3A_28 : i32 to index
        %get3A_70 = arith.constant 48 : index
        %get3A_71 = tpu.vector_load %arg9[%get3A_69, %get3A_70] {strides = array<i32>} : memref<128x128xf32, #tpu.memory_space<vmem>>, vector<1x16xf32>,
        %get3A_72 = vector.shape_cast %get3A_71 : vector<1x16xf32> to vector<16xf32>
        %get3A_73 = arith.index_cast %scan3A_28 : i32 to index
        %get3A_74 = arith.constant 48 : index
        %get3A_75 = tpu.vector_load %arg10[%get3A_73, %get3A_74] {strides = array<i32>} : memref<128x128xf32, #tpu.memory_space<vmem>>, vector<1x16xf32>,
        %get3A_76 = vector.shape_cast %get3A_75 : vector<1x16xf32> to vector<16xf32>
        %add3A_77 = arith.addf %get3A_72, %get3A_76 : vector<16xf32>
        %swap3A_78 = arith.index_cast %scan3A_28 : i32 to index
        %swap3A_79 = arith.constant 48 : index
        %swap3A_80 = tpu.vector_load %arg9[%swap3A_78, %swap3A_79] {strides = array<i32>} : memref<128x128xf32, #tpu.memory_space<vmem>>, vector<1x16xf32>,
        %swap3A_81 = vector.shape_cast %swap3A_80 : vector<1x16xf32> to vector<16xf32>
        %swap3A_82 = vector.shape_cast %add3A_77 : vector<16xf32> to vector<1x16xf32>
        tpu.vector_store %arg9[%swap3A_78, %swap3A_79], %swap3A_82 {strides = array<i32>} : memref<128x128xf32, #tpu.memory_space<vmem>>, vector<1x16xf32>,
        %get3A_83 = arith.index_cast %scan3A_28 : i32 to index
        %get3A_84 = arith.constant 64 : index
        %get3A_85 = tpu.vector_load %arg9[%get3A_83, %get3A_84] {strides = array<i32>} : memref<128x128xf32, #tpu.memory_space<vmem>>, vector<1x16xf32>,
        %get3A_86 = vector.shape_cast %get3A_85 : vector<1x16xf32> to vector<16xf32>
        %get3A_87 = arith.index_cast %scan3A_28 : i32 to index
        %get3A_88 = arith.constant 64 : index
        %get3A_89 = tpu.vector_load %arg10[%get3A_87, %get3A_88] {strides = array<i32>} : memref<128x128xf32, #tpu.memory_space<vmem>>, vector<1x16xf32>,
        %get3A_90 = vector.shape_cast %get3A_89 : vector<1x16xf32> to vector<16xf32>
        %add3A_91 = arith.addf %get3A_86, %get3A_90 : vector<16xf32>
        %swap3A_92 = arith.index_cast %scan3A_28 : i32 to index
        %swap3A_93 = arith.constant 64 : index
        %swap3A_94 = tpu.vector_load %arg9[%swap3A_92, %swap3A_93] {strides = array<i32>} : memref<128x128xf32, #tpu.memory_space<vmem>>, vector<1x16xf32>,
        %swap3A_95 = vector.shape_cast %swap3A_94 : vector<1x16xf32> to vector<16xf32>
        %swap3A_96 = vector.shape_cast %add3A_91 : vector<16xf32> to vector<1x16xf32>
        tpu.vector_store %arg9[%swap3A_92, %swap3A_93], %swap3A_96 {strides = array<i32>} : memref<128x128xf32, #tpu.memory_space<vmem>>, vector<1x16xf32>,
        %get3A_97 = arith.index_cast %scan3A_28 : i32 to index
        %get3A_98 = arith.constant 80 : index
        %get3A_99 = tpu.vector_load %arg9[%get3A_97, %get3A_98] {strides = array<i32>} : memref<128x128xf32, #tpu.memory_space<vmem>>, vector<1x16xf32>,
        %get3A_100 = vector.shape_cast %get3A_99 : vector<1x16xf32> to vector<16xf32>
        %get3A_101 = arith.index_cast %scan3A_28 : i32 to index
        %get3A_102 = arith.constant 80 : index
        %get3A_103 = tpu.vector_load %arg10[%get3A_101, %get3A_102] {strides = array<i32>} : memref<128x128xf32, #tpu.memory_space<vmem>>, vector<1x16xf32>,
        %get3A_104 = vector.shape_cast %get3A_103 : vector<1x16xf32> to vector<16xf32>
        %add3A_105 = arith.addf %get3A_100, %get3A_104 : vector<16xf32>
        %swap3A_106 = arith.index_cast %scan3A_28 : i32 to index
        %swap3A_107 = arith.constant 80 : index
        %swap3A_108 = tpu.vector_load %arg9[%swap3A_106, %swap3A_107] {strides = array<i32>} : memref<128x128xf32, #tpu.memory_space<vmem>>, vector<1x16xf32>,
        %swap3A_109 = vector.shape_cast %swap3A_108 : vector<1x16xf32> to vector<16xf32>
        %swap3A_110 = vector.shape_cast %add3A_105 : vector<16xf32> to vector<1x16xf32>
        tpu.vector_store %arg9[%swap3A_106, %swap3A_107], %swap3A_110 {strides = array<i32>} : memref<128x128xf32, #tpu.memory_space<vmem>>, vector<1x16xf32>,
        %get3A_111 = arith.index_cast %scan3A_28 : i32 to index
        %get3A_112 = arith.constant 96 : index
        %get3A_113 = tpu.vector_load %arg9[%get3A_111, %get3A_112] {strides = array<i32>} : memref<128x128xf32, #tpu.memory_space<vmem>>, vector<1x16xf32>,
        %get3A_114 = vector.shape_cast %get3A_113 : vector<1x16xf32> to vector<16xf32>
        %get3A_115 = arith.index_cast %scan3A_28 : i32 to index
        %get3A_116 = arith.constant 96 : index
        %get3A_117 = tpu.vector_load %arg10[%get3A_115, %get3A_116] {strides = array<i32>} : memref<128x128xf32, #tpu.memory_space<vmem>>, vector<1x16xf32>,
        %get3A_118 = vector.shape_cast %get3A_117 : vector<1x16xf32> to vector<16xf32>
        %add3A_119 = arith.addf %get3A_114, %get3A_118 : vector<16xf32>
        %swap3A_120 = arith.index_cast %scan3A_28 : i32 to index
        %swap3A_121 = arith.constant 96 : index
        %swap3A_122 = tpu.vector_load %arg9[%swap3A_120, %swap3A_121] {strides = array<i32>} : memref<128x128xf32, #tpu.memory_space<vmem>>, vector<1x16xf32>,
        %swap3A_123 = vector.shape_cast %swap3A_122 : vector<1x16xf32> to vector<16xf32>
        %swap3A_124 = vector.shape_cast %add3A_119 : vector<16xf32> to vector<1x16xf32>
        tpu.vector_store %arg9[%swap3A_120, %swap3A_121], %swap3A_124 {strides = array<i32>} : memref<128x128xf32, #tpu.memory_space<vmem>>, vector<1x16xf32>,
        %get3A_125 = arith.index_cast %scan3A_28 : i32 to index
        %get3A_126 = arith.constant 112 : index
        %get3A_127 = tpu.vector_load %arg9[%get3A_125, %get3A_126] {strides = array<i32>} : memref<128x128xf32, #tpu.memory_space<vmem>>, vector<1x16xf32>,
        %get3A_128 = vector.shape_cast %get3A_127 : vector<1x16xf32> to vector<16xf32>
        %get3A_129 = arith.index_cast %scan3A_28 : i32 to index
        %get3A_130 = arith.constant 112 : index
        %get3A_131 = tpu.vector_load %arg10[%get3A_129, %get3A_130] {strides = array<i32>} : memref<128x128xf32, #tpu.memory_space<vmem>>, vector<1x16xf32>,
        %get3A_132 = vector.shape_cast %get3A_131 : vector<1x16xf32> to vector<16xf32>
        %add3A_133 = arith.addf %get3A_128, %get3A_132 : vector<16xf32>
        %swap3A_134 = arith.index_cast %scan3A_28 : i32 to index
        %swap3A_135 = arith.constant 112 : index
        %swap3A_136 = tpu.vector_load %arg9[%swap3A_134, %swap3A_135] {strides = array<i32>} : memref<128x128xf32, #tpu.memory_space<vmem>>, vector<1x16xf32>,
        %swap3A_137 = vector.shape_cast %swap3A_136 : vector<1x16xf32> to vector<16xf32>
        %swap3A_138 = vector.shape_cast %add3A_133 : vector<16xf32> to vector<1x16xf32>
        tpu.vector_store %arg9[%swap3A_134, %swap3A_135], %swap3A_138 {strides = array<i32>} : memref<128x128xf32, #tpu.memory_space<vmem>>, vector<1x16xf32>,
      }
      %scan3A_27 = arith.constant 128 : i32
      "tpu.region"() ({
        %run_scoped3A = tpu.sem_alloc : memref<!tpu.dma_semaphore, #tpu.memory_space<semaphore_mem>>
        %dma_start3A_28 = arith.constant 0 : i32
        %dma_start3A_29 = tpu.memref_slice %arg6[%mul3A_11, %dma_start3A_28] : memref<163840x128xf32, #tpu.memory_space<hbm>> -> memref<128x128xf32, #tpu.memory_space<hbm>>
        %dma_start3A_30 = arith.constant 0 : i32
        %dma_start3A_31 = tpu.memref_slice %arg6[%mul3A_11, %dma_start3A_30] : memref<163840x128xf32, #tpu.memory_space<hbm>> -> memref<128x128xf32, #tpu.memory_space<hbm>>
        tpu.enqueue_dma source(%arg9 : memref<128x128xf32, #tpu.memory_space<vmem>>) target(%dma_start3A_31 : memref<128x128xf32, #tpu.memory_space<hbm>>) target_semaphore(%run_scoped3A : memref<!tpu.dma_semaphore, #tpu.memory_space<semaphore_mem>>)
        %dma_wait3A_32 = arith.constant 0 : i32
        %dma_wait3A_33 = tpu.memref_slice %arg6[%mul3A_11, %dma_wait3A_32] : memref<163840x128xf32, #tpu.memory_space<hbm>> -> memref<128x128xf32, #tpu.memory_space<hbm>>
        %dma_wait3A_34 = arith.constant 0 : i32
        %dma_wait3A_35 = tpu.memref_slice %arg6[%mul3A_11, %dma_wait3A_34] : memref<163840x128xf32, #tpu.memory_space<hbm>> -> memref<128x128xf32, #tpu.memory_space<hbm>>
        tpu.wait_dma2 semaphore(%run_scoped3A : memref<!tpu.dma_semaphore, #tpu.memory_space<semaphore_mem>>) src(%arg9 : memref<128x128xf32, #tpu.memory_space<vmem>>) dst(%dma_wait3A_35 : memref<128x128xf32, #tpu.memory_space<hbm>>)
        tpu.yield
      }) : () -> ()
    }
    %scan3A_5 = arith.constant 40 : i32
    return
  }
}

#map = affine_map<(d0, d1) -> (0, 0)>
#map1 = affine_map<(d0, d1) -> (0)>
#map2 = affine_map<(d0, d1) -> (0, 0, 0)>
module attributes {stable_mosaic.version = 14 : i64} {
  func.func @k(%arg0: i32, %arg1: i32, %arg2: memref<163840x128xf32, #tpu.memory_space<hbm>>, %arg3: memref<163840xi32, #tpu.memory_space<hbm>>, %arg4: memref<163840x128xf32, #tpu.memory_space<hbm>>, %arg5: memref<163840xi32, #tpu.memory_space<hbm>>, %arg6: memref<2x10240x128xf32, #tpu.memory_space<hbm>>, %arg7: memref<2x10240x128xf32, #tpu.memory_space<hbm>>, %arg8: memref<2x10240x128xf32, #tpu.memory_space<hbm>>, %arg9: memref<2x10240x128xf32, #tpu.memory_space<hbm>>, %arg10: memref<128xi32, #tpu.memory_space<vmem>>, %arg11: memref<128x128xf32, #tpu.memory_space<vmem>>, %arg12: memref<128x128xf32, #tpu.memory_space<vmem>>, %arg13: memref<10240x128xf32, #tpu.memory_space<vmem_shared>>) attributes {dimension_semantics = [#tpu.dimension_semantics<core_parallel>, #tpu.dimension_semantics<subcore_parallel>], iteration_bounds = array<i64: 2, 16>, scalar_prefetch = 0 : i64, scratch_operands = 4 : i64, tpu.core_type = #tpu.core_type<sc_vector_subcore>, window_params = [{transform_indices = #map}, {transform_indices = #map1}, {transform_indices = #map}, {transform_indices = #map1}, {transform_indices = #map2}, {transform_indices = #map2}, {transform_indices = #map2}, {transform_indices = #map2}]} {
    %mul3A = arith.constant 2 : i32
    %mul3A_0 = arith.muli %arg1, %mul3A : i32
    %add3A = arith.addi %mul3A_0, %arg0 : i32
    %scan3A = arith.constant 0 : i32
    %scan3A_1 = arith.constant 0 : i32
    %scan3A_2 = arith.constant 128 : i32
    %scan3A_3 = arith.addi %scan3A_1, %scan3A_2 : i32
    %scan3A_4 = arith.constant 1 : i32
    scf.for %scan3A_115 = %scan3A_1 to %scan3A_3 step %scan3A_4  : i32 {
      %broadcast_in_dim3A = arith.constant 0.000000e+00 : f32
      %broadcast_in_dim3A_116 = vector.broadcast %broadcast_in_dim3A : f32 to vector<16xf32>
      %swap3A = arith.index_cast %scan3A_115 : i32 to index
      %swap3A_117 = arith.constant 0 : index
      %swap3A_118 = tpu.vector_load %arg12[%swap3A, %swap3A_117] {strides = array<i32>} : memref<128x128xf32, #tpu.memory_space<vmem>>, vector<1x16xf32>,
      %swap3A_119 = vector.shape_cast %swap3A_118 : vector<1x16xf32> to vector<16xf32>
      %swap3A_120 = vector.shape_cast %broadcast_in_dim3A_116 : vector<16xf32> to vector<1x16xf32>
      tpu.vector_store %arg12[%swap3A, %swap3A_117], %swap3A_120 {strides = array<i32>} : memref<128x128xf32, #tpu.memory_space<vmem>>, vector<1x16xf32>,
      %broadcast_in_dim3A_121 = arith.constant 0.000000e+00 : f32
      %broadcast_in_dim3A_122 = vector.broadcast %broadcast_in_dim3A_121 : f32 to vector<16xf32>
      %swap3A_123 = arith.index_cast %scan3A_115 : i32 to index
      %swap3A_124 = arith.constant 16 : index
      %swap3A_125 = tpu.vector_load %arg12[%swap3A_123, %swap3A_124] {strides = array<i32>} : memref<128x128xf32, #tpu.memory_space<vmem>>, vector<1x16xf32>,
      %swap3A_126 = vector.shape_cast %swap3A_125 : vector<1x16xf32> to vector<16xf32>
      %swap3A_127 = vector.shape_cast %broadcast_in_dim3A_122 : vector<16xf32> to vector<1x16xf32>
      tpu.vector_store %arg12[%swap3A_123, %swap3A_124], %swap3A_127 {strides = array<i32>} : memref<128x128xf32, #tpu.memory_space<vmem>>, vector<1x16xf32>,
      %broadcast_in_dim3A_128 = arith.constant 0.000000e+00 : f32
      %broadcast_in_dim3A_129 = vector.broadcast %broadcast_in_dim3A_128 : f32 to vector<16xf32>
      %swap3A_130 = arith.index_cast %scan3A_115 : i32 to index
      %swap3A_131 = arith.constant 32 : index
      %swap3A_132 = tpu.vector_load %arg12[%swap3A_130, %swap3A_131] {strides = array<i32>} : memref<128x128xf32, #tpu.memory_space<vmem>>, vector<1x16xf32>,
      %swap3A_133 = vector.shape_cast %swap3A_132 : vector<1x16xf32> to vector<16xf32>
      %swap3A_134 = vector.shape_cast %broadcast_in_dim3A_129 : vector<16xf32> to vector<1x16xf32>
      tpu.vector_store %arg12[%swap3A_130, %swap3A_131], %swap3A_134 {strides = array<i32>} : memref<128x128xf32, #tpu.memory_space<vmem>>, vector<1x16xf32>,
      %broadcast_in_dim3A_135 = arith.constant 0.000000e+00 : f32
      %broadcast_in_dim3A_136 = vector.broadcast %broadcast_in_dim3A_135 : f32 to vector<16xf32>
      %swap3A_137 = arith.index_cast %scan3A_115 : i32 to index
      %swap3A_138 = arith.constant 48 : index
      %swap3A_139 = tpu.vector_load %arg12[%swap3A_137, %swap3A_138] {strides = array<i32>} : memref<128x128xf32, #tpu.memory_space<vmem>>, vector<1x16xf32>,
      %swap3A_140 = vector.shape_cast %swap3A_139 : vector<1x16xf32> to vector<16xf32>
      %swap3A_141 = vector.shape_cast %broadcast_in_dim3A_136 : vector<16xf32> to vector<1x16xf32>
      tpu.vector_store %arg12[%swap3A_137, %swap3A_138], %swap3A_141 {strides = array<i32>} : memref<128x128xf32, #tpu.memory_space<vmem>>, vector<1x16xf32>,
      %broadcast_in_dim3A_142 = arith.constant 0.000000e+00 : f32
      %broadcast_in_dim3A_143 = vector.broadcast %broadcast_in_dim3A_142 : f32 to vector<16xf32>
      %swap3A_144 = arith.index_cast %scan3A_115 : i32 to index
      %swap3A_145 = arith.constant 64 : index
      %swap3A_146 = tpu.vector_load %arg12[%swap3A_144, %swap3A_145] {strides = array<i32>} : memref<128x128xf32, #tpu.memory_space<vmem>>, vector<1x16xf32>,
      %swap3A_147 = vector.shape_cast %swap3A_146 : vector<1x16xf32> to vector<16xf32>
      %swap3A_148 = vector.shape_cast %broadcast_in_dim3A_143 : vector<16xf32> to vector<1x16xf32>
      tpu.vector_store %arg12[%swap3A_144, %swap3A_145], %swap3A_148 {strides = array<i32>} : memref<128x128xf32, #tpu.memory_space<vmem>>, vector<1x16xf32>,
      %broadcast_in_dim3A_149 = arith.constant 0.000000e+00 : f32
      %broadcast_in_dim3A_150 = vector.broadcast %broadcast_in_dim3A_149 : f32 to vector<16xf32>
      %swap3A_151 = arith.index_cast %scan3A_115 : i32 to index
      %swap3A_152 = arith.constant 80 : index
      %swap3A_153 = tpu.vector_load %arg12[%swap3A_151, %swap3A_152] {strides = array<i32>} : memref<128x128xf32, #tpu.memory_space<vmem>>, vector<1x16xf32>,
      %swap3A_154 = vector.shape_cast %swap3A_153 : vector<1x16xf32> to vector<16xf32>
      %swap3A_155 = vector.shape_cast %broadcast_in_dim3A_150 : vector<16xf32> to vector<1x16xf32>
      tpu.vector_store %arg12[%swap3A_151, %swap3A_152], %swap3A_155 {strides = array<i32>} : memref<128x128xf32, #tpu.memory_space<vmem>>, vector<1x16xf32>,
      %broadcast_in_dim3A_156 = arith.constant 0.000000e+00 : f32
      %broadcast_in_dim3A_157 = vector.broadcast %broadcast_in_dim3A_156 : f32 to vector<16xf32>
      %swap3A_158 = arith.index_cast %scan3A_115 : i32 to index
      %swap3A_159 = arith.constant 96 : index
      %swap3A_160 = tpu.vector_load %arg12[%swap3A_158, %swap3A_159] {strides = array<i32>} : memref<128x128xf32, #tpu.memory_space<vmem>>, vector<1x16xf32>,
      %swap3A_161 = vector.shape_cast %swap3A_160 : vector<1x16xf32> to vector<16xf32>
      %swap3A_162 = vector.shape_cast %broadcast_in_dim3A_157 : vector<16xf32> to vector<1x16xf32>
      tpu.vector_store %arg12[%swap3A_158, %swap3A_159], %swap3A_162 {strides = array<i32>} : memref<128x128xf32, #tpu.memory_space<vmem>>, vector<1x16xf32>,
      %broadcast_in_dim3A_163 = arith.constant 0.000000e+00 : f32
      %broadcast_in_dim3A_164 = vector.broadcast %broadcast_in_dim3A_163 : f32 to vector<16xf32>
      %swap3A_165 = arith.index_cast %scan3A_115 : i32 to index
      %swap3A_166 = arith.constant 112 : index
      %swap3A_167 = tpu.vector_load %arg12[%swap3A_165, %swap3A_166] {strides = array<i32>} : memref<128x128xf32, #tpu.memory_space<vmem>>, vector<1x16xf32>,
      %swap3A_168 = vector.shape_cast %swap3A_167 : vector<1x16xf32> to vector<16xf32>
      %swap3A_169 = vector.shape_cast %broadcast_in_dim3A_164 : vector<16xf32> to vector<1x16xf32>
      tpu.vector_store %arg12[%swap3A_165, %swap3A_166], %swap3A_169 {strides = array<i32>} : memref<128x128xf32, #tpu.memory_space<vmem>>, vector<1x16xf32>,
    }
    %scan3A_5 = arith.constant 128 : i32
    %scan3A_6 = arith.constant 0 : i32
    %scan3A_7 = arith.constant 0 : i32
    %scan3A_8 = arith.constant 5 : i32
    %scan3A_9 = arith.addi %scan3A_7, %scan3A_8 : i32
    %scan3A_10 = arith.constant 1 : i32
    scf.for %scan3A_115 = %scan3A_7 to %scan3A_9 step %scan3A_10  : i32 {
      %mul3A_116 = arith.constant 640 : i32
      %mul3A_117 = arith.muli %arg1, %mul3A_116 : i32
      %mul3A_118 = arith.constant 128 : i32
      %mul3A_119 = arith.muli %scan3A_115, %mul3A_118 : i32
      %add3A_120 = arith.addi %mul3A_117, %mul3A_119 : i32
      "tpu.region"() ({
        %run_scoped3A = tpu.sem_alloc : memref<!tpu.dma_semaphore, #tpu.memory_space<semaphore_mem>>
        %dma_start3A = arith.constant 0 : i32
        %dma_start3A_121 = tpu.memref_slice %arg13[%add3A_120, %dma_start3A] : memref<10240x128xf32, #tpu.memory_space<vmem_shared>> -> memref<128x128xf32, #tpu.memory_space<vmem_shared>>
        %dma_start3A_122 = arith.constant 0 : i32
        %dma_start3A_123 = tpu.memref_slice %arg13[%add3A_120, %dma_start3A_122] : memref<10240x128xf32, #tpu.memory_space<vmem_shared>> -> memref<128x128xf32, #tpu.memory_space<vmem_shared>>
        tpu.enqueue_dma source(%arg12 : memref<128x128xf32, #tpu.memory_space<vmem>>) target(%dma_start3A_123 : memref<128x128xf32, #tpu.memory_space<vmem_shared>>) target_semaphore(%run_scoped3A : memref<!tpu.dma_semaphore, #tpu.memory_space<semaphore_mem>>)
        %dma_wait3A = arith.constant 0 : i32
        %dma_wait3A_124 = tpu.memref_slice %arg13[%add3A_120, %dma_wait3A] : memref<10240x128xf32, #tpu.memory_space<vmem_shared>> -> memref<128x128xf32, #tpu.memory_space<vmem_shared>>
        %dma_wait3A_125 = arith.constant 0 : i32
        %dma_wait3A_126 = tpu.memref_slice %arg13[%add3A_120, %dma_wait3A_125] : memref<10240x128xf32, #tpu.memory_space<vmem_shared>> -> memref<128x128xf32, #tpu.memory_space<vmem_shared>>
        tpu.wait_dma2 semaphore(%run_scoped3A : memref<!tpu.dma_semaphore, #tpu.memory_space<semaphore_mem>>) src(%arg12 : memref<128x128xf32, #tpu.memory_space<vmem>>) dst(%dma_wait3A_126 : memref<128x128xf32, #tpu.memory_space<vmem_shared>>)
        tpu.yield
      }) : () -> ()
    }
    %scan3A_11 = arith.constant 5 : i32
    %barrier3A = arith.constant 0 : index
    tpu.barrier barrier_id(%barrier3A)
    %scan3A_12 = arith.constant 0 : i32
    %scan3A_13 = arith.constant 0 : i32
    %scan3A_14 = arith.constant 40 : i32
    %scan3A_15 = arith.addi %scan3A_13, %scan3A_14 : i32
    %scan3A_16 = arith.constant 1 : i32
    scf.for %scan3A_115 = %scan3A_13 to %scan3A_15 step %scan3A_16  : i32 {
      %mul3A_116 = arith.constant 40 : i32
      %mul3A_117 = arith.muli %add3A, %mul3A_116 : i32
      %add3A_118 = arith.addi %mul3A_117, %scan3A_115 : i32
      %mul3A_119 = arith.constant 128 : i32
      %mul3A_120 = arith.muli %add3A_118, %mul3A_119 : i32
      "tpu.region"() ({
        %run_scoped3A = tpu.sem_alloc : memref<!tpu.dma_semaphore, #tpu.memory_space<semaphore_mem>>
        %dma_start3A = tpu.memref_slice %arg3[%mul3A_120] : memref<163840xi32, #tpu.memory_space<hbm>> -> memref<128xi32, #tpu.memory_space<hbm>>
        %dma_start3A_121 = tpu.memref_slice %arg3[%mul3A_120] : memref<163840xi32, #tpu.memory_space<hbm>> -> memref<128xi32, #tpu.memory_space<hbm>>
        tpu.enqueue_dma source(%dma_start3A_121 : memref<128xi32, #tpu.memory_space<hbm>>) target(%arg10 : memref<128xi32, #tpu.memory_space<vmem>>) target_semaphore(%run_scoped3A : memref<!tpu.dma_semaphore, #tpu.memory_space<semaphore_mem>>)
        %dma_wait3A = tpu.memref_slice %arg3[%mul3A_120] : memref<163840xi32, #tpu.memory_space<hbm>> -> memref<128xi32, #tpu.memory_space<hbm>>
        %dma_wait3A_122 = tpu.memref_slice %arg3[%mul3A_120] : memref<163840xi32, #tpu.memory_space<hbm>> -> memref<128xi32, #tpu.memory_space<hbm>>
        tpu.wait_dma2 semaphore(%run_scoped3A : memref<!tpu.dma_semaphore, #tpu.memory_space<semaphore_mem>>) src(%dma_wait3A_122 : memref<128xi32, #tpu.memory_space<hbm>>) dst(%arg10 : memref<128xi32, #tpu.memory_space<vmem>>)
        tpu.yield
      }) : () -> ()
      "tpu.region"() ({
        %run_scoped3A = tpu.sem_alloc : memref<!tpu.dma_semaphore, #tpu.memory_space<semaphore_mem>>
        %dma_start3A = arith.constant 0 : i32
        %dma_start3A_121 = tpu.memref_slice %arg2[%mul3A_120, %dma_start3A] : memref<163840x128xf32, #tpu.memory_space<hbm>> -> memref<128x128xf32, #tpu.memory_space<hbm>>
        %dma_start3A_122 = arith.constant 0 : i32
        %dma_start3A_123 = tpu.memref_slice %arg2[%mul3A_120, %dma_start3A_122] : memref<163840x128xf32, #tpu.memory_space<hbm>> -> memref<128x128xf32, #tpu.memory_space<hbm>>
        tpu.enqueue_dma source(%dma_start3A_123 : memref<128x128xf32, #tpu.memory_space<hbm>>) target(%arg11 : memref<128x128xf32, #tpu.memory_space<vmem>>) target_semaphore(%run_scoped3A : memref<!tpu.dma_semaphore, #tpu.memory_space<semaphore_mem>>)
        %dma_wait3A = arith.constant 0 : i32
        %dma_wait3A_124 = tpu.memref_slice %arg2[%mul3A_120, %dma_wait3A] : memref<163840x128xf32, #tpu.memory_space<hbm>> -> memref<128x128xf32, #tpu.memory_space<hbm>>
        %dma_wait3A_125 = arith.constant 0 : i32
        %dma_wait3A_126 = tpu.memref_slice %arg2[%mul3A_120, %dma_wait3A_125] : memref<163840x128xf32, #tpu.memory_space<hbm>> -> memref<128x128xf32, #tpu.memory_space<hbm>>
        tpu.wait_dma2 semaphore(%run_scoped3A : memref<!tpu.dma_semaphore, #tpu.memory_space<semaphore_mem>>) src(%dma_wait3A_126 : memref<128x128xf32, #tpu.memory_space<hbm>>) dst(%arg11 : memref<128x128xf32, #tpu.memory_space<vmem>>)
        tpu.yield
      }) : () -> ()
      "tpu.region"() ({
        %run_scoped3A = tpu.sem_alloc : memref<!tpu.dma_semaphore, #tpu.memory_space<semaphore_mem>>
        %dma_start3A = arith.constant 0 : i32
        %dma_start3A_121 = arith.constant 0 : i32
        %dma_start3A_122 = tpu.memref_slice %arg13[%dma_start3A, %dma_start3A_121] : memref<10240x128xf32, #tpu.memory_space<vmem_shared>> -> memref<10240x128xf32, #tpu.memory_space<vmem_shared>>
        tpu.enqueue_indirect_dma source(%arg11 : memref<128x128xf32, #tpu.memory_space<vmem>>) target(%dma_start3A_122 : memref<10240x128xf32, #tpu.memory_space<vmem_shared>>) offsets(%arg10 : memref<128xi32, #tpu.memory_space<vmem>>) semaphore(%run_scoped3A : memref<!tpu.dma_semaphore, #tpu.memory_space<semaphore_mem>>) {add = true}
        %dma_wait3A = arith.constant 0 : i32
        %dma_wait3A_123 = arith.constant 0 : i32
        %dma_wait3A_124 = tpu.memref_slice %arg13[%dma_wait3A, %dma_wait3A_123] : memref<10240x128xf32, #tpu.memory_space<vmem_shared>> -> memref<10240x128xf32, #tpu.memory_space<vmem_shared>>
        tpu.wait_indirect_dma semaphore(%run_scoped3A : memref<!tpu.dma_semaphore, #tpu.memory_space<semaphore_mem>>) src(%arg11 : memref<128x128xf32, #tpu.memory_space<vmem>>) dst(%dma_wait3A_124 : memref<10240x128xf32, #tpu.memory_space<vmem_shared>>)
        tpu.yield
      }) : () -> ()
    }
    %scan3A_17 = arith.constant 40 : i32
    %barrier3A_18 = arith.constant 0 : index
    tpu.barrier barrier_id(%barrier3A_18)
    %scan3A_19 = arith.constant 0 : i32
    %scan3A_20 = arith.constant 0 : i32
    %scan3A_21 = arith.constant 5 : i32
    %scan3A_22 = arith.addi %scan3A_20, %scan3A_21 : i32
    %scan3A_23 = arith.constant 1 : i32
    scf.for %scan3A_115 = %scan3A_20 to %scan3A_22 step %scan3A_23  : i32 {
      %mul3A_116 = arith.constant 640 : i32
      %mul3A_117 = arith.muli %arg1, %mul3A_116 : i32
      %mul3A_118 = arith.constant 128 : i32
      %mul3A_119 = arith.muli %scan3A_115, %mul3A_118 : i32
      %add3A_120 = arith.addi %mul3A_117, %mul3A_119 : i32
      "tpu.region"() ({
        %run_scoped3A = tpu.sem_alloc : memref<!tpu.dma_semaphore, #tpu.memory_space<semaphore_mem>>
        %dma_start3A = arith.constant 0 : i32
        %dma_start3A_121 = tpu.memref_slice %arg13[%add3A_120, %dma_start3A] : memref<10240x128xf32, #tpu.memory_space<vmem_shared>> -> memref<128x128xf32, #tpu.memory_space<vmem_shared>>
        %dma_start3A_122 = arith.constant 0 : i32
        %dma_start3A_123 = tpu.memref_slice %arg13[%add3A_120, %dma_start3A_122] : memref<10240x128xf32, #tpu.memory_space<vmem_shared>> -> memref<128x128xf32, #tpu.memory_space<vmem_shared>>
        tpu.enqueue_dma source(%dma_start3A_123 : memref<128x128xf32, #tpu.memory_space<vmem_shared>>) target(%arg12 : memref<128x128xf32, #tpu.memory_space<vmem>>) target_semaphore(%run_scoped3A : memref<!tpu.dma_semaphore, #tpu.memory_space<semaphore_mem>>)
        %dma_wait3A = arith.constant 0 : i32
        %dma_wait3A_124 = tpu.memref_slice %arg13[%add3A_120, %dma_wait3A] : memref<10240x128xf32, #tpu.memory_space<vmem_shared>> -> memref<128x128xf32, #tpu.memory_space<vmem_shared>>
        %dma_wait3A_125 = arith.constant 0 : i32
        %dma_wait3A_126 = tpu.memref_slice %arg13[%add3A_120, %dma_wait3A_125] : memref<10240x128xf32, #tpu.memory_space<vmem_shared>> -> memref<128x128xf32, #tpu.memory_space<vmem_shared>>
        tpu.wait_dma2 semaphore(%run_scoped3A : memref<!tpu.dma_semaphore, #tpu.memory_space<semaphore_mem>>) src(%dma_wait3A_126 : memref<128x128xf32, #tpu.memory_space<vmem_shared>>) dst(%arg12 : memref<128x128xf32, #tpu.memory_space<vmem>>)
        tpu.yield
      }) : () -> ()
      "tpu.region"() ({
        %run_scoped3A = tpu.sem_alloc : memref<!tpu.dma_semaphore, #tpu.memory_space<semaphore_mem>>
        %dma_start3A = arith.constant 0 : i32
        %dma_start3A_121 = tpu.memref_slice %arg6[%arg0, %add3A_120, %dma_start3A] : memref<2x10240x128xf32, #tpu.memory_space<hbm>> -> memref<1x128x128xf32, #tpu.memory_space<hbm>>
        %dma_start3A_122 = tpu.memref_squeeze %dma_start3A_121 : memref<1x128x128xf32, #tpu.memory_space<hbm>> -> memref<128x128xf32, #tpu.memory_space<hbm>>
        %dma_start3A_123 = arith.constant 0 : i32
        %dma_start3A_124 = tpu.memref_slice %arg6[%arg0, %add3A_120, %dma_start3A_123] : memref<2x10240x128xf32, #tpu.memory_space<hbm>> -> memref<1x128x128xf32, #tpu.memory_space<hbm>>
        %dma_start3A_125 = tpu.memref_squeeze %dma_start3A_124 : memref<1x128x128xf32, #tpu.memory_space<hbm>> -> memref<128x128xf32, #tpu.memory_space<hbm>>
        tpu.enqueue_dma source(%arg12 : memref<128x128xf32, #tpu.memory_space<vmem>>) target(%dma_start3A_125 : memref<128x128xf32, #tpu.memory_space<hbm>>) target_semaphore(%run_scoped3A : memref<!tpu.dma_semaphore, #tpu.memory_space<semaphore_mem>>)
        %dma_wait3A = arith.constant 0 : i32
        %dma_wait3A_126 = tpu.memref_slice %arg6[%arg0, %add3A_120, %dma_wait3A] : memref<2x10240x128xf32, #tpu.memory_space<hbm>> -> memref<1x128x128xf32, #tpu.memory_space<hbm>>
        %dma_wait3A_127 = tpu.memref_squeeze %dma_wait3A_126 : memref<1x128x128xf32, #tpu.memory_space<hbm>> -> memref<128x128xf32, #tpu.memory_space<hbm>>
        %dma_wait3A_128 = arith.constant 0 : i32
        %dma_wait3A_129 = tpu.memref_slice %arg6[%arg0, %add3A_120, %dma_wait3A_128] : memref<2x10240x128xf32, #tpu.memory_space<hbm>> -> memref<1x128x128xf32, #tpu.memory_space<hbm>>
        %dma_wait3A_130 = tpu.memref_squeeze %dma_wait3A_129 : memref<1x128x128xf32, #tpu.memory_space<hbm>> -> memref<128x128xf32, #tpu.memory_space<hbm>>
        tpu.wait_dma2 semaphore(%run_scoped3A : memref<!tpu.dma_semaphore, #tpu.memory_space<semaphore_mem>>) src(%arg12 : memref<128x128xf32, #tpu.memory_space<vmem>>) dst(%dma_wait3A_130 : memref<128x128xf32, #tpu.memory_space<hbm>>)
        tpu.yield
      }) : () -> ()
    }
    %scan3A_24 = arith.constant 5 : i32
    %scan3A_25 = arith.constant 0 : i32
    %scan3A_26 = arith.constant 0 : i32
    %scan3A_27 = arith.constant 128 : i32
    %scan3A_28 = arith.addi %scan3A_26, %scan3A_27 : i32
    %scan3A_29 = arith.constant 1 : i32
    scf.for %scan3A_115 = %scan3A_26 to %scan3A_28 step %scan3A_29  : i32 {
      %broadcast_in_dim3A = arith.constant 0.000000e+00 : f32
      %broadcast_in_dim3A_116 = vector.broadcast %broadcast_in_dim3A : f32 to vector<16xf32>
      %swap3A = arith.index_cast %scan3A_115 : i32 to index
      %swap3A_117 = arith.constant 0 : index
      %swap3A_118 = tpu.vector_load %arg12[%swap3A, %swap3A_117] {strides = array<i32>} : memref<128x128xf32, #tpu.memory_space<vmem>>, vector<1x16xf32>,
      %swap3A_119 = vector.shape_cast %swap3A_118 : vector<1x16xf32> to vector<16xf32>
      %swap3A_120 = vector.shape_cast %broadcast_in_dim3A_116 : vector<16xf32> to vector<1x16xf32>
      tpu.vector_store %arg12[%swap3A, %swap3A_117], %swap3A_120 {strides = array<i32>} : memref<128x128xf32, #tpu.memory_space<vmem>>, vector<1x16xf32>,
      %broadcast_in_dim3A_121 = arith.constant 0.000000e+00 : f32
      %broadcast_in_dim3A_122 = vector.broadcast %broadcast_in_dim3A_121 : f32 to vector<16xf32>
      %swap3A_123 = arith.index_cast %scan3A_115 : i32 to index
      %swap3A_124 = arith.constant 16 : index
      %swap3A_125 = tpu.vector_load %arg12[%swap3A_123, %swap3A_124] {strides = array<i32>} : memref<128x128xf32, #tpu.memory_space<vmem>>, vector<1x16xf32>,
      %swap3A_126 = vector.shape_cast %swap3A_125 : vector<1x16xf32> to vector<16xf32>
      %swap3A_127 = vector.shape_cast %broadcast_in_dim3A_122 : vector<16xf32> to vector<1x16xf32>
      tpu.vector_store %arg12[%swap3A_123, %swap3A_124], %swap3A_127 {strides = array<i32>} : memref<128x128xf32, #tpu.memory_space<vmem>>, vector<1x16xf32>,
      %broadcast_in_dim3A_128 = arith.constant 0.000000e+00 : f32
      %broadcast_in_dim3A_129 = vector.broadcast %broadcast_in_dim3A_128 : f32 to vector<16xf32>
      %swap3A_130 = arith.index_cast %scan3A_115 : i32 to index
      %swap3A_131 = arith.constant 32 : index
      %swap3A_132 = tpu.vector_load %arg12[%swap3A_130, %swap3A_131] {strides = array<i32>} : memref<128x128xf32, #tpu.memory_space<vmem>>, vector<1x16xf32>,
      %swap3A_133 = vector.shape_cast %swap3A_132 : vector<1x16xf32> to vector<16xf32>
      %swap3A_134 = vector.shape_cast %broadcast_in_dim3A_129 : vector<16xf32> to vector<1x16xf32>
      tpu.vector_store %arg12[%swap3A_130, %swap3A_131], %swap3A_134 {strides = array<i32>} : memref<128x128xf32, #tpu.memory_space<vmem>>, vector<1x16xf32>,
      %broadcast_in_dim3A_135 = arith.constant 0.000000e+00 : f32
      %broadcast_in_dim3A_136 = vector.broadcast %broadcast_in_dim3A_135 : f32 to vector<16xf32>
      %swap3A_137 = arith.index_cast %scan3A_115 : i32 to index
      %swap3A_138 = arith.constant 48 : index
      %swap3A_139 = tpu.vector_load %arg12[%swap3A_137, %swap3A_138] {strides = array<i32>} : memref<128x128xf32, #tpu.memory_space<vmem>>, vector<1x16xf32>,
      %swap3A_140 = vector.shape_cast %swap3A_139 : vector<1x16xf32> to vector<16xf32>
      %swap3A_141 = vector.shape_cast %broadcast_in_dim3A_136 : vector<16xf32> to vector<1x16xf32>
      tpu.vector_store %arg12[%swap3A_137, %swap3A_138], %swap3A_141 {strides = array<i32>} : memref<128x128xf32, #tpu.memory_space<vmem>>, vector<1x16xf32>,
      %broadcast_in_dim3A_142 = arith.constant 0.000000e+00 : f32
      %broadcast_in_dim3A_143 = vector.broadcast %broadcast_in_dim3A_142 : f32 to vector<16xf32>
      %swap3A_144 = arith.index_cast %scan3A_115 : i32 to index
      %swap3A_145 = arith.constant 64 : index
      %swap3A_146 = tpu.vector_load %arg12[%swap3A_144, %swap3A_145] {strides = array<i32>} : memref<128x128xf32, #tpu.memory_space<vmem>>, vector<1x16xf32>,
      %swap3A_147 = vector.shape_cast %swap3A_146 : vector<1x16xf32> to vector<16xf32>
      %swap3A_148 = vector.shape_cast %broadcast_in_dim3A_143 : vector<16xf32> to vector<1x16xf32>
      tpu.vector_store %arg12[%swap3A_144, %swap3A_145], %swap3A_148 {strides = array<i32>} : memref<128x128xf32, #tpu.memory_space<vmem>>, vector<1x16xf32>,
      %broadcast_in_dim3A_149 = arith.constant 0.000000e+00 : f32
      %broadcast_in_dim3A_150 = vector.broadcast %broadcast_in_dim3A_149 : f32 to vector<16xf32>
      %swap3A_151 = arith.index_cast %scan3A_115 : i32 to index
      %swap3A_152 = arith.constant 80 : index
      %swap3A_153 = tpu.vector_load %arg12[%swap3A_151, %swap3A_152] {strides = array<i32>} : memref<128x128xf32, #tpu.memory_space<vmem>>, vector<1x16xf32>,
      %swap3A_154 = vector.shape_cast %swap3A_153 : vector<1x16xf32> to vector<16xf32>
      %swap3A_155 = vector.shape_cast %broadcast_in_dim3A_150 : vector<16xf32> to vector<1x16xf32>
      tpu.vector_store %arg12[%swap3A_151, %swap3A_152], %swap3A_155 {strides = array<i32>} : memref<128x128xf32, #tpu.memory_space<vmem>>, vector<1x16xf32>,
      %broadcast_in_dim3A_156 = arith.constant 0.000000e+00 : f32
      %broadcast_in_dim3A_157 = vector.broadcast %broadcast_in_dim3A_156 : f32 to vector<16xf32>
      %swap3A_158 = arith.index_cast %scan3A_115 : i32 to index
      %swap3A_159 = arith.constant 96 : index
      %swap3A_160 = tpu.vector_load %arg12[%swap3A_158, %swap3A_159] {strides = array<i32>} : memref<128x128xf32, #tpu.memory_space<vmem>>, vector<1x16xf32>,
      %swap3A_161 = vector.shape_cast %swap3A_160 : vector<1x16xf32> to vector<16xf32>
      %swap3A_162 = vector.shape_cast %broadcast_in_dim3A_157 : vector<16xf32> to vector<1x16xf32>
      tpu.vector_store %arg12[%swap3A_158, %swap3A_159], %swap3A_162 {strides = array<i32>} : memref<128x128xf32, #tpu.memory_space<vmem>>, vector<1x16xf32>,
      %broadcast_in_dim3A_163 = arith.constant 0.000000e+00 : f32
      %broadcast_in_dim3A_164 = vector.broadcast %broadcast_in_dim3A_163 : f32 to vector<16xf32>
      %swap3A_165 = arith.index_cast %scan3A_115 : i32 to index
      %swap3A_166 = arith.constant 112 : index
      %swap3A_167 = tpu.vector_load %arg12[%swap3A_165, %swap3A_166] {strides = array<i32>} : memref<128x128xf32, #tpu.memory_space<vmem>>, vector<1x16xf32>,
      %swap3A_168 = vector.shape_cast %swap3A_167 : vector<1x16xf32> to vector<16xf32>
      %swap3A_169 = vector.shape_cast %broadcast_in_dim3A_164 : vector<16xf32> to vector<1x16xf32>
      tpu.vector_store %arg12[%swap3A_165, %swap3A_166], %swap3A_169 {strides = array<i32>} : memref<128x128xf32, #tpu.memory_space<vmem>>, vector<1x16xf32>,
    }
    %scan3A_30 = arith.constant 128 : i32
    %scan3A_31 = arith.constant 0 : i32
    %scan3A_32 = arith.constant 0 : i32
    %scan3A_33 = arith.constant 5 : i32
    %scan3A_34 = arith.addi %scan3A_32, %scan3A_33 : i32
    %scan3A_35 = arith.constant 1 : i32
    scf.for %scan3A_115 = %scan3A_32 to %scan3A_34 step %scan3A_35  : i32 {
      %mul3A_116 = arith.constant 640 : i32
      %mul3A_117 = arith.muli %arg1, %mul3A_116 : i32
      %mul3A_118 = arith.constant 128 : i32
      %mul3A_119 = arith.muli %scan3A_115, %mul3A_118 : i32
      %add3A_120 = arith.addi %mul3A_117, %mul3A_119 : i32
      "tpu.region"() ({
        %run_scoped3A = tpu.sem_alloc : memref<!tpu.dma_semaphore, #tpu.memory_space<semaphore_mem>>
        %dma_start3A = arith.constant 0 : i32
        %dma_start3A_121 = tpu.memref_slice %arg13[%add3A_120, %dma_start3A] : memref<10240x128xf32, #tpu.memory_space<vmem_shared>> -> memref<128x128xf32, #tpu.memory_space<vmem_shared>>
        %dma_start3A_122 = arith.constant 0 : i32
        %dma_start3A_123 = tpu.memref_slice %arg13[%add3A_120, %dma_start3A_122] : memref<10240x128xf32, #tpu.memory_space<vmem_shared>> -> memref<128x128xf32, #tpu.memory_space<vmem_shared>>
        tpu.enqueue_dma source(%arg12 : memref<128x128xf32, #tpu.memory_space<vmem>>) target(%dma_start3A_123 : memref<128x128xf32, #tpu.memory_space<vmem_shared>>) target_semaphore(%run_scoped3A : memref<!tpu.dma_semaphore, #tpu.memory_space<semaphore_mem>>)
        %dma_wait3A = arith.constant 0 : i32
        %dma_wait3A_124 = tpu.memref_slice %arg13[%add3A_120, %dma_wait3A] : memref<10240x128xf32, #tpu.memory_space<vmem_shared>> -> memref<128x128xf32, #tpu.memory_space<vmem_shared>>
        %dma_wait3A_125 = arith.constant 0 : i32
        %dma_wait3A_126 = tpu.memref_slice %arg13[%add3A_120, %dma_wait3A_125] : memref<10240x128xf32, #tpu.memory_space<vmem_shared>> -> memref<128x128xf32, #tpu.memory_space<vmem_shared>>
        tpu.wait_dma2 semaphore(%run_scoped3A : memref<!tpu.dma_semaphore, #tpu.memory_space<semaphore_mem>>) src(%arg12 : memref<128x128xf32, #tpu.memory_space<vmem>>) dst(%dma_wait3A_126 : memref<128x128xf32, #tpu.memory_space<vmem_shared>>)
        tpu.yield
      }) : () -> ()
    }
    %scan3A_36 = arith.constant 5 : i32
    %scan3A_37 = arith.constant 0 : i32
    %scan3A_38 = arith.constant 0 : i32
    %scan3A_39 = arith.constant 128 : i32
    %scan3A_40 = arith.addi %scan3A_38, %scan3A_39 : i32
    %scan3A_41 = arith.constant 1 : i32
    scf.for %scan3A_115 = %scan3A_38 to %scan3A_40 step %scan3A_41  : i32 {
      %broadcast_in_dim3A = arith.constant 1.000000e+00 : f32
      %broadcast_in_dim3A_116 = vector.broadcast %broadcast_in_dim3A : f32 to vector<16xf32>
      %swap3A = arith.index_cast %scan3A_115 : i32 to index
      %swap3A_117 = arith.constant 0 : index
      %swap3A_118 = tpu.vector_load %arg11[%swap3A, %swap3A_117] {strides = array<i32>} : memref<128x128xf32, #tpu.memory_space<vmem>>, vector<1x16xf32>,
      %swap3A_119 = vector.shape_cast %swap3A_118 : vector<1x16xf32> to vector<16xf32>
      %swap3A_120 = vector.shape_cast %broadcast_in_dim3A_116 : vector<16xf32> to vector<1x16xf32>
      tpu.vector_store %arg11[%swap3A, %swap3A_117], %swap3A_120 {strides = array<i32>} : memref<128x128xf32, #tpu.memory_space<vmem>>, vector<1x16xf32>,
      %broadcast_in_dim3A_121 = arith.constant 1.000000e+00 : f32
      %broadcast_in_dim3A_122 = vector.broadcast %broadcast_in_dim3A_121 : f32 to vector<16xf32>
      %swap3A_123 = arith.index_cast %scan3A_115 : i32 to index
      %swap3A_124 = arith.constant 16 : index
      %swap3A_125 = tpu.vector_load %arg11[%swap3A_123, %swap3A_124] {strides = array<i32>} : memref<128x128xf32, #tpu.memory_space<vmem>>, vector<1x16xf32>,
      %swap3A_126 = vector.shape_cast %swap3A_125 : vector<1x16xf32> to vector<16xf32>
      %swap3A_127 = vector.shape_cast %broadcast_in_dim3A_122 : vector<16xf32> to vector<1x16xf32>
      tpu.vector_store %arg11[%swap3A_123, %swap3A_124], %swap3A_127 {strides = array<i32>} : memref<128x128xf32, #tpu.memory_space<vmem>>, vector<1x16xf32>,
      %broadcast_in_dim3A_128 = arith.constant 1.000000e+00 : f32
      %broadcast_in_dim3A_129 = vector.broadcast %broadcast_in_dim3A_128 : f32 to vector<16xf32>
      %swap3A_130 = arith.index_cast %scan3A_115 : i32 to index
      %swap3A_131 = arith.constant 32 : index
      %swap3A_132 = tpu.vector_load %arg11[%swap3A_130, %swap3A_131] {strides = array<i32>} : memref<128x128xf32, #tpu.memory_space<vmem>>, vector<1x16xf32>,
      %swap3A_133 = vector.shape_cast %swap3A_132 : vector<1x16xf32> to vector<16xf32>
      %swap3A_134 = vector.shape_cast %broadcast_in_dim3A_129 : vector<16xf32> to vector<1x16xf32>
      tpu.vector_store %arg11[%swap3A_130, %swap3A_131], %swap3A_134 {strides = array<i32>} : memref<128x128xf32, #tpu.memory_space<vmem>>, vector<1x16xf32>,
      %broadcast_in_dim3A_135 = arith.constant 1.000000e+00 : f32
      %broadcast_in_dim3A_136 = vector.broadcast %broadcast_in_dim3A_135 : f32 to vector<16xf32>
      %swap3A_137 = arith.index_cast %scan3A_115 : i32 to index
      %swap3A_138 = arith.constant 48 : index
      %swap3A_139 = tpu.vector_load %arg11[%swap3A_137, %swap3A_138] {strides = array<i32>} : memref<128x128xf32, #tpu.memory_space<vmem>>, vector<1x16xf32>,
      %swap3A_140 = vector.shape_cast %swap3A_139 : vector<1x16xf32> to vector<16xf32>
      %swap3A_141 = vector.shape_cast %broadcast_in_dim3A_136 : vector<16xf32> to vector<1x16xf32>
      tpu.vector_store %arg11[%swap3A_137, %swap3A_138], %swap3A_141 {strides = array<i32>} : memref<128x128xf32, #tpu.memory_space<vmem>>, vector<1x16xf32>,
      %broadcast_in_dim3A_142 = arith.constant 1.000000e+00 : f32
      %broadcast_in_dim3A_143 = vector.broadcast %broadcast_in_dim3A_142 : f32 to vector<16xf32>
      %swap3A_144 = arith.index_cast %scan3A_115 : i32 to index
      %swap3A_145 = arith.constant 64 : index
      %swap3A_146 = tpu.vector_load %arg11[%swap3A_144, %swap3A_145] {strides = array<i32>} : memref<128x128xf32, #tpu.memory_space<vmem>>, vector<1x16xf32>,
      %swap3A_147 = vector.shape_cast %swap3A_146 : vector<1x16xf32> to vector<16xf32>
      %swap3A_148 = vector.shape_cast %broadcast_in_dim3A_143 : vector<16xf32> to vector<1x16xf32>
      tpu.vector_store %arg11[%swap3A_144, %swap3A_145], %swap3A_148 {strides = array<i32>} : memref<128x128xf32, #tpu.memory_space<vmem>>, vector<1x16xf32>,
      %broadcast_in_dim3A_149 = arith.constant 1.000000e+00 : f32
      %broadcast_in_dim3A_150 = vector.broadcast %broadcast_in_dim3A_149 : f32 to vector<16xf32>
      %swap3A_151 = arith.index_cast %scan3A_115 : i32 to index
      %swap3A_152 = arith.constant 80 : index
      %swap3A_153 = tpu.vector_load %arg11[%swap3A_151, %swap3A_152] {strides = array<i32>} : memref<128x128xf32, #tpu.memory_space<vmem>>, vector<1x16xf32>,
      %swap3A_154 = vector.shape_cast %swap3A_153 : vector<1x16xf32> to vector<16xf32>
      %swap3A_155 = vector.shape_cast %broadcast_in_dim3A_150 : vector<16xf32> to vector<1x16xf32>
      tpu.vector_store %arg11[%swap3A_151, %swap3A_152], %swap3A_155 {strides = array<i32>} : memref<128x128xf32, #tpu.memory_space<vmem>>, vector<1x16xf32>,
      %broadcast_in_dim3A_156 = arith.constant 1.000000e+00 : f32
      %broadcast_in_dim3A_157 = vector.broadcast %broadcast_in_dim3A_156 : f32 to vector<16xf32>
      %swap3A_158 = arith.index_cast %scan3A_115 : i32 to index
      %swap3A_159 = arith.constant 96 : index
      %swap3A_160 = tpu.vector_load %arg11[%swap3A_158, %swap3A_159] {strides = array<i32>} : memref<128x128xf32, #tpu.memory_space<vmem>>, vector<1x16xf32>,
      %swap3A_161 = vector.shape_cast %swap3A_160 : vector<1x16xf32> to vector<16xf32>
      %swap3A_162 = vector.shape_cast %broadcast_in_dim3A_157 : vector<16xf32> to vector<1x16xf32>
      tpu.vector_store %arg11[%swap3A_158, %swap3A_159], %swap3A_162 {strides = array<i32>} : memref<128x128xf32, #tpu.memory_space<vmem>>, vector<1x16xf32>,
      %broadcast_in_dim3A_163 = arith.constant 1.000000e+00 : f32
      %broadcast_in_dim3A_164 = vector.broadcast %broadcast_in_dim3A_163 : f32 to vector<16xf32>
      %swap3A_165 = arith.index_cast %scan3A_115 : i32 to index
      %swap3A_166 = arith.constant 112 : index
      %swap3A_167 = tpu.vector_load %arg11[%swap3A_165, %swap3A_166] {strides = array<i32>} : memref<128x128xf32, #tpu.memory_space<vmem>>, vector<1x16xf32>,
      %swap3A_168 = vector.shape_cast %swap3A_167 : vector<1x16xf32> to vector<16xf32>
      %swap3A_169 = vector.shape_cast %broadcast_in_dim3A_164 : vector<16xf32> to vector<1x16xf32>
      tpu.vector_store %arg11[%swap3A_165, %swap3A_166], %swap3A_169 {strides = array<i32>} : memref<128x128xf32, #tpu.memory_space<vmem>>, vector<1x16xf32>,
    }
    %scan3A_42 = arith.constant 128 : i32
    %barrier3A_43 = arith.constant 0 : index
    tpu.barrier barrier_id(%barrier3A_43)
    %scan3A_44 = arith.constant 0 : i32
    %scan3A_45 = arith.constant 0 : i32
    %scan3A_46 = arith.constant 40 : i32
    %scan3A_47 = arith.addi %scan3A_45, %scan3A_46 : i32
    %scan3A_48 = arith.constant 1 : i32
    scf.for %scan3A_115 = %scan3A_45 to %scan3A_47 step %scan3A_48  : i32 {
      %mul3A_116 = arith.constant 40 : i32
      %mul3A_117 = arith.muli %add3A, %mul3A_116 : i32
      %add3A_118 = arith.addi %mul3A_117, %scan3A_115 : i32
      %mul3A_119 = arith.constant 128 : i32
      %mul3A_120 = arith.muli %add3A_118, %mul3A_119 : i32
      "tpu.region"() ({
        %run_scoped3A = tpu.sem_alloc : memref<!tpu.dma_semaphore, #tpu.memory_space<semaphore_mem>>
        %dma_start3A = tpu.memref_slice %arg3[%mul3A_120] : memref<163840xi32, #tpu.memory_space<hbm>> -> memref<128xi32, #tpu.memory_space<hbm>>
        %dma_start3A_121 = tpu.memref_slice %arg3[%mul3A_120] : memref<163840xi32, #tpu.memory_space<hbm>> -> memref<128xi32, #tpu.memory_space<hbm>>
        tpu.enqueue_dma source(%dma_start3A_121 : memref<128xi32, #tpu.memory_space<hbm>>) target(%arg10 : memref<128xi32, #tpu.memory_space<vmem>>) target_semaphore(%run_scoped3A : memref<!tpu.dma_semaphore, #tpu.memory_space<semaphore_mem>>)
        %dma_wait3A = tpu.memref_slice %arg3[%mul3A_120] : memref<163840xi32, #tpu.memory_space<hbm>> -> memref<128xi32, #tpu.memory_space<hbm>>
        %dma_wait3A_122 = tpu.memref_slice %arg3[%mul3A_120] : memref<163840xi32, #tpu.memory_space<hbm>> -> memref<128xi32, #tpu.memory_space<hbm>>
        tpu.wait_dma2 semaphore(%run_scoped3A : memref<!tpu.dma_semaphore, #tpu.memory_space<semaphore_mem>>) src(%dma_wait3A_122 : memref<128xi32, #tpu.memory_space<hbm>>) dst(%arg10 : memref<128xi32, #tpu.memory_space<vmem>>)
        tpu.yield
      }) : () -> ()
      "tpu.region"() ({
        %run_scoped3A = tpu.sem_alloc : memref<!tpu.dma_semaphore, #tpu.memory_space<semaphore_mem>>
        %dma_start3A = arith.constant 0 : i32
        %dma_start3A_121 = arith.constant 0 : i32
        %dma_start3A_122 = tpu.memref_slice %arg13[%dma_start3A, %dma_start3A_121] : memref<10240x128xf32, #tpu.memory_space<vmem_shared>> -> memref<10240x128xf32, #tpu.memory_space<vmem_shared>>
        tpu.enqueue_indirect_dma source(%arg11 : memref<128x128xf32, #tpu.memory_space<vmem>>) target(%dma_start3A_122 : memref<10240x128xf32, #tpu.memory_space<vmem_shared>>) offsets(%arg10 : memref<128xi32, #tpu.memory_space<vmem>>) semaphore(%run_scoped3A : memref<!tpu.dma_semaphore, #tpu.memory_space<semaphore_mem>>) {add = true}
        %dma_wait3A = arith.constant 0 : i32
        %dma_wait3A_123 = arith.constant 0 : i32
        %dma_wait3A_124 = tpu.memref_slice %arg13[%dma_wait3A, %dma_wait3A_123] : memref<10240x128xf32, #tpu.memory_space<vmem_shared>> -> memref<10240x128xf32, #tpu.memory_space<vmem_shared>>
        tpu.wait_indirect_dma semaphore(%run_scoped3A : memref<!tpu.dma_semaphore, #tpu.memory_space<semaphore_mem>>) src(%arg11 : memref<128x128xf32, #tpu.memory_space<vmem>>) dst(%dma_wait3A_124 : memref<10240x128xf32, #tpu.memory_space<vmem_shared>>)
        tpu.yield
      }) : () -> ()
    }
    %scan3A_49 = arith.constant 40 : i32
    %barrier3A_50 = arith.constant 0 : index
    tpu.barrier barrier_id(%barrier3A_50)
    %scan3A_51 = arith.constant 0 : i32
    %scan3A_52 = arith.constant 0 : i32
    %scan3A_53 = arith.constant 5 : i32
    %scan3A_54 = arith.addi %scan3A_52, %scan3A_53 : i32
    %scan3A_55 = arith.constant 1 : i32
    scf.for %scan3A_115 = %scan3A_52 to %scan3A_54 step %scan3A_55  : i32 {
      %mul3A_116 = arith.constant 640 : i32
      %mul3A_117 = arith.muli %arg1, %mul3A_116 : i32
      %mul3A_118 = arith.constant 128 : i32
      %mul3A_119 = arith.muli %scan3A_115, %mul3A_118 : i32
      %add3A_120 = arith.addi %mul3A_117, %mul3A_119 : i32
      "tpu.region"() ({
        %run_scoped3A = tpu.sem_alloc : memref<!tpu.dma_semaphore, #tpu.memory_space<semaphore_mem>>
        %dma_start3A = arith.constant 0 : i32
        %dma_start3A_121 = tpu.memref_slice %arg13[%add3A_120, %dma_start3A] : memref<10240x128xf32, #tpu.memory_space<vmem_shared>> -> memref<128x128xf32, #tpu.memory_space<vmem_shared>>
        %dma_start3A_122 = arith.constant 0 : i32
        %dma_start3A_123 = tpu.memref_slice %arg13[%add3A_120, %dma_start3A_122] : memref<10240x128xf32, #tpu.memory_space<vmem_shared>> -> memref<128x128xf32, #tpu.memory_space<vmem_shared>>
        tpu.enqueue_dma source(%dma_start3A_123 : memref<128x128xf32, #tpu.memory_space<vmem_shared>>) target(%arg12 : memref<128x128xf32, #tpu.memory_space<vmem>>) target_semaphore(%run_scoped3A : memref<!tpu.dma_semaphore, #tpu.memory_space<semaphore_mem>>)
        %dma_wait3A = arith.constant 0 : i32
        %dma_wait3A_124 = tpu.memref_slice %arg13[%add3A_120, %dma_wait3A] : memref<10240x128xf32, #tpu.memory_space<vmem_shared>> -> memref<128x128xf32, #tpu.memory_space<vmem_shared>>
        %dma_wait3A_125 = arith.constant 0 : i32
        %dma_wait3A_126 = tpu.memref_slice %arg13[%add3A_120, %dma_wait3A_125] : memref<10240x128xf32, #tpu.memory_space<vmem_shared>> -> memref<128x128xf32, #tpu.memory_space<vmem_shared>>
        tpu.wait_dma2 semaphore(%run_scoped3A : memref<!tpu.dma_semaphore, #tpu.memory_space<semaphore_mem>>) src(%dma_wait3A_126 : memref<128x128xf32, #tpu.memory_space<vmem_shared>>) dst(%arg12 : memref<128x128xf32, #tpu.memory_space<vmem>>)
        tpu.yield
      }) : () -> ()
      "tpu.region"() ({
        %run_scoped3A = tpu.sem_alloc : memref<!tpu.dma_semaphore, #tpu.memory_space<semaphore_mem>>
        %dma_start3A = arith.constant 0 : i32
        %dma_start3A_121 = tpu.memref_slice %arg7[%arg0, %add3A_120, %dma_start3A] : memref<2x10240x128xf32, #tpu.memory_space<hbm>> -> memref<1x128x128xf32, #tpu.memory_space<hbm>>
        %dma_start3A_122 = tpu.memref_squeeze %dma_start3A_121 : memref<1x128x128xf32, #tpu.memory_space<hbm>> -> memref<128x128xf32, #tpu.memory_space<hbm>>
        %dma_start3A_123 = arith.constant 0 : i32
        %dma_start3A_124 = tpu.memref_slice %arg7[%arg0, %add3A_120, %dma_start3A_123] : memref<2x10240x128xf32, #tpu.memory_space<hbm>> -> memref<1x128x128xf32, #tpu.memory_space<hbm>>
        %dma_start3A_125 = tpu.memref_squeeze %dma_start3A_124 : memref<1x128x128xf32, #tpu.memory_space<hbm>> -> memref<128x128xf32, #tpu.memory_space<hbm>>
        tpu.enqueue_dma source(%arg12 : memref<128x128xf32, #tpu.memory_space<vmem>>) target(%dma_start3A_125 : memref<128x128xf32, #tpu.memory_space<hbm>>) target_semaphore(%run_scoped3A : memref<!tpu.dma_semaphore, #tpu.memory_space<semaphore_mem>>)
        %dma_wait3A = arith.constant 0 : i32
        %dma_wait3A_126 = tpu.memref_slice %arg7[%arg0, %add3A_120, %dma_wait3A] : memref<2x10240x128xf32, #tpu.memory_space<hbm>> -> memref<1x128x128xf32, #tpu.memory_space<hbm>>
        %dma_wait3A_127 = tpu.memref_squeeze %dma_wait3A_126 : memref<1x128x128xf32, #tpu.memory_space<hbm>> -> memref<128x128xf32, #tpu.memory_space<hbm>>
        %dma_wait3A_128 = arith.constant 0 : i32
        %dma_wait3A_129 = tpu.memref_slice %arg7[%arg0, %add3A_120, %dma_wait3A_128] : memref<2x10240x128xf32, #tpu.memory_space<hbm>> -> memref<1x128x128xf32, #tpu.memory_space<hbm>>
        %dma_wait3A_130 = tpu.memref_squeeze %dma_wait3A_129 : memref<1x128x128xf32, #tpu.memory_space<hbm>> -> memref<128x128xf32, #tpu.memory_space<hbm>>
        tpu.wait_dma2 semaphore(%run_scoped3A : memref<!tpu.dma_semaphore, #tpu.memory_space<semaphore_mem>>) src(%arg12 : memref<128x128xf32, #tpu.memory_space<vmem>>) dst(%dma_wait3A_130 : memref<128x128xf32, #tpu.memory_space<hbm>>)
        tpu.yield
      }) : () -> ()
    }
    %scan3A_56 = arith.constant 5 : i32
    %scan3A_57 = arith.constant 0 : i32
    %scan3A_58 = arith.constant 0 : i32
    %scan3A_59 = arith.constant 128 : i32
    %scan3A_60 = arith.addi %scan3A_58, %scan3A_59 : i32
    %scan3A_61 = arith.constant 1 : i32
    scf.for %scan3A_115 = %scan3A_58 to %scan3A_60 step %scan3A_61  : i32 {
      %broadcast_in_dim3A = arith.constant 0.000000e+00 : f32
      %broadcast_in_dim3A_116 = vector.broadcast %broadcast_in_dim3A : f32 to vector<16xf32>
      %swap3A = arith.index_cast %scan3A_115 : i32 to index
      %swap3A_117 = arith.constant 0 : index
      %swap3A_118 = tpu.vector_load %arg12[%swap3A, %swap3A_117] {strides = array<i32>} : memref<128x128xf32, #tpu.memory_space<vmem>>, vector<1x16xf32>,
      %swap3A_119 = vector.shape_cast %swap3A_118 : vector<1x16xf32> to vector<16xf32>
      %swap3A_120 = vector.shape_cast %broadcast_in_dim3A_116 : vector<16xf32> to vector<1x16xf32>
      tpu.vector_store %arg12[%swap3A, %swap3A_117], %swap3A_120 {strides = array<i32>} : memref<128x128xf32, #tpu.memory_space<vmem>>, vector<1x16xf32>,
      %broadcast_in_dim3A_121 = arith.constant 0.000000e+00 : f32
      %broadcast_in_dim3A_122 = vector.broadcast %broadcast_in_dim3A_121 : f32 to vector<16xf32>
      %swap3A_123 = arith.index_cast %scan3A_115 : i32 to index
      %swap3A_124 = arith.constant 16 : index
      %swap3A_125 = tpu.vector_load %arg12[%swap3A_123, %swap3A_124] {strides = array<i32>} : memref<128x128xf32, #tpu.memory_space<vmem>>, vector<1x16xf32>,
      %swap3A_126 = vector.shape_cast %swap3A_125 : vector<1x16xf32> to vector<16xf32>
      %swap3A_127 = vector.shape_cast %broadcast_in_dim3A_122 : vector<16xf32> to vector<1x16xf32>
      tpu.vector_store %arg12[%swap3A_123, %swap3A_124], %swap3A_127 {strides = array<i32>} : memref<128x128xf32, #tpu.memory_space<vmem>>, vector<1x16xf32>,
      %broadcast_in_dim3A_128 = arith.constant 0.000000e+00 : f32
      %broadcast_in_dim3A_129 = vector.broadcast %broadcast_in_dim3A_128 : f32 to vector<16xf32>
      %swap3A_130 = arith.index_cast %scan3A_115 : i32 to index
      %swap3A_131 = arith.constant 32 : index
      %swap3A_132 = tpu.vector_load %arg12[%swap3A_130, %swap3A_131] {strides = array<i32>} : memref<128x128xf32, #tpu.memory_space<vmem>>, vector<1x16xf32>,
      %swap3A_133 = vector.shape_cast %swap3A_132 : vector<1x16xf32> to vector<16xf32>
      %swap3A_134 = vector.shape_cast %broadcast_in_dim3A_129 : vector<16xf32> to vector<1x16xf32>
      tpu.vector_store %arg12[%swap3A_130, %swap3A_131], %swap3A_134 {strides = array<i32>} : memref<128x128xf32, #tpu.memory_space<vmem>>, vector<1x16xf32>,
      %broadcast_in_dim3A_135 = arith.constant 0.000000e+00 : f32
      %broadcast_in_dim3A_136 = vector.broadcast %broadcast_in_dim3A_135 : f32 to vector<16xf32>
      %swap3A_137 = arith.index_cast %scan3A_115 : i32 to index
      %swap3A_138 = arith.constant 48 : index
      %swap3A_139 = tpu.vector_load %arg12[%swap3A_137, %swap3A_138] {strides = array<i32>} : memref<128x128xf32, #tpu.memory_space<vmem>>, vector<1x16xf32>,
      %swap3A_140 = vector.shape_cast %swap3A_139 : vector<1x16xf32> to vector<16xf32>
      %swap3A_141 = vector.shape_cast %broadcast_in_dim3A_136 : vector<16xf32> to vector<1x16xf32>
      tpu.vector_store %arg12[%swap3A_137, %swap3A_138], %swap3A_141 {strides = array<i32>} : memref<128x128xf32, #tpu.memory_space<vmem>>, vector<1x16xf32>,
      %broadcast_in_dim3A_142 = arith.constant 0.000000e+00 : f32
      %broadcast_in_dim3A_143 = vector.broadcast %broadcast_in_dim3A_142 : f32 to vector<16xf32>
      %swap3A_144 = arith.index_cast %scan3A_115 : i32 to index
      %swap3A_145 = arith.constant 64 : index
      %swap3A_146 = tpu.vector_load %arg12[%swap3A_144, %swap3A_145] {strides = array<i32>} : memref<128x128xf32, #tpu.memory_space<vmem>>, vector<1x16xf32>,
      %swap3A_147 = vector.shape_cast %swap3A_146 : vector<1x16xf32> to vector<16xf32>
      %swap3A_148 = vector.shape_cast %broadcast_in_dim3A_143 : vector<16xf32> to vector<1x16xf32>
      tpu.vector_store %arg12[%swap3A_144, %swap3A_145], %swap3A_148 {strides = array<i32>} : memref<128x128xf32, #tpu.memory_space<vmem>>, vector<1x16xf32>,
      %broadcast_in_dim3A_149 = arith.constant 0.000000e+00 : f32
      %broadcast_in_dim3A_150 = vector.broadcast %broadcast_in_dim3A_149 : f32 to vector<16xf32>
      %swap3A_151 = arith.index_cast %scan3A_115 : i32 to index
      %swap3A_152 = arith.constant 80 : index
      %swap3A_153 = tpu.vector_load %arg12[%swap3A_151, %swap3A_152] {strides = array<i32>} : memref<128x128xf32, #tpu.memory_space<vmem>>, vector<1x16xf32>,
      %swap3A_154 = vector.shape_cast %swap3A_153 : vector<1x16xf32> to vector<16xf32>
      %swap3A_155 = vector.shape_cast %broadcast_in_dim3A_150 : vector<16xf32> to vector<1x16xf32>
      tpu.vector_store %arg12[%swap3A_151, %swap3A_152], %swap3A_155 {strides = array<i32>} : memref<128x128xf32, #tpu.memory_space<vmem>>, vector<1x16xf32>,
      %broadcast_in_dim3A_156 = arith.constant 0.000000e+00 : f32
      %broadcast_in_dim3A_157 = vector.broadcast %broadcast_in_dim3A_156 : f32 to vector<16xf32>
      %swap3A_158 = arith.index_cast %scan3A_115 : i32 to index
      %swap3A_159 = arith.constant 96 : index
      %swap3A_160 = tpu.vector_load %arg12[%swap3A_158, %swap3A_159] {strides = array<i32>} : memref<128x128xf32, #tpu.memory_space<vmem>>, vector<1x16xf32>,
      %swap3A_161 = vector.shape_cast %swap3A_160 : vector<1x16xf32> to vector<16xf32>
      %swap3A_162 = vector.shape_cast %broadcast_in_dim3A_157 : vector<16xf32> to vector<1x16xf32>
      tpu.vector_store %arg12[%swap3A_158, %swap3A_159], %swap3A_162 {strides = array<i32>} : memref<128x128xf32, #tpu.memory_space<vmem>>, vector<1x16xf32>,
      %broadcast_in_dim3A_163 = arith.constant 0.000000e+00 : f32
      %broadcast_in_dim3A_164 = vector.broadcast %broadcast_in_dim3A_163 : f32 to vector<16xf32>
      %swap3A_165 = arith.index_cast %scan3A_115 : i32 to index
      %swap3A_166 = arith.constant 112 : index
      %swap3A_167 = tpu.vector_load %arg12[%swap3A_165, %swap3A_166] {strides = array<i32>} : memref<128x128xf32, #tpu.memory_space<vmem>>, vector<1x16xf32>,
      %swap3A_168 = vector.shape_cast %swap3A_167 : vector<1x16xf32> to vector<16xf32>
      %swap3A_169 = vector.shape_cast %broadcast_in_dim3A_164 : vector<16xf32> to vector<1x16xf32>
      tpu.vector_store %arg12[%swap3A_165, %swap3A_166], %swap3A_169 {strides = array<i32>} : memref<128x128xf32, #tpu.memory_space<vmem>>, vector<1x16xf32>,
    }
    %scan3A_62 = arith.constant 128 : i32
    %scan3A_63 = arith.constant 0 : i32
    %scan3A_64 = arith.constant 0 : i32
    %scan3A_65 = arith.constant 5 : i32
    %scan3A_66 = arith.addi %scan3A_64, %scan3A_65 : i32
    %scan3A_67 = arith.constant 1 : i32
    scf.for %scan3A_115 = %scan3A_64 to %scan3A_66 step %scan3A_67  : i32 {
      %mul3A_116 = arith.constant 640 : i32
      %mul3A_117 = arith.muli %arg1, %mul3A_116 : i32
      %mul3A_118 = arith.constant 128 : i32
      %mul3A_119 = arith.muli %scan3A_115, %mul3A_118 : i32
      %add3A_120 = arith.addi %mul3A_117, %mul3A_119 : i32
      "tpu.region"() ({
        %run_scoped3A = tpu.sem_alloc : memref<!tpu.dma_semaphore, #tpu.memory_space<semaphore_mem>>
        %dma_start3A = arith.constant 0 : i32
        %dma_start3A_121 = tpu.memref_slice %arg13[%add3A_120, %dma_start3A] : memref<10240x128xf32, #tpu.memory_space<vmem_shared>> -> memref<128x128xf32, #tpu.memory_space<vmem_shared>>
        %dma_start3A_122 = arith.constant 0 : i32
        %dma_start3A_123 = tpu.memref_slice %arg13[%add3A_120, %dma_start3A_122] : memref<10240x128xf32, #tpu.memory_space<vmem_shared>> -> memref<128x128xf32, #tpu.memory_space<vmem_shared>>
        tpu.enqueue_dma source(%arg12 : memref<128x128xf32, #tpu.memory_space<vmem>>) target(%dma_start3A_123 : memref<128x128xf32, #tpu.memory_space<vmem_shared>>) target_semaphore(%run_scoped3A : memref<!tpu.dma_semaphore, #tpu.memory_space<semaphore_mem>>)
        %dma_wait3A = arith.constant 0 : i32
        %dma_wait3A_124 = tpu.memref_slice %arg13[%add3A_120, %dma_wait3A] : memref<10240x128xf32, #tpu.memory_space<vmem_shared>> -> memref<128x128xf32, #tpu.memory_space<vmem_shared>>
        %dma_wait3A_125 = arith.constant 0 : i32
        %dma_wait3A_126 = tpu.memref_slice %arg13[%add3A_120, %dma_wait3A_125] : memref<10240x128xf32, #tpu.memory_space<vmem_shared>> -> memref<128x128xf32, #tpu.memory_space<vmem_shared>>
        tpu.wait_dma2 semaphore(%run_scoped3A : memref<!tpu.dma_semaphore, #tpu.memory_space<semaphore_mem>>) src(%arg12 : memref<128x128xf32, #tpu.memory_space<vmem>>) dst(%dma_wait3A_126 : memref<128x128xf32, #tpu.memory_space<vmem_shared>>)
        tpu.yield
      }) : () -> ()
    }
    %scan3A_68 = arith.constant 5 : i32
    %barrier3A_69 = arith.constant 0 : index
    tpu.barrier barrier_id(%barrier3A_69)
    %scan3A_70 = arith.constant 0 : i32
    %scan3A_71 = arith.constant 0 : i32
    %scan3A_72 = arith.constant 40 : i32
    %scan3A_73 = arith.addi %scan3A_71, %scan3A_72 : i32
    %scan3A_74 = arith.constant 1 : i32
    scf.for %scan3A_115 = %scan3A_71 to %scan3A_73 step %scan3A_74  : i32 {
      %mul3A_116 = arith.constant 40 : i32
      %mul3A_117 = arith.muli %add3A, %mul3A_116 : i32
      %add3A_118 = arith.addi %mul3A_117, %scan3A_115 : i32
      %mul3A_119 = arith.constant 128 : i32
      %mul3A_120 = arith.muli %add3A_118, %mul3A_119 : i32
      "tpu.region"() ({
        %run_scoped3A = tpu.sem_alloc : memref<!tpu.dma_semaphore, #tpu.memory_space<semaphore_mem>>
        %dma_start3A = tpu.memref_slice %arg5[%mul3A_120] : memref<163840xi32, #tpu.memory_space<hbm>> -> memref<128xi32, #tpu.memory_space<hbm>>
        %dma_start3A_121 = tpu.memref_slice %arg5[%mul3A_120] : memref<163840xi32, #tpu.memory_space<hbm>> -> memref<128xi32, #tpu.memory_space<hbm>>
        tpu.enqueue_dma source(%dma_start3A_121 : memref<128xi32, #tpu.memory_space<hbm>>) target(%arg10 : memref<128xi32, #tpu.memory_space<vmem>>) target_semaphore(%run_scoped3A : memref<!tpu.dma_semaphore, #tpu.memory_space<semaphore_mem>>)
        %dma_wait3A = tpu.memref_slice %arg5[%mul3A_120] : memref<163840xi32, #tpu.memory_space<hbm>> -> memref<128xi32, #tpu.memory_space<hbm>>
        %dma_wait3A_122 = tpu.memref_slice %arg5[%mul3A_120] : memref<163840xi32, #tpu.memory_space<hbm>> -> memref<128xi32, #tpu.memory_space<hbm>>
        tpu.wait_dma2 semaphore(%run_scoped3A : memref<!tpu.dma_semaphore, #tpu.memory_space<semaphore_mem>>) src(%dma_wait3A_122 : memref<128xi32, #tpu.memory_space<hbm>>) dst(%arg10 : memref<128xi32, #tpu.memory_space<vmem>>)
        tpu.yield
      }) : () -> ()
      "tpu.region"() ({
        %run_scoped3A = tpu.sem_alloc : memref<!tpu.dma_semaphore, #tpu.memory_space<semaphore_mem>>
        %dma_start3A = arith.constant 0 : i32
        %dma_start3A_121 = tpu.memref_slice %arg4[%mul3A_120, %dma_start3A] : memref<163840x128xf32, #tpu.memory_space<hbm>> -> memref<128x128xf32, #tpu.memory_space<hbm>>
        %dma_start3A_122 = arith.constant 0 : i32
        %dma_start3A_123 = tpu.memref_slice %arg4[%mul3A_120, %dma_start3A_122] : memref<163840x128xf32, #tpu.memory_space<hbm>> -> memref<128x128xf32, #tpu.memory_space<hbm>>
        tpu.enqueue_dma source(%dma_start3A_123 : memref<128x128xf32, #tpu.memory_space<hbm>>) target(%arg11 : memref<128x128xf32, #tpu.memory_space<vmem>>) target_semaphore(%run_scoped3A : memref<!tpu.dma_semaphore, #tpu.memory_space<semaphore_mem>>)
        %dma_wait3A = arith.constant 0 : i32
        %dma_wait3A_124 = tpu.memref_slice %arg4[%mul3A_120, %dma_wait3A] : memref<163840x128xf32, #tpu.memory_space<hbm>> -> memref<128x128xf32, #tpu.memory_space<hbm>>
        %dma_wait3A_125 = arith.constant 0 : i32
        %dma_wait3A_126 = tpu.memref_slice %arg4[%mul3A_120, %dma_wait3A_125] : memref<163840x128xf32, #tpu.memory_space<hbm>> -> memref<128x128xf32, #tpu.memory_space<hbm>>
        tpu.wait_dma2 semaphore(%run_scoped3A : memref<!tpu.dma_semaphore, #tpu.memory_space<semaphore_mem>>) src(%dma_wait3A_126 : memref<128x128xf32, #tpu.memory_space<hbm>>) dst(%arg11 : memref<128x128xf32, #tpu.memory_space<vmem>>)
        tpu.yield
      }) : () -> ()
      "tpu.region"() ({
        %run_scoped3A = tpu.sem_alloc : memref<!tpu.dma_semaphore, #tpu.memory_space<semaphore_mem>>
        %dma_start3A = arith.constant 0 : i32
        %dma_start3A_121 = arith.constant 0 : i32
        %dma_start3A_122 = tpu.memref_slice %arg13[%dma_start3A, %dma_start3A_121] : memref<10240x128xf32, #tpu.memory_space<vmem_shared>> -> memref<10240x128xf32, #tpu.memory_space<vmem_shared>>
        tpu.enqueue_indirect_dma source(%arg11 : memref<128x128xf32, #tpu.memory_space<vmem>>) target(%dma_start3A_122 : memref<10240x128xf32, #tpu.memory_space<vmem_shared>>) offsets(%arg10 : memref<128xi32, #tpu.memory_space<vmem>>) semaphore(%run_scoped3A : memref<!tpu.dma_semaphore, #tpu.memory_space<semaphore_mem>>) {add = true}
        %dma_wait3A = arith.constant 0 : i32
        %dma_wait3A_123 = arith.constant 0 : i32
        %dma_wait3A_124 = tpu.memref_slice %arg13[%dma_wait3A, %dma_wait3A_123] : memref<10240x128xf32, #tpu.memory_space<vmem_shared>> -> memref<10240x128xf32, #tpu.memory_space<vmem_shared>>
        tpu.wait_indirect_dma semaphore(%run_scoped3A : memref<!tpu.dma_semaphore, #tpu.memory_space<semaphore_mem>>) src(%arg11 : memref<128x128xf32, #tpu.memory_space<vmem>>) dst(%dma_wait3A_124 : memref<10240x128xf32, #tpu.memory_space<vmem_shared>>)
        tpu.yield
      }) : () -> ()
    }
    %scan3A_75 = arith.constant 40 : i32
    %barrier3A_76 = arith.constant 0 : index
    tpu.barrier barrier_id(%barrier3A_76)
    %scan3A_77 = arith.constant 0 : i32
    %scan3A_78 = arith.constant 0 : i32
    %scan3A_79 = arith.constant 5 : i32
    %scan3A_80 = arith.addi %scan3A_78, %scan3A_79 : i32
    %scan3A_81 = arith.constant 1 : i32
    scf.for %scan3A_115 = %scan3A_78 to %scan3A_80 step %scan3A_81  : i32 {
      %mul3A_116 = arith.constant 640 : i32
      %mul3A_117 = arith.muli %arg1, %mul3A_116 : i32
      %mul3A_118 = arith.constant 128 : i32
      %mul3A_119 = arith.muli %scan3A_115, %mul3A_118 : i32
      %add3A_120 = arith.addi %mul3A_117, %mul3A_119 : i32
      "tpu.region"() ({
        %run_scoped3A = tpu.sem_alloc : memref<!tpu.dma_semaphore, #tpu.memory_space<semaphore_mem>>
        %dma_start3A = arith.constant 0 : i32
        %dma_start3A_121 = tpu.memref_slice %arg13[%add3A_120, %dma_start3A] : memref<10240x128xf32, #tpu.memory_space<vmem_shared>> -> memref<128x128xf32, #tpu.memory_space<vmem_shared>>
        %dma_start3A_122 = arith.constant 0 : i32
        %dma_start3A_123 = tpu.memref_slice %arg13[%add3A_120, %dma_start3A_122] : memref<10240x128xf32, #tpu.memory_space<vmem_shared>> -> memref<128x128xf32, #tpu.memory_space<vmem_shared>>
        tpu.enqueue_dma source(%dma_start3A_123 : memref<128x128xf32, #tpu.memory_space<vmem_shared>>) target(%arg12 : memref<128x128xf32, #tpu.memory_space<vmem>>) target_semaphore(%run_scoped3A : memref<!tpu.dma_semaphore, #tpu.memory_space<semaphore_mem>>)
        %dma_wait3A = arith.constant 0 : i32
        %dma_wait3A_124 = tpu.memref_slice %arg13[%add3A_120, %dma_wait3A] : memref<10240x128xf32, #tpu.memory_space<vmem_shared>> -> memref<128x128xf32, #tpu.memory_space<vmem_shared>>
        %dma_wait3A_125 = arith.constant 0 : i32
        %dma_wait3A_126 = tpu.memref_slice %arg13[%add3A_120, %dma_wait3A_125] : memref<10240x128xf32, #tpu.memory_space<vmem_shared>> -> memref<128x128xf32, #tpu.memory_space<vmem_shared>>
        tpu.wait_dma2 semaphore(%run_scoped3A : memref<!tpu.dma_semaphore, #tpu.memory_space<semaphore_mem>>) src(%dma_wait3A_126 : memref<128x128xf32, #tpu.memory_space<vmem_shared>>) dst(%arg12 : memref<128x128xf32, #tpu.memory_space<vmem>>)
        tpu.yield
      }) : () -> ()
      "tpu.region"() ({
        %run_scoped3A = tpu.sem_alloc : memref<!tpu.dma_semaphore, #tpu.memory_space<semaphore_mem>>
        %dma_start3A = arith.constant 0 : i32
        %dma_start3A_121 = tpu.memref_slice %arg8[%arg0, %add3A_120, %dma_start3A] : memref<2x10240x128xf32, #tpu.memory_space<hbm>> -> memref<1x128x128xf32, #tpu.memory_space<hbm>>
        %dma_start3A_122 = tpu.memref_squeeze %dma_start3A_121 : memref<1x128x128xf32, #tpu.memory_space<hbm>> -> memref<128x128xf32, #tpu.memory_space<hbm>>
        %dma_start3A_123 = arith.constant 0 : i32
        %dma_start3A_124 = tpu.memref_slice %arg8[%arg0, %add3A_120, %dma_start3A_123] : memref<2x10240x128xf32, #tpu.memory_space<hbm>> -> memref<1x128x128xf32, #tpu.memory_space<hbm>>
        %dma_start3A_125 = tpu.memref_squeeze %dma_start3A_124 : memref<1x128x128xf32, #tpu.memory_space<hbm>> -> memref<128x128xf32, #tpu.memory_space<hbm>>
        tpu.enqueue_dma source(%arg12 : memref<128x128xf32, #tpu.memory_space<vmem>>) target(%dma_start3A_125 : memref<128x128xf32, #tpu.memory_space<hbm>>) target_semaphore(%run_scoped3A : memref<!tpu.dma_semaphore, #tpu.memory_space<semaphore_mem>>)
        %dma_wait3A = arith.constant 0 : i32
        %dma_wait3A_126 = tpu.memref_slice %arg8[%arg0, %add3A_120, %dma_wait3A] : memref<2x10240x128xf32, #tpu.memory_space<hbm>> -> memref<1x128x128xf32, #tpu.memory_space<hbm>>
        %dma_wait3A_127 = tpu.memref_squeeze %dma_wait3A_126 : memref<1x128x128xf32, #tpu.memory_space<hbm>> -> memref<128x128xf32, #tpu.memory_space<hbm>>
        %dma_wait3A_128 = arith.constant 0 : i32
        %dma_wait3A_129 = tpu.memref_slice %arg8[%arg0, %add3A_120, %dma_wait3A_128] : memref<2x10240x128xf32, #tpu.memory_space<hbm>> -> memref<1x128x128xf32, #tpu.memory_space<hbm>>
        %dma_wait3A_130 = tpu.memref_squeeze %dma_wait3A_129 : memref<1x128x128xf32, #tpu.memory_space<hbm>> -> memref<128x128xf32, #tpu.memory_space<hbm>>
        tpu.wait_dma2 semaphore(%run_scoped3A : memref<!tpu.dma_semaphore, #tpu.memory_space<semaphore_mem>>) src(%arg12 : memref<128x128xf32, #tpu.memory_space<vmem>>) dst(%dma_wait3A_130 : memref<128x128xf32, #tpu.memory_space<hbm>>)
        tpu.yield
      }) : () -> ()
    }
    %scan3A_82 = arith.constant 5 : i32
    %scan3A_83 = arith.constant 0 : i32
    %scan3A_84 = arith.constant 0 : i32
    %scan3A_85 = arith.constant 128 : i32
    %scan3A_86 = arith.addi %scan3A_84, %scan3A_85 : i32
    %scan3A_87 = arith.constant 1 : i32
    scf.for %scan3A_115 = %scan3A_84 to %scan3A_86 step %scan3A_87  : i32 {
      %broadcast_in_dim3A = arith.constant 0.000000e+00 : f32
      %broadcast_in_dim3A_116 = vector.broadcast %broadcast_in_dim3A : f32 to vector<16xf32>
      %swap3A = arith.index_cast %scan3A_115 : i32 to index
      %swap3A_117 = arith.constant 0 : index
      %swap3A_118 = tpu.vector_load %arg12[%swap3A, %swap3A_117] {strides = array<i32>} : memref<128x128xf32, #tpu.memory_space<vmem>>, vector<1x16xf32>,
      %swap3A_119 = vector.shape_cast %swap3A_118 : vector<1x16xf32> to vector<16xf32>
      %swap3A_120 = vector.shape_cast %broadcast_in_dim3A_116 : vector<16xf32> to vector<1x16xf32>
      tpu.vector_store %arg12[%swap3A, %swap3A_117], %swap3A_120 {strides = array<i32>} : memref<128x128xf32, #tpu.memory_space<vmem>>, vector<1x16xf32>,
      %broadcast_in_dim3A_121 = arith.constant 0.000000e+00 : f32
      %broadcast_in_dim3A_122 = vector.broadcast %broadcast_in_dim3A_121 : f32 to vector<16xf32>
      %swap3A_123 = arith.index_cast %scan3A_115 : i32 to index
      %swap3A_124 = arith.constant 16 : index
      %swap3A_125 = tpu.vector_load %arg12[%swap3A_123, %swap3A_124] {strides = array<i32>} : memref<128x128xf32, #tpu.memory_space<vmem>>, vector<1x16xf32>,
      %swap3A_126 = vector.shape_cast %swap3A_125 : vector<1x16xf32> to vector<16xf32>
      %swap3A_127 = vector.shape_cast %broadcast_in_dim3A_122 : vector<16xf32> to vector<1x16xf32>
      tpu.vector_store %arg12[%swap3A_123, %swap3A_124], %swap3A_127 {strides = array<i32>} : memref<128x128xf32, #tpu.memory_space<vmem>>, vector<1x16xf32>,
      %broadcast_in_dim3A_128 = arith.constant 0.000000e+00 : f32
      %broadcast_in_dim3A_129 = vector.broadcast %broadcast_in_dim3A_128 : f32 to vector<16xf32>
      %swap3A_130 = arith.index_cast %scan3A_115 : i32 to index
      %swap3A_131 = arith.constant 32 : index
      %swap3A_132 = tpu.vector_load %arg12[%swap3A_130, %swap3A_131] {strides = array<i32>} : memref<128x128xf32, #tpu.memory_space<vmem>>, vector<1x16xf32>,
      %swap3A_133 = vector.shape_cast %swap3A_132 : vector<1x16xf32> to vector<16xf32>
      %swap3A_134 = vector.shape_cast %broadcast_in_dim3A_129 : vector<16xf32> to vector<1x16xf32>
      tpu.vector_store %arg12[%swap3A_130, %swap3A_131], %swap3A_134 {strides = array<i32>} : memref<128x128xf32, #tpu.memory_space<vmem>>, vector<1x16xf32>,
      %broadcast_in_dim3A_135 = arith.constant 0.000000e+00 : f32
      %broadcast_in_dim3A_136 = vector.broadcast %broadcast_in_dim3A_135 : f32 to vector<16xf32>
      %swap3A_137 = arith.index_cast %scan3A_115 : i32 to index
      %swap3A_138 = arith.constant 48 : index
      %swap3A_139 = tpu.vector_load %arg12[%swap3A_137, %swap3A_138] {strides = array<i32>} : memref<128x128xf32, #tpu.memory_space<vmem>>, vector<1x16xf32>,
      %swap3A_140 = vector.shape_cast %swap3A_139 : vector<1x16xf32> to vector<16xf32>
      %swap3A_141 = vector.shape_cast %broadcast_in_dim3A_136 : vector<16xf32> to vector<1x16xf32>
      tpu.vector_store %arg12[%swap3A_137, %swap3A_138], %swap3A_141 {strides = array<i32>} : memref<128x128xf32, #tpu.memory_space<vmem>>, vector<1x16xf32>,
      %broadcast_in_dim3A_142 = arith.constant 0.000000e+00 : f32
      %broadcast_in_dim3A_143 = vector.broadcast %broadcast_in_dim3A_142 : f32 to vector<16xf32>
      %swap3A_144 = arith.index_cast %scan3A_115 : i32 to index
      %swap3A_145 = arith.constant 64 : index
      %swap3A_146 = tpu.vector_load %arg12[%swap3A_144, %swap3A_145] {strides = array<i32>} : memref<128x128xf32, #tpu.memory_space<vmem>>, vector<1x16xf32>,
      %swap3A_147 = vector.shape_cast %swap3A_146 : vector<1x16xf32> to vector<16xf32>
      %swap3A_148 = vector.shape_cast %broadcast_in_dim3A_143 : vector<16xf32> to vector<1x16xf32>
      tpu.vector_store %arg12[%swap3A_144, %swap3A_145], %swap3A_148 {strides = array<i32>} : memref<128x128xf32, #tpu.memory_space<vmem>>, vector<1x16xf32>,
      %broadcast_in_dim3A_149 = arith.constant 0.000000e+00 : f32
      %broadcast_in_dim3A_150 = vector.broadcast %broadcast_in_dim3A_149 : f32 to vector<16xf32>
      %swap3A_151 = arith.index_cast %scan3A_115 : i32 to index
      %swap3A_152 = arith.constant 80 : index
      %swap3A_153 = tpu.vector_load %arg12[%swap3A_151, %swap3A_152] {strides = array<i32>} : memref<128x128xf32, #tpu.memory_space<vmem>>, vector<1x16xf32>,
      %swap3A_154 = vector.shape_cast %swap3A_153 : vector<1x16xf32> to vector<16xf32>
      %swap3A_155 = vector.shape_cast %broadcast_in_dim3A_150 : vector<16xf32> to vector<1x16xf32>
      tpu.vector_store %arg12[%swap3A_151, %swap3A_152], %swap3A_155 {strides = array<i32>} : memref<128x128xf32, #tpu.memory_space<vmem>>, vector<1x16xf32>,
      %broadcast_in_dim3A_156 = arith.constant 0.000000e+00 : f32
      %broadcast_in_dim3A_157 = vector.broadcast %broadcast_in_dim3A_156 : f32 to vector<16xf32>
      %swap3A_158 = arith.index_cast %scan3A_115 : i32 to index
      %swap3A_159 = arith.constant 96 : index
      %swap3A_160 = tpu.vector_load %arg12[%swap3A_158, %swap3A_159] {strides = array<i32>} : memref<128x128xf32, #tpu.memory_space<vmem>>, vector<1x16xf32>,
      %swap3A_161 = vector.shape_cast %swap3A_160 : vector<1x16xf32> to vector<16xf32>
      %swap3A_162 = vector.shape_cast %broadcast_in_dim3A_157 : vector<16xf32> to vector<1x16xf32>
      tpu.vector_store %arg12[%swap3A_158, %swap3A_159], %swap3A_162 {strides = array<i32>} : memref<128x128xf32, #tpu.memory_space<vmem>>, vector<1x16xf32>,
      %broadcast_in_dim3A_163 = arith.constant 0.000000e+00 : f32
      %broadcast_in_dim3A_164 = vector.broadcast %broadcast_in_dim3A_163 : f32 to vector<16xf32>
      %swap3A_165 = arith.index_cast %scan3A_115 : i32 to index
      %swap3A_166 = arith.constant 112 : index
      %swap3A_167 = tpu.vector_load %arg12[%swap3A_165, %swap3A_166] {strides = array<i32>} : memref<128x128xf32, #tpu.memory_space<vmem>>, vector<1x16xf32>,
      %swap3A_168 = vector.shape_cast %swap3A_167 : vector<1x16xf32> to vector<16xf32>
      %swap3A_169 = vector.shape_cast %broadcast_in_dim3A_164 : vector<16xf32> to vector<1x16xf32>
      tpu.vector_store %arg12[%swap3A_165, %swap3A_166], %swap3A_169 {strides = array<i32>} : memref<128x128xf32, #tpu.memory_space<vmem>>, vector<1x16xf32>,
    }
    %scan3A_88 = arith.constant 128 : i32
    %scan3A_89 = arith.constant 0 : i32
    %scan3A_90 = arith.constant 0 : i32
    %scan3A_91 = arith.constant 5 : i32
    %scan3A_92 = arith.addi %scan3A_90, %scan3A_91 : i32
    %scan3A_93 = arith.constant 1 : i32
    scf.for %scan3A_115 = %scan3A_90 to %scan3A_92 step %scan3A_93  : i32 {
      %mul3A_116 = arith.constant 640 : i32
      %mul3A_117 = arith.muli %arg1, %mul3A_116 : i32
      %mul3A_118 = arith.constant 128 : i32
      %mul3A_119 = arith.muli %scan3A_115, %mul3A_118 : i32
      %add3A_120 = arith.addi %mul3A_117, %mul3A_119 : i32
      "tpu.region"() ({
        %run_scoped3A = tpu.sem_alloc : memref<!tpu.dma_semaphore, #tpu.memory_space<semaphore_mem>>
        %dma_start3A = arith.constant 0 : i32
        %dma_start3A_121 = tpu.memref_slice %arg13[%add3A_120, %dma_start3A] : memref<10240x128xf32, #tpu.memory_space<vmem_shared>> -> memref<128x128xf32, #tpu.memory_space<vmem_shared>>
        %dma_start3A_122 = arith.constant 0 : i32
        %dma_start3A_123 = tpu.memref_slice %arg13[%add3A_120, %dma_start3A_122] : memref<10240x128xf32, #tpu.memory_space<vmem_shared>> -> memref<128x128xf32, #tpu.memory_space<vmem_shared>>
        tpu.enqueue_dma source(%arg12 : memref<128x128xf32, #tpu.memory_space<vmem>>) target(%dma_start3A_123 : memref<128x128xf32, #tpu.memory_space<vmem_shared>>) target_semaphore(%run_scoped3A : memref<!tpu.dma_semaphore, #tpu.memory_space<semaphore_mem>>)
        %dma_wait3A = arith.constant 0 : i32
        %dma_wait3A_124 = tpu.memref_slice %arg13[%add3A_120, %dma_wait3A] : memref<10240x128xf32, #tpu.memory_space<vmem_shared>> -> memref<128x128xf32, #tpu.memory_space<vmem_shared>>
        %dma_wait3A_125 = arith.constant 0 : i32
        %dma_wait3A_126 = tpu.memref_slice %arg13[%add3A_120, %dma_wait3A_125] : memref<10240x128xf32, #tpu.memory_space<vmem_shared>> -> memref<128x128xf32, #tpu.memory_space<vmem_shared>>
        tpu.wait_dma2 semaphore(%run_scoped3A : memref<!tpu.dma_semaphore, #tpu.memory_space<semaphore_mem>>) src(%arg12 : memref<128x128xf32, #tpu.memory_space<vmem>>) dst(%dma_wait3A_126 : memref<128x128xf32, #tpu.memory_space<vmem_shared>>)
        tpu.yield
      }) : () -> ()
    }
    %scan3A_94 = arith.constant 5 : i32
    %scan3A_95 = arith.constant 0 : i32
    %scan3A_96 = arith.constant 0 : i32
    %scan3A_97 = arith.constant 128 : i32
    %scan3A_98 = arith.addi %scan3A_96, %scan3A_97 : i32
    %scan3A_99 = arith.constant 1 : i32
    scf.for %scan3A_115 = %scan3A_96 to %scan3A_98 step %scan3A_99  : i32 {
      %broadcast_in_dim3A = arith.constant 1.000000e+00 : f32
      %broadcast_in_dim3A_116 = vector.broadcast %broadcast_in_dim3A : f32 to vector<16xf32>
      %swap3A = arith.index_cast %scan3A_115 : i32 to index
      %swap3A_117 = arith.constant 0 : index
      %swap3A_118 = tpu.vector_load %arg11[%swap3A, %swap3A_117] {strides = array<i32>} : memref<128x128xf32, #tpu.memory_space<vmem>>, vector<1x16xf32>,
      %swap3A_119 = vector.shape_cast %swap3A_118 : vector<1x16xf32> to vector<16xf32>
      %swap3A_120 = vector.shape_cast %broadcast_in_dim3A_116 : vector<16xf32> to vector<1x16xf32>
      tpu.vector_store %arg11[%swap3A, %swap3A_117], %swap3A_120 {strides = array<i32>} : memref<128x128xf32, #tpu.memory_space<vmem>>, vector<1x16xf32>,
      %broadcast_in_dim3A_121 = arith.constant 1.000000e+00 : f32
      %broadcast_in_dim3A_122 = vector.broadcast %broadcast_in_dim3A_121 : f32 to vector<16xf32>
      %swap3A_123 = arith.index_cast %scan3A_115 : i32 to index
      %swap3A_124 = arith.constant 16 : index
      %swap3A_125 = tpu.vector_load %arg11[%swap3A_123, %swap3A_124] {strides = array<i32>} : memref<128x128xf32, #tpu.memory_space<vmem>>, vector<1x16xf32>,
      %swap3A_126 = vector.shape_cast %swap3A_125 : vector<1x16xf32> to vector<16xf32>
      %swap3A_127 = vector.shape_cast %broadcast_in_dim3A_122 : vector<16xf32> to vector<1x16xf32>
      tpu.vector_store %arg11[%swap3A_123, %swap3A_124], %swap3A_127 {strides = array<i32>} : memref<128x128xf32, #tpu.memory_space<vmem>>, vector<1x16xf32>,
      %broadcast_in_dim3A_128 = arith.constant 1.000000e+00 : f32
      %broadcast_in_dim3A_129 = vector.broadcast %broadcast_in_dim3A_128 : f32 to vector<16xf32>
      %swap3A_130 = arith.index_cast %scan3A_115 : i32 to index
      %swap3A_131 = arith.constant 32 : index
      %swap3A_132 = tpu.vector_load %arg11[%swap3A_130, %swap3A_131] {strides = array<i32>} : memref<128x128xf32, #tpu.memory_space<vmem>>, vector<1x16xf32>,
      %swap3A_133 = vector.shape_cast %swap3A_132 : vector<1x16xf32> to vector<16xf32>
      %swap3A_134 = vector.shape_cast %broadcast_in_dim3A_129 : vector<16xf32> to vector<1x16xf32>
      tpu.vector_store %arg11[%swap3A_130, %swap3A_131], %swap3A_134 {strides = array<i32>} : memref<128x128xf32, #tpu.memory_space<vmem>>, vector<1x16xf32>,
      %broadcast_in_dim3A_135 = arith.constant 1.000000e+00 : f32
      %broadcast_in_dim3A_136 = vector.broadcast %broadcast_in_dim3A_135 : f32 to vector<16xf32>
      %swap3A_137 = arith.index_cast %scan3A_115 : i32 to index
      %swap3A_138 = arith.constant 48 : index
      %swap3A_139 = tpu.vector_load %arg11[%swap3A_137, %swap3A_138] {strides = array<i32>} : memref<128x128xf32, #tpu.memory_space<vmem>>, vector<1x16xf32>,
      %swap3A_140 = vector.shape_cast %swap3A_139 : vector<1x16xf32> to vector<16xf32>
      %swap3A_141 = vector.shape_cast %broadcast_in_dim3A_136 : vector<16xf32> to vector<1x16xf32>
      tpu.vector_store %arg11[%swap3A_137, %swap3A_138], %swap3A_141 {strides = array<i32>} : memref<128x128xf32, #tpu.memory_space<vmem>>, vector<1x16xf32>,
      %broadcast_in_dim3A_142 = arith.constant 1.000000e+00 : f32
      %broadcast_in_dim3A_143 = vector.broadcast %broadcast_in_dim3A_142 : f32 to vector<16xf32>
      %swap3A_144 = arith.index_cast %scan3A_115 : i32 to index
      %swap3A_145 = arith.constant 64 : index
      %swap3A_146 = tpu.vector_load %arg11[%swap3A_144, %swap3A_145] {strides = array<i32>} : memref<128x128xf32, #tpu.memory_space<vmem>>, vector<1x16xf32>,
      %swap3A_147 = vector.shape_cast %swap3A_146 : vector<1x16xf32> to vector<16xf32>
      %swap3A_148 = vector.shape_cast %broadcast_in_dim3A_143 : vector<16xf32> to vector<1x16xf32>
      tpu.vector_store %arg11[%swap3A_144, %swap3A_145], %swap3A_148 {strides = array<i32>} : memref<128x128xf32, #tpu.memory_space<vmem>>, vector<1x16xf32>,
      %broadcast_in_dim3A_149 = arith.constant 1.000000e+00 : f32
      %broadcast_in_dim3A_150 = vector.broadcast %broadcast_in_dim3A_149 : f32 to vector<16xf32>
      %swap3A_151 = arith.index_cast %scan3A_115 : i32 to index
      %swap3A_152 = arith.constant 80 : index
      %swap3A_153 = tpu.vector_load %arg11[%swap3A_151, %swap3A_152] {strides = array<i32>} : memref<128x128xf32, #tpu.memory_space<vmem>>, vector<1x16xf32>,
      %swap3A_154 = vector.shape_cast %swap3A_153 : vector<1x16xf32> to vector<16xf32>
      %swap3A_155 = vector.shape_cast %broadcast_in_dim3A_150 : vector<16xf32> to vector<1x16xf32>
      tpu.vector_store %arg11[%swap3A_151, %swap3A_152], %swap3A_155 {strides = array<i32>} : memref<128x128xf32, #tpu.memory_space<vmem>>, vector<1x16xf32>,
      %broadcast_in_dim3A_156 = arith.constant 1.000000e+00 : f32
      %broadcast_in_dim3A_157 = vector.broadcast %broadcast_in_dim3A_156 : f32 to vector<16xf32>
      %swap3A_158 = arith.index_cast %scan3A_115 : i32 to index
      %swap3A_159 = arith.constant 96 : index
      %swap3A_160 = tpu.vector_load %arg11[%swap3A_158, %swap3A_159] {strides = array<i32>} : memref<128x128xf32, #tpu.memory_space<vmem>>, vector<1x16xf32>,
      %swap3A_161 = vector.shape_cast %swap3A_160 : vector<1x16xf32> to vector<16xf32>
      %swap3A_162 = vector.shape_cast %broadcast_in_dim3A_157 : vector<16xf32> to vector<1x16xf32>
      tpu.vector_store %arg11[%swap3A_158, %swap3A_159], %swap3A_162 {strides = array<i32>} : memref<128x128xf32, #tpu.memory_space<vmem>>, vector<1x16xf32>,
      %broadcast_in_dim3A_163 = arith.constant 1.000000e+00 : f32
      %broadcast_in_dim3A_164 = vector.broadcast %broadcast_in_dim3A_163 : f32 to vector<16xf32>
      %swap3A_165 = arith.index_cast %scan3A_115 : i32 to index
      %swap3A_166 = arith.constant 112 : index
      %swap3A_167 = tpu.vector_load %arg11[%swap3A_165, %swap3A_166] {strides = array<i32>} : memref<128x128xf32, #tpu.memory_space<vmem>>, vector<1x16xf32>,
      %swap3A_168 = vector.shape_cast %swap3A_167 : vector<1x16xf32> to vector<16xf32>
      %swap3A_169 = vector.shape_cast %broadcast_in_dim3A_164 : vector<16xf32> to vector<1x16xf32>
      tpu.vector_store %arg11[%swap3A_165, %swap3A_166], %swap3A_169 {strides = array<i32>} : memref<128x128xf32, #tpu.memory_space<vmem>>, vector<1x16xf32>,
    }
    %scan3A_100 = arith.constant 128 : i32
    %barrier3A_101 = arith.constant 0 : index
    tpu.barrier barrier_id(%barrier3A_101)
    %scan3A_102 = arith.constant 0 : i32
    %scan3A_103 = arith.constant 0 : i32
    %scan3A_104 = arith.constant 40 : i32
    %scan3A_105 = arith.addi %scan3A_103, %scan3A_104 : i32
    %scan3A_106 = arith.constant 1 : i32
    scf.for %scan3A_115 = %scan3A_103 to %scan3A_105 step %scan3A_106  : i32 {
      %mul3A_116 = arith.constant 40 : i32
      %mul3A_117 = arith.muli %add3A, %mul3A_116 : i32
      %add3A_118 = arith.addi %mul3A_117, %scan3A_115 : i32
      %mul3A_119 = arith.constant 128 : i32
      %mul3A_120 = arith.muli %add3A_118, %mul3A_119 : i32
      "tpu.region"() ({
        %run_scoped3A = tpu.sem_alloc : memref<!tpu.dma_semaphore, #tpu.memory_space<semaphore_mem>>
        %dma_start3A = tpu.memref_slice %arg5[%mul3A_120] : memref<163840xi32, #tpu.memory_space<hbm>> -> memref<128xi32, #tpu.memory_space<hbm>>
        %dma_start3A_121 = tpu.memref_slice %arg5[%mul3A_120] : memref<163840xi32, #tpu.memory_space<hbm>> -> memref<128xi32, #tpu.memory_space<hbm>>
        tpu.enqueue_dma source(%dma_start3A_121 : memref<128xi32, #tpu.memory_space<hbm>>) target(%arg10 : memref<128xi32, #tpu.memory_space<vmem>>) target_semaphore(%run_scoped3A : memref<!tpu.dma_semaphore, #tpu.memory_space<semaphore_mem>>)
        %dma_wait3A = tpu.memref_slice %arg5[%mul3A_120] : memref<163840xi32, #tpu.memory_space<hbm>> -> memref<128xi32, #tpu.memory_space<hbm>>
        %dma_wait3A_122 = tpu.memref_slice %arg5[%mul3A_120] : memref<163840xi32, #tpu.memory_space<hbm>> -> memref<128xi32, #tpu.memory_space<hbm>>
        tpu.wait_dma2 semaphore(%run_scoped3A : memref<!tpu.dma_semaphore, #tpu.memory_space<semaphore_mem>>) src(%dma_wait3A_122 : memref<128xi32, #tpu.memory_space<hbm>>) dst(%arg10 : memref<128xi32, #tpu.memory_space<vmem>>)
        tpu.yield
      }) : () -> ()
      "tpu.region"() ({
        %run_scoped3A = tpu.sem_alloc : memref<!tpu.dma_semaphore, #tpu.memory_space<semaphore_mem>>
        %dma_start3A = arith.constant 0 : i32
        %dma_start3A_121 = arith.constant 0 : i32
        %dma_start3A_122 = tpu.memref_slice %arg13[%dma_start3A, %dma_start3A_121] : memref<10240x128xf32, #tpu.memory_space<vmem_shared>> -> memref<10240x128xf32, #tpu.memory_space<vmem_shared>>
        tpu.enqueue_indirect_dma source(%arg11 : memref<128x128xf32, #tpu.memory_space<vmem>>) target(%dma_start3A_122 : memref<10240x128xf32, #tpu.memory_space<vmem_shared>>) offsets(%arg10 : memref<128xi32, #tpu.memory_space<vmem>>) semaphore(%run_scoped3A : memref<!tpu.dma_semaphore, #tpu.memory_space<semaphore_mem>>) {add = true}
        %dma_wait3A = arith.constant 0 : i32
        %dma_wait3A_123 = arith.constant 0 : i32
        %dma_wait3A_124 = tpu.memref_slice %arg13[%dma_wait3A, %dma_wait3A_123] : memref<10240x128xf32, #tpu.memory_space<vmem_shared>> -> memref<10240x128xf32, #tpu.memory_space<vmem_shared>>
        tpu.wait_indirect_dma semaphore(%run_scoped3A : memref<!tpu.dma_semaphore, #tpu.memory_space<semaphore_mem>>) src(%arg11 : memref<128x128xf32, #tpu.memory_space<vmem>>) dst(%dma_wait3A_124 : memref<10240x128xf32, #tpu.memory_space<vmem_shared>>)
        tpu.yield
      }) : () -> ()
    }
    %scan3A_107 = arith.constant 40 : i32
    %barrier3A_108 = arith.constant 0 : index
    tpu.barrier barrier_id(%barrier3A_108)
    %scan3A_109 = arith.constant 0 : i32
    %scan3A_110 = arith.constant 0 : i32
    %scan3A_111 = arith.constant 5 : i32
    %scan3A_112 = arith.addi %scan3A_110, %scan3A_111 : i32
    %scan3A_113 = arith.constant 1 : i32
    scf.for %scan3A_115 = %scan3A_110 to %scan3A_112 step %scan3A_113  : i32 {
      %mul3A_116 = arith.constant 640 : i32
      %mul3A_117 = arith.muli %arg1, %mul3A_116 : i32
      %mul3A_118 = arith.constant 128 : i32
      %mul3A_119 = arith.muli %scan3A_115, %mul3A_118 : i32
      %add3A_120 = arith.addi %mul3A_117, %mul3A_119 : i32
      "tpu.region"() ({
        %run_scoped3A = tpu.sem_alloc : memref<!tpu.dma_semaphore, #tpu.memory_space<semaphore_mem>>
        %dma_start3A = arith.constant 0 : i32
        %dma_start3A_121 = tpu.memref_slice %arg13[%add3A_120, %dma_start3A] : memref<10240x128xf32, #tpu.memory_space<vmem_shared>> -> memref<128x128xf32, #tpu.memory_space<vmem_shared>>
        %dma_start3A_122 = arith.constant 0 : i32
        %dma_start3A_123 = tpu.memref_slice %arg13[%add3A_120, %dma_start3A_122] : memref<10240x128xf32, #tpu.memory_space<vmem_shared>> -> memref<128x128xf32, #tpu.memory_space<vmem_shared>>
        tpu.enqueue_dma source(%dma_start3A_123 : memref<128x128xf32, #tpu.memory_space<vmem_shared>>) target(%arg12 : memref<128x128xf32, #tpu.memory_space<vmem>>) target_semaphore(%run_scoped3A : memref<!tpu.dma_semaphore, #tpu.memory_space<semaphore_mem>>)
        %dma_wait3A = arith.constant 0 : i32
        %dma_wait3A_124 = tpu.memref_slice %arg13[%add3A_120, %dma_wait3A] : memref<10240x128xf32, #tpu.memory_space<vmem_shared>> -> memref<128x128xf32, #tpu.memory_space<vmem_shared>>
        %dma_wait3A_125 = arith.constant 0 : i32
        %dma_wait3A_126 = tpu.memref_slice %arg13[%add3A_120, %dma_wait3A_125] : memref<10240x128xf32, #tpu.memory_space<vmem_shared>> -> memref<128x128xf32, #tpu.memory_space<vmem_shared>>
        tpu.wait_dma2 semaphore(%run_scoped3A : memref<!tpu.dma_semaphore, #tpu.memory_space<semaphore_mem>>) src(%dma_wait3A_126 : memref<128x128xf32, #tpu.memory_space<vmem_shared>>) dst(%arg12 : memref<128x128xf32, #tpu.memory_space<vmem>>)
        tpu.yield
      }) : () -> ()
      "tpu.region"() ({
        %run_scoped3A = tpu.sem_alloc : memref<!tpu.dma_semaphore, #tpu.memory_space<semaphore_mem>>
        %dma_start3A = arith.constant 0 : i32
        %dma_start3A_121 = tpu.memref_slice %arg9[%arg0, %add3A_120, %dma_start3A] : memref<2x10240x128xf32, #tpu.memory_space<hbm>> -> memref<1x128x128xf32, #tpu.memory_space<hbm>>
        %dma_start3A_122 = tpu.memref_squeeze %dma_start3A_121 : memref<1x128x128xf32, #tpu.memory_space<hbm>> -> memref<128x128xf32, #tpu.memory_space<hbm>>
        %dma_start3A_123 = arith.constant 0 : i32
        %dma_start3A_124 = tpu.memref_slice %arg9[%arg0, %add3A_120, %dma_start3A_123] : memref<2x10240x128xf32, #tpu.memory_space<hbm>> -> memref<1x128x128xf32, #tpu.memory_space<hbm>>
        %dma_start3A_125 = tpu.memref_squeeze %dma_start3A_124 : memref<1x128x128xf32, #tpu.memory_space<hbm>> -> memref<128x128xf32, #tpu.memory_space<hbm>>
        tpu.enqueue_dma source(%arg12 : memref<128x128xf32, #tpu.memory_space<vmem>>) target(%dma_start3A_125 : memref<128x128xf32, #tpu.memory_space<hbm>>) target_semaphore(%run_scoped3A : memref<!tpu.dma_semaphore, #tpu.memory_space<semaphore_mem>>)
        %dma_wait3A = arith.constant 0 : i32
        %dma_wait3A_126 = tpu.memref_slice %arg9[%arg0, %add3A_120, %dma_wait3A] : memref<2x10240x128xf32, #tpu.memory_space<hbm>> -> memref<1x128x128xf32, #tpu.memory_space<hbm>>
        %dma_wait3A_127 = tpu.memref_squeeze %dma_wait3A_126 : memref<1x128x128xf32, #tpu.memory_space<hbm>> -> memref<128x128xf32, #tpu.memory_space<hbm>>
        %dma_wait3A_128 = arith.constant 0 : i32
        %dma_wait3A_129 = tpu.memref_slice %arg9[%arg0, %add3A_120, %dma_wait3A_128] : memref<2x10240x128xf32, #tpu.memory_space<hbm>> -> memref<1x128x128xf32, #tpu.memory_space<hbm>>
        %dma_wait3A_130 = tpu.memref_squeeze %dma_wait3A_129 : memref<1x128x128xf32, #tpu.memory_space<hbm>> -> memref<128x128xf32, #tpu.memory_space<hbm>>
        tpu.wait_dma2 semaphore(%run_scoped3A : memref<!tpu.dma_semaphore, #tpu.memory_space<semaphore_mem>>) src(%arg12 : memref<128x128xf32, #tpu.memory_space<vmem>>) dst(%dma_wait3A_130 : memref<128x128xf32, #tpu.memory_space<hbm>>)
        tpu.yield
      }) : () -> ()
    }
    %scan3A_114 = arith.constant 5 : i32
    return
  }
}

module attributes {stable_mosaic.version = 14 : i64} {
  func.func @_prep_body(%arg0: i32, %arg1: memref<1000x128xf32, #tpu.memory_space<vmem>>, %arg2: memref<40x128xf32, #tpu.memory_space<vmem>>, %arg3: memref<128x128xf32, #tpu.memory_space<vmem>>, %arg4: memref<128x128xf32, #tpu.memory_space<vmem>>, %arg5: memref<1x128xf32, #tpu.memory_space<vmem>>, %arg6: memref<1000x128xf32, #tpu.memory_space<vmem>>, %arg7: memref<1000x128xf32, #tpu.memory_space<vmem>>) attributes {dimension_semantics = [#tpu.dimension_semantics<arbitrary>], iteration_bounds = array<i64: 10>, scalar_prefetch = 0 : i64, scratch_operands = 0 : i64, tpu.core_type = #tpu.core_type<tc>, window_params = [{transform_indices = @transform_0, window_bounds = array<i64: 1000, 128>}, {transform_indices = @transform_1, window_bounds = array<i64: 40, 128>}, {pipeline_mode = #tpu.pipeline_mode<synchronous>, transform_indices = @transform_2, window_bounds = array<i64: 128, 128>}, {pipeline_mode = #tpu.pipeline_mode<synchronous>, transform_indices = @transform_3, window_bounds = array<i64: 128, 128>}, {pipeline_mode = #tpu.pipeline_mode<synchronous>, transform_indices = @transform_4, window_bounds = array<i64: 1, 128>}, {transform_indices = @transform_5, window_bounds = array<i64: 1000, 128>}, {transform_indices = @transform_6, window_bounds = array<i64: 1000, 128>}]} {
    %get3A = arith.constant 0 : index
    %get3A_0 = arith.constant 0 : index
    %get3A_1 = vector.load %arg1[%get3A, %get3A_0] : memref<1000x128xf32, #tpu.memory_space<vmem>>, vector<1000x128xf32>
    %get3A_2 = arith.constant 0 : index
    %get3A_3 = arith.constant 0 : index
    %get3A_4 = vector.load %arg3[%get3A_2, %get3A_3] : memref<128x128xf32, #tpu.memory_space<vmem>>, vector<128x128xf32>
    %dot_general3A = arith.constant dense<0.000000e+00> : vector<1000x128xf32>
    %dot_general3A_5 = tpu.matmul %get3A_1, %get3A_4, %dot_general3A {dimension_numbers = #tpu.dot_dimension_numbers<[1], [0], [0], [1], [0, 0, 1, 1], [], []>, transpose_lhs_hint = false} : vector<1000x128xf32>, vector<128x128xf32>, vector<1000x128xf32> -> vector<1000x128xf32>
    %get3A_6 = arith.constant 0 : index
    %get3A_7 = arith.constant 0 : index
    %get3A_8 = vector.load %arg2[%get3A_6, %get3A_7] : memref<40x128xf32, #tpu.memory_space<vmem>>, vector<40x128xf32>
    %broadcast_in_dim3A = vector.shape_cast %get3A_8 : vector<40x128xf32> to vector<40x1x128xf32>
    %broadcast_in_dim3A_9 = vector.broadcast %broadcast_in_dim3A : vector<40x1x128xf32> to vector<40x25x128xf32>
    %reshape3A = vector.shape_cast %broadcast_in_dim3A_9 : vector<40x25x128xf32> to vector<1000x128xf32>
    %swap3A = arith.constant 0 : index
    %swap3A_10 = arith.constant 0 : index
    %swap3A_11 = vector.load %arg6[%swap3A, %swap3A_10] : memref<1000x128xf32, #tpu.memory_space<vmem>>, vector<1000x128xf32>
    tpu.vector_store %arg6[%swap3A, %swap3A_10], %dot_general3A_5 {strides = array<i32>} : memref<1000x128xf32, #tpu.memory_space<vmem>>, vector<1000x128xf32>,
    %get3A_12 = arith.constant 0 : index
    %get3A_13 = arith.constant 0 : index
    %get3A_14 = vector.load %arg4[%get3A_12, %get3A_13] : memref<128x128xf32, #tpu.memory_space<vmem>>, vector<128x128xf32>
    %dot_general3A_15 = arith.constant dense<0.000000e+00> : vector<1000x128xf32>
    %dot_general3A_16 = tpu.matmul %reshape3A, %get3A_14, %dot_general3A_15 {dimension_numbers = #tpu.dot_dimension_numbers<[1], [0], [0], [1], [0, 0, 1, 1], [], []>, transpose_lhs_hint = false} : vector<1000x128xf32>, vector<128x128xf32>, vector<1000x128xf32> -> vector<1000x128xf32>
    %get3A_17 = arith.constant 0 : index
    %get3A_18 = arith.constant 0 : index
    %get3A_19 = vector.load %arg5[%get3A_17, %get3A_18] : memref<1x128xf32, #tpu.memory_space<vmem>>, vector<1x128xf32>
    %add3A = vector.broadcast %get3A_19 : vector<1x128xf32> to vector<1000x128xf32>
    %add3A_20 = arith.addf %dot_general3A_16, %add3A : vector<1000x128xf32>
    %sub3A = arith.subf %add3A_20, %dot_general3A_5 : vector<1000x128xf32>
    %swap3A_21 = arith.constant 0 : index
    %swap3A_22 = arith.constant 0 : index
    %swap3A_23 = vector.load %arg7[%swap3A_21, %swap3A_22] : memref<1000x128xf32, #tpu.memory_space<vmem>>, vector<1000x128xf32>
    tpu.vector_store %arg7[%swap3A_21, %swap3A_22], %sub3A {strides = array<i32>} : memref<1000x128xf32, #tpu.memory_space<vmem>>, vector<1000x128xf32>,
    return
  }
  func.func @transform_0(%arg0: i32) -> (i32, i32) {
    %c0_i32 = arith.constant 0 : i32
    %c0_i32_0 = arith.constant 0 : i32
    return %arg0, %c0_i32 : i32, i32
  }
  func.func @transform_1(%arg0: i32) -> (i32, i32) {
    %c0_i32 = arith.constant 0 : i32
    %c0_i32_0 = arith.constant 0 : i32
    return %arg0, %c0_i32 : i32, i32
  }
  func.func @transform_2(%arg0: i32) -> (i32, i32) {
    %c0_i32 = arith.constant 0 : i32
    %c0_i32_0 = arith.constant 0 : i32
    %c0_i32_1 = arith.constant 0 : i32
    return %c0_i32, %c0_i32_0 : i32, i32
  }
  func.func @transform_3(%arg0: i32) -> (i32, i32) {
    %c0_i32 = arith.constant 0 : i32
    %c0_i32_0 = arith.constant 0 : i32
    %c0_i32_1 = arith.constant 0 : i32
    return %c0_i32, %c0_i32_0 : i32, i32
  }
  func.func @transform_4(%arg0: i32) -> (i32, i32) {
    %c0_i32 = arith.constant 0 : i32
    %c0_i32_0 = arith.constant 0 : i32
    %c0_i32_1 = arith.constant 0 : i32
    return %c0_i32, %c0_i32_0 : i32, i32
  }
  func.func @transform_5(%arg0: i32) -> (i32, i32) {
    %c0_i32 = arith.constant 0 : i32
    %c0_i32_0 = arith.constant 0 : i32
    return %arg0, %c0_i32 : i32, i32
  }
  func.func @transform_6(%arg0: i32) -> (i32, i32) {
    %c0_i32 = arith.constant 0 : i32
    %c0_i32_0 = arith.constant 0 : i32
    return %arg0, %c0_i32 : i32, i32
  }
}

module attributes {stable_mosaic.version = 14 : i64} {
  func.func @_edge_body(%arg0: i32, %arg1: memref<2048x16xf32, #tpu.memory_space<vmem>>, %arg2: memref<2048x128xf32, #tpu.memory_space<vmem>>, %arg3: memref<16x128xf32, #tpu.memory_space<vmem>>, %arg4: memref<128x128xf32, #tpu.memory_space<vmem>>, %arg5: memref<1x128xf32, #tpu.memory_space<vmem>>, %arg6: memref<128x128xf32, #tpu.memory_space<vmem>>, %arg7: memref<1x128xf32, #tpu.memory_space<vmem>>, %arg8: memref<2048x128xf32, #tpu.memory_space<vmem>>) attributes {dimension_semantics = [#tpu.dimension_semantics<arbitrary>], iteration_bounds = array<i64: 80>, scalar_prefetch = 0 : i64, scratch_operands = 0 : i64, tpu.core_type = #tpu.core_type<tc>, window_params = [{transform_indices = @transform_0, window_bounds = array<i64: 2048, 16>}, {transform_indices = @transform_1, window_bounds = array<i64: 2048, 128>}, {pipeline_mode = #tpu.pipeline_mode<synchronous>, transform_indices = @transform_2, window_bounds = array<i64: 16, 128>}, {pipeline_mode = #tpu.pipeline_mode<synchronous>, transform_indices = @transform_3, window_bounds = array<i64: 128, 128>}, {pipeline_mode = #tpu.pipeline_mode<synchronous>, transform_indices = @transform_4, window_bounds = array<i64: 1, 128>}, {pipeline_mode = #tpu.pipeline_mode<synchronous>, transform_indices = @transform_5, window_bounds = array<i64: 128, 128>}, {pipeline_mode = #tpu.pipeline_mode<synchronous>, transform_indices = @transform_6, window_bounds = array<i64: 1, 128>}, {transform_indices = @transform_7, window_bounds = array<i64: 2048, 128>}]} {
    %get3A = arith.constant 0 : index
    %get3A_0 = arith.constant 0 : index
    %get3A_1 = vector.load %arg1[%get3A, %get3A_0] : memref<2048x16xf32, #tpu.memory_space<vmem>>, vector<2048x16xf32>
    %get3A_2 = arith.constant 0 : index
    %get3A_3 = arith.constant 0 : index
    %get3A_4 = vector.load %arg3[%get3A_2, %get3A_3] : memref<16x128xf32, #tpu.memory_space<vmem>>, vector<16x128xf32>
    %dot_general3A = arith.constant dense<0.000000e+00> : vector<2048x128xf32>
    %dot_general3A_5 = tpu.matmul %get3A_1, %get3A_4, %dot_general3A {dimension_numbers = #tpu.dot_dimension_numbers<[1], [0], [0], [1], [0, 0, 1, 1], [], []>, transpose_lhs_hint = false} : vector<2048x16xf32>, vector<16x128xf32>, vector<2048x128xf32> -> vector<2048x128xf32>
    %get3A_6 = arith.constant 0 : index
    %get3A_7 = arith.constant 0 : index
    %get3A_8 = vector.load %arg2[%get3A_6, %get3A_7] : memref<2048x128xf32, #tpu.memory_space<vmem>>, vector<2048x128xf32>
    %add3A = arith.addf %dot_general3A_5, %get3A_8 : vector<2048x128xf32>
    %max3A = arith.constant 0.000000e+00 : f32
    %max3A_9 = vector.broadcast %max3A : f32 to vector<2048x128xf32>
    %max3A_10 = arith.maximumf %add3A, %max3A_9 : vector<2048x128xf32>
    %get3A_11 = arith.constant 0 : index
    %get3A_12 = arith.constant 0 : index
    %get3A_13 = vector.load %arg4[%get3A_11, %get3A_12] : memref<128x128xf32, #tpu.memory_space<vmem>>, vector<128x128xf32>
    %dot_general3A_14 = arith.constant dense<0.000000e+00> : vector<2048x128xf32>
    %dot_general3A_15 = tpu.matmul %max3A_10, %get3A_13, %dot_general3A_14 {dimension_numbers = #tpu.dot_dimension_numbers<[1], [0], [0], [1], [0, 0, 1, 1], [], []>, transpose_lhs_hint = false} : vector<2048x128xf32>, vector<128x128xf32>, vector<2048x128xf32> -> vector<2048x128xf32>
    %get3A_16 = arith.constant 0 : index
    %get3A_17 = arith.constant 0 : index
    %get3A_18 = vector.load %arg5[%get3A_16, %get3A_17] : memref<1x128xf32, #tpu.memory_space<vmem>>, vector<1x128xf32>
    %add3A_19 = vector.broadcast %get3A_18 : vector<1x128xf32> to vector<2048x128xf32>
    %add3A_20 = arith.addf %dot_general3A_15, %add3A_19 : vector<2048x128xf32>
    %max3A_21 = arith.constant 0.000000e+00 : f32
    %max3A_22 = vector.broadcast %max3A_21 : f32 to vector<2048x128xf32>
    %max3A_23 = arith.maximumf %add3A_20, %max3A_22 : vector<2048x128xf32>
    %get3A_24 = arith.constant 0 : index
    %get3A_25 = arith.constant 0 : index
    %get3A_26 = vector.load %arg6[%get3A_24, %get3A_25] : memref<128x128xf32, #tpu.memory_space<vmem>>, vector<128x128xf32>
    %dot_general3A_27 = arith.constant dense<0.000000e+00> : vector<2048x128xf32>
    %dot_general3A_28 = tpu.matmul %max3A_23, %get3A_26, %dot_general3A_27 {dimension_numbers = #tpu.dot_dimension_numbers<[1], [0], [0], [1], [0, 0, 1, 1], [], []>, transpose_lhs_hint = false} : vector<2048x128xf32>, vector<128x128xf32>, vector<2048x128xf32> -> vector<2048x128xf32>
    %get3A_29 = arith.constant 0 : index
    %get3A_30 = arith.constant 0 : index
    %get3A_31 = vector.load %arg7[%get3A_29, %get3A_30] : memref<1x128xf32, #tpu.memory_space<vmem>>, vector<1x128xf32>
    %add3A_32 = vector.broadcast %get3A_31 : vector<1x128xf32> to vector<2048x128xf32>
    %add3A_33 = arith.addf %dot_general3A_28, %add3A_32 : vector<2048x128xf32>
    %swap3A = arith.constant 0 : index
    %swap3A_34 = arith.constant 0 : index
    %swap3A_35 = vector.load %arg8[%swap3A, %swap3A_34] : memref<2048x128xf32, #tpu.memory_space<vmem>>, vector<2048x128xf32>
    tpu.vector_store %arg8[%swap3A, %swap3A_34], %add3A_33 {strides = array<i32>} : memref<2048x128xf32, #tpu.memory_space<vmem>>, vector<2048x128xf32>,
    return
  }
  func.func @transform_0(%arg0: i32) -> (i32, i32) {
    %c0_i32 = arith.constant 0 : i32
    %c0_i32_0 = arith.constant 0 : i32
    return %arg0, %c0_i32 : i32, i32
  }
  func.func @transform_1(%arg0: i32) -> (i32, i32) {
    %c0_i32 = arith.constant 0 : i32
    %c0_i32_0 = arith.constant 0 : i32
    return %arg0, %c0_i32 : i32, i32
  }
  func.func @transform_2(%arg0: i32) -> (i32, i32) {
    %c0_i32 = arith.constant 0 : i32
    %c0_i32_0 = arith.constant 0 : i32
    %c0_i32_1 = arith.constant 0 : i32
    return %c0_i32, %c0_i32_0 : i32, i32
  }
  func.func @transform_3(%arg0: i32) -> (i32, i32) {
    %c0_i32 = arith.constant 0 : i32
    %c0_i32_0 = arith.constant 0 : i32
    %c0_i32_1 = arith.constant 0 : i32
    return %c0_i32, %c0_i32_0 : i32, i32
  }
  func.func @transform_4(%arg0: i32) -> (i32, i32) {
    %c0_i32 = arith.constant 0 : i32
    %c0_i32_0 = arith.constant 0 : i32
    %c0_i32_1 = arith.constant 0 : i32
    return %c0_i32, %c0_i32_0 : i32, i32
  }
  func.func @transform_5(%arg0: i32) -> (i32, i32) {
    %c0_i32 = arith.constant 0 : i32
    %c0_i32_0 = arith.constant 0 : i32
    %c0_i32_1 = arith.constant 0 : i32
    return %c0_i32, %c0_i32_0 : i32, i32
  }
  func.func @transform_6(%arg0: i32) -> (i32, i32) {
    %c0_i32 = arith.constant 0 : i32
    %c0_i32_0 = arith.constant 0 : i32
    %c0_i32_1 = arith.constant 0 : i32
    return %c0_i32, %c0_i32_0 : i32, i32
  }
  func.func @transform_7(%arg0: i32) -> (i32, i32) {
    %c0_i32 = arith.constant 0 : i32
    %c0_i32_0 = arith.constant 0 : i32
    return %arg0, %c0_i32 : i32, i32
  }
}

module attributes {stable_mosaic.version = 14 : i64} {
  func.func @_attn_body(%arg0: i32, %arg1: memref<200x128xf32, #tpu.memory_space<vmem>>, %arg2: memref<200x128xf32, #tpu.memory_space<vmem>>, %arg3: memref<200x200xf32, #tpu.memory_space<vmem>>, %arg4: memref<200x128xf32, #tpu.memory_space<vmem>>) attributes {dimension_semantics = [#tpu.dimension_semantics<arbitrary>], iteration_bounds = array<i64: 50>, scalar_prefetch = 0 : i64, scratch_operands = 0 : i64, tpu.core_type = #tpu.core_type<tc>, window_params = [{transform_indices = @transform_0, window_bounds = array<i64: 200, 128>}, {transform_indices = @transform_1, window_bounds = array<i64: 200, 128>}, {pipeline_mode = #tpu.pipeline_mode<synchronous>, transform_indices = @transform_2, window_bounds = array<i64: 200, 200>}, {transform_indices = @transform_3, window_bounds = array<i64: 200, 128>}]} {
    %get3A = arith.constant 0 : index
    %get3A_0 = arith.constant 0 : index
    %get3A_1 = vector.load %arg1[%get3A, %get3A_0] : memref<200x128xf32, #tpu.memory_space<vmem>>, vector<200x128xf32>
    %get3A_2 = arith.constant 0 : index
    %get3A_3 = arith.constant 0 : index
    %get3A_4 = vector.load %arg2[%get3A_2, %get3A_3] : memref<200x128xf32, #tpu.memory_space<vmem>>, vector<200x128xf32>
    %mul3A = arith.mulf %get3A_1, %get3A_1 : vector<200x128xf32>
    %reduce_sum3A = arith.constant dense<0.000000e+00> : vector<200xf32>
    %reduce_sum3A_5 = vector.multi_reduction <add>, %mul3A, %reduce_sum3A [1] : vector<200x128xf32> to vector<200xf32>
    %broadcast_in_dim3A = vector.shape_cast %reduce_sum3A_5 : vector<200xf32> to vector<200x1xf32>
    %sqrt3A = math.sqrt %broadcast_in_dim3A : vector<200x1xf32>
    %mul3A_6 = arith.mulf %get3A_4, %get3A_4 : vector<200x128xf32>
    %reduce_sum3A_7 = arith.constant dense<0.000000e+00> : vector<200xf32>
    %reduce_sum3A_8 = vector.multi_reduction <add>, %mul3A_6, %reduce_sum3A_7 [1] : vector<200x128xf32> to vector<200xf32>
    %broadcast_in_dim3A_9 = vector.shape_cast %reduce_sum3A_8 : vector<200xf32> to vector<200x1xf32>
    %sqrt3A_10 = math.sqrt %broadcast_in_dim3A_9 : vector<200x1xf32>
    %dot_general3A = arith.constant dense<0.000000e+00> : vector<200x200xf32>
    %dot_general3A_11 = tpu.matmul %get3A_1, %get3A_4, %dot_general3A {dimension_numbers = #tpu.dot_dimension_numbers<[1], [1], [0], [0], [0, 0, 1, 0], [], []>, transpose_lhs_hint = false} : vector<200x128xf32>, vector<200x128xf32>, vector<200x200xf32> -> vector<200x200xf32>
    %dot_general3A_12 = arith.constant dense<0.000000e+00> : vector<200x200xf32>
    %dot_general3A_13 = tpu.matmul %sqrt3A, %sqrt3A_10, %dot_general3A_12 {dimension_numbers = #tpu.dot_dimension_numbers<[1], [1], [0], [0], [0, 0, 1, 0], [], []>, transpose_lhs_hint = false} : vector<200x1xf32>, vector<200x1xf32>, vector<200x200xf32> -> vector<200x200xf32>
    %add3A = arith.constant 9.99999993E-9 : f32
    %add3A_14 = vector.broadcast %add3A : f32 to vector<200x200xf32>
    %add3A_15 = arith.addf %dot_general3A_13, %add3A_14 : vector<200x200xf32>
    %div3A = arith.divf %dot_general3A_11, %add3A_15 : vector<200x200xf32>
    %get3A_16 = arith.constant 0 : index
    %get3A_17 = arith.constant 0 : index
    %get3A_18 = vector.load %arg3[%get3A_16, %get3A_17] : memref<200x200xf32, #tpu.memory_space<vmem>>, vector<200x200xf32>
    %gt3A = arith.constant 5.000000e-01 : f32
    %gt3A_19 = vector.broadcast %gt3A : f32 to vector<200x200xf32>
    %gt3A_20 = arith.cmpf ogt, %get3A_18, %gt3A_19 : vector<200x200xf32>
    %jit3A = arith.constant -1.000000e+30 : f32
    %broadcast_in_dim3A_21 = vector.broadcast %jit3A : f32 to vector<200x200xf32>
    %select_n3A = arith.select %gt3A_20, %div3A, %broadcast_in_dim3A_21 : vector<200x200xi1>, vector<200x200xf32>
    %reduce_max3A = arith.constant dense<0xFF800000> : vector<200xf32>
    %reduce_max3A_22 = vector.multi_reduction <maximumf>, %select_n3A, %reduce_max3A [1] : vector<200x200xf32> to vector<200xf32>
    %broadcast_in_dim3A_23 = vector.shape_cast %reduce_max3A_22 : vector<200xf32> to vector<200x1xf32>
    %sub3A = vector.broadcast %broadcast_in_dim3A_23 : vector<200x1xf32> to vector<200x200xf32>
    %sub3A_24 = arith.subf %select_n3A, %sub3A : vector<200x200xf32>
    %exp3A = math.exp %sub3A_24 : vector<200x200xf32>
    %jit3A_25 = arith.constant 0.000000e+00 : f32
    %broadcast_in_dim3A_26 = vector.broadcast %jit3A_25 : f32 to vector<200x200xf32>
    %select_n3A_27 = arith.select %gt3A_20, %exp3A, %broadcast_in_dim3A_26 : vector<200x200xi1>, vector<200x200xf32>
    %reduce_sum3A_28 = arith.constant dense<0.000000e+00> : vector<200xf32>
    %reduce_sum3A_29 = vector.multi_reduction <add>, %select_n3A_27, %reduce_sum3A_28 [1] : vector<200x200xf32> to vector<200xf32>
    %broadcast_in_dim3A_30 = vector.shape_cast %reduce_sum3A_29 : vector<200xf32> to vector<200x1xf32>
    %add3A_31 = arith.constant 1.000000e-16 : f32
    %add3A_32 = vector.broadcast %add3A_31 : f32 to vector<200x1xf32>
    %add3A_33 = arith.addf %broadcast_in_dim3A_30, %add3A_32 : vector<200x1xf32>
    %div3A_34 = vector.broadcast %add3A_33 : vector<200x1xf32> to vector<200x200xf32>
    %div3A_35 = arith.divf %select_n3A_27, %div3A_34 : vector<200x200xf32>
    %dot_general3A_36 = arith.constant dense<0.000000e+00> : vector<200x128xf32>
    %dot_general3A_37 = tpu.matmul %div3A_35, %get3A_4, %dot_general3A_36 {dimension_numbers = #tpu.dot_dimension_numbers<[1], [0], [0], [1], [0, 0, 1, 1], [], []>, transpose_lhs_hint = false} : vector<200x200xf32>, vector<200x128xf32>, vector<200x128xf32> -> vector<200x128xf32>
    %swap3A = arith.constant 0 : index
    %swap3A_38 = arith.constant 0 : index
    %swap3A_39 = vector.load %arg4[%swap3A, %swap3A_38] : memref<200x128xf32, #tpu.memory_space<vmem>>, vector<200x128xf32>
    tpu.vector_store %arg4[%swap3A, %swap3A_38], %dot_general3A_37 {strides = array<i32>} : memref<200x128xf32, #tpu.memory_space<vmem>>, vector<200x128xf32>,
    return
  }
  func.func @transform_0(%arg0: i32) -> (i32, i32) {
    %c0_i32 = arith.constant 0 : i32
    %c0_i32_0 = arith.constant 0 : i32
    return %arg0, %c0_i32 : i32, i32
  }
  func.func @transform_1(%arg0: i32) -> (i32, i32) {
    %c0_i32 = arith.constant 0 : i32
    %c0_i32_0 = arith.constant 0 : i32
    return %arg0, %c0_i32 : i32, i32
  }
  func.func @transform_2(%arg0: i32) -> (i32, i32) {
    %c0_i32 = arith.constant 0 : i32
    %c0_i32_0 = arith.constant 0 : i32
    %c0_i32_1 = arith.constant 0 : i32
    return %c0_i32, %c0_i32_0 : i32, i32
  }
  func.func @transform_3(%arg0: i32) -> (i32, i32) {
    %c0_i32 = arith.constant 0 : i32
    %c0_i32_0 = arith.constant 0 : i32
    return %arg0, %c0_i32 : i32, i32
  }
}

module attributes {stable_mosaic.version = 14 : i64} {
  func.func @_node_body(%arg0: i32, %arg1: memref<2x1000x128xf32, #tpu.memory_space<vmem>>, %arg2: memref<2x1000x128xf32, #tpu.memory_space<vmem>>, %arg3: memref<1000x128xf32, #tpu.memory_space<vmem>>, %arg4: memref<1000x128xf32, #tpu.memory_space<vmem>>, %arg5: memref<40x128xf32, #tpu.memory_space<vmem>>, %arg6: memref<128x128xf32, #tpu.memory_space<vmem>>, %arg7: memref<128x128xf32, #tpu.memory_space<vmem>>, %arg8: memref<128x128xf32, #tpu.memory_space<vmem>>, %arg9: memref<128x128xf32, #tpu.memory_space<vmem>>, %arg10: memref<1x128xf32, #tpu.memory_space<vmem>>, %arg11: memref<128x128xf32, #tpu.memory_space<vmem>>, %arg12: memref<1x128xf32, #tpu.memory_space<vmem>>, %arg13: memref<128x128xf32, #tpu.memory_space<vmem>>, %arg14: memref<1x128xf32, #tpu.memory_space<vmem>>, %arg15: memref<1000x128xf32, #tpu.memory_space<vmem>>, %arg16: memref<40x128xf32, #tpu.memory_space<vmem>>, %arg17: memref<40x128xf32, #tpu.memory_space<vmem>>) attributes {dimension_semantics = [#tpu.dimension_semantics<arbitrary>], iteration_bounds = array<i64: 10>, scalar_prefetch = 0 : i64, scratch_operands = 0 : i64, tpu.core_type = #tpu.core_type<tc>, window_params = [{transform_indices = @transform_0, window_bounds = array<i64: 2, 1000, 128>}, {transform_indices = @transform_1, window_bounds = array<i64: 2, 1000, 128>}, {transform_indices = @transform_2, window_bounds = array<i64: 1000, 128>}, {transform_indices = @transform_3, window_bounds = array<i64: 1000, 128>}, {transform_indices = @transform_4, window_bounds = array<i64: 40, 128>}, {pipeline_mode = #tpu.pipeline_mode<synchronous>, transform_indices = @transform_5, window_bounds = array<i64: 128, 128>}, {pipeline_mode = #tpu.pipeline_mode<synchronous>, transform_indices = @transform_6, window_bounds = array<i64: 128, 128>}, {pipeline_mode = #tpu.pipeline_mode<synchronous>, transform_indices = @transform_7, window_bounds = array<i64: 128, 128>}, {pipeline_mode = #tpu.pipeline_mode<synchronous>, transform_indices = @transform_8, window_bounds = array<i64: 128, 128>}, {pipeline_mode = #tpu.pipeline_mode<synchronous>, transform_indices = @transform_9, window_bounds = array<i64: 1, 128>}, {pipeline_mode = #tpu.pipeline_mode<synchronous>, transform_indices = @transform_10, window_bounds = array<i64: 128, 128>}, {pipeline_mode = #tpu.pipeline_mode<synchronous>, transform_indices = @transform_11, window_bounds = array<i64: 1, 128>}, {pipeline_mode = #tpu.pipeline_mode<synchronous>, transform_indices = @transform_12, window_bounds = array<i64: 128, 128>}, {pipeline_mode = #tpu.pipeline_mode<synchronous>, transform_indices = @transform_13, window_bounds = array<i64: 1, 128>}, {transform_indices = @transform_14, window_bounds = array<i64: 1000, 128>}, {transform_indices = @transform_15, window_bounds = array<i64: 40, 128>}, {transform_indices = @transform_16, window_bounds = array<i64: 40, 128>}]} {
    %get3A = arith.constant 0 : index
    %get3A_0 = arith.constant 0 : index
    %get3A_1 = arith.constant 0 : index
    %get3A_2 = vector.load %arg1[%get3A, %get3A_0, %get3A_1] : memref<2x1000x128xf32, #tpu.memory_space<vmem>>, vector<1x1000x128xf32>
    %get3A_3 = vector.shape_cast %get3A_2 : vector<1x1000x128xf32> to vector<1000x128xf32>
    %get3A_4 = arith.constant 1 : index
    %get3A_5 = arith.constant 0 : index
    %get3A_6 = arith.constant 0 : index
    %get3A_7 = vector.load %arg1[%get3A_4, %get3A_5, %get3A_6] : memref<2x1000x128xf32, #tpu.memory_space<vmem>>, vector<1x1000x128xf32>
    %get3A_8 = vector.shape_cast %get3A_7 : vector<1x1000x128xf32> to vector<1000x128xf32>
    %add3A = arith.addf %get3A_3, %get3A_8 : vector<1000x128xf32>
    %get3A_9 = arith.constant 0 : index
    %get3A_10 = arith.constant 0 : index
    %get3A_11 = arith.constant 0 : index
    %get3A_12 = vector.load %arg2[%get3A_9, %get3A_10, %get3A_11] : memref<2x1000x128xf32, #tpu.memory_space<vmem>>, vector<1x1000x1xf32>
    %get3A_13 = vector.shape_cast %get3A_12 : vector<1x1000x1xf32> to vector<1000x1xf32>
    %get3A_14 = arith.constant 1 : index
    %get3A_15 = arith.constant 0 : index
    %get3A_16 = arith.constant 0 : index
    %get3A_17 = vector.load %arg2[%get3A_14, %get3A_15, %get3A_16] : memref<2x1000x128xf32, #tpu.memory_space<vmem>>, vector<1x1000x1xf32>
    %get3A_18 = vector.shape_cast %get3A_17 : vector<1x1000x1xf32> to vector<1000x1xf32>
    %add3A_19 = arith.addf %get3A_13, %get3A_18 : vector<1000x1xf32>
    %max3A = arith.constant 1.000000e+00 : f32
    %max3A_20 = vector.broadcast %max3A : f32 to vector<1000x1xf32>
    %max3A_21 = arith.maximumf %add3A_19, %max3A_20 : vector<1000x1xf32>
    %div3A = vector.broadcast %max3A_21 : vector<1000x1xf32> to vector<1000x128xf32>
    %div3A_22 = arith.divf %add3A, %div3A : vector<1000x128xf32>
    %get3A_23 = arith.constant 0 : index
    %get3A_24 = arith.constant 0 : index
    %get3A_25 = vector.load %arg3[%get3A_23, %get3A_24] : memref<1000x128xf32, #tpu.memory_space<vmem>>, vector<1000x128xf32>
    %get3A_26 = arith.constant 0 : index
    %get3A_27 = arith.constant 0 : index
    %get3A_28 = vector.load %arg4[%get3A_26, %get3A_27] : memref<1000x128xf32, #tpu.memory_space<vmem>>, vector<1000x128xf32>
    %sub3A = arith.subf %get3A_25, %get3A_28 : vector<1000x128xf32>
    %get3A_29 = arith.constant 0 : index
    %get3A_30 = arith.constant 0 : index
    %get3A_31 = vector.load %arg5[%get3A_29, %get3A_30] : memref<40x128xf32, #tpu.memory_space<vmem>>, vector<40x128xf32>
    %broadcast_in_dim3A = vector.shape_cast %get3A_31 : vector<40x128xf32> to vector<40x1x128xf32>
    %broadcast_in_dim3A_32 = vector.broadcast %broadcast_in_dim3A : vector<40x1x128xf32> to vector<40x25x128xf32>
    %reshape3A = vector.shape_cast %broadcast_in_dim3A_32 : vector<40x25x128xf32> to vector<1000x128xf32>
    %get3A_33 = arith.constant 0 : index
    %get3A_34 = arith.constant 0 : index
    %get3A_35 = vector.load %arg6[%get3A_33, %get3A_34] : memref<128x128xf32, #tpu.memory_space<vmem>>, vector<128x128xf32>
    %dot_general3A = arith.constant dense<0.000000e+00> : vector<1000x128xf32>
    %dot_general3A_36 = tpu.matmul %div3A_22, %get3A_35, %dot_general3A {dimension_numbers = #tpu.dot_dimension_numbers<[1], [0], [0], [1], [0, 0, 1, 1], [], []>, transpose_lhs_hint = false} : vector<1000x128xf32>, vector<128x128xf32>, vector<1000x128xf32> -> vector<1000x128xf32>
    %get3A_37 = arith.constant 0 : index
    %get3A_38 = arith.constant 0 : index
    %get3A_39 = vector.load %arg7[%get3A_37, %get3A_38] : memref<128x128xf32, #tpu.memory_space<vmem>>, vector<128x128xf32>
    %dot_general3A_40 = arith.constant dense<0.000000e+00> : vector<1000x128xf32>
    %dot_general3A_41 = tpu.matmul %get3A_25, %get3A_39, %dot_general3A_40 {dimension_numbers = #tpu.dot_dimension_numbers<[1], [0], [0], [1], [0, 0, 1, 1], [], []>, transpose_lhs_hint = false} : vector<1000x128xf32>, vector<128x128xf32>, vector<1000x128xf32> -> vector<1000x128xf32>
    %add3A_42 = arith.addf %dot_general3A_36, %dot_general3A_41 : vector<1000x128xf32>
    %get3A_43 = arith.constant 0 : index
    %get3A_44 = arith.constant 0 : index
    %get3A_45 = vector.load %arg8[%get3A_43, %get3A_44] : memref<128x128xf32, #tpu.memory_space<vmem>>, vector<128x128xf32>
    %dot_general3A_46 = arith.constant dense<0.000000e+00> : vector<1000x128xf32>
    %dot_general3A_47 = tpu.matmul %sub3A, %get3A_45, %dot_general3A_46 {dimension_numbers = #tpu.dot_dimension_numbers<[1], [0], [0], [1], [0, 0, 1, 1], [], []>, transpose_lhs_hint = false} : vector<1000x128xf32>, vector<128x128xf32>, vector<1000x128xf32> -> vector<1000x128xf32>
    %add3A_48 = arith.addf %add3A_42, %dot_general3A_47 : vector<1000x128xf32>
    %get3A_49 = arith.constant 0 : index
    %get3A_50 = arith.constant 0 : index
    %get3A_51 = vector.load %arg9[%get3A_49, %get3A_50] : memref<128x128xf32, #tpu.memory_space<vmem>>, vector<128x128xf32>
    %dot_general3A_52 = arith.constant dense<0.000000e+00> : vector<1000x128xf32>
    %dot_general3A_53 = tpu.matmul %reshape3A, %get3A_51, %dot_general3A_52 {dimension_numbers = #tpu.dot_dimension_numbers<[1], [0], [0], [1], [0, 0, 1, 1], [], []>, transpose_lhs_hint = false} : vector<1000x128xf32>, vector<128x128xf32>, vector<1000x128xf32> -> vector<1000x128xf32>
    %add3A_54 = arith.addf %add3A_48, %dot_general3A_53 : vector<1000x128xf32>
    %get3A_55 = arith.constant 0 : index
    %get3A_56 = arith.constant 0 : index
    %get3A_57 = vector.load %arg10[%get3A_55, %get3A_56] : memref<1x128xf32, #tpu.memory_space<vmem>>, vector<1x128xf32>
    %add3A_58 = vector.broadcast %get3A_57 : vector<1x128xf32> to vector<1000x128xf32>
    %add3A_59 = arith.addf %add3A_54, %add3A_58 : vector<1000x128xf32>
    %max3A_60 = arith.constant 0.000000e+00 : f32
    %max3A_61 = vector.broadcast %max3A_60 : f32 to vector<1000x128xf32>
    %max3A_62 = arith.maximumf %add3A_59, %max3A_61 : vector<1000x128xf32>
    %get3A_63 = arith.constant 0 : index
    %get3A_64 = arith.constant 0 : index
    %get3A_65 = vector.load %arg11[%get3A_63, %get3A_64] : memref<128x128xf32, #tpu.memory_space<vmem>>, vector<128x128xf32>
    %dot_general3A_66 = arith.constant dense<0.000000e+00> : vector<1000x128xf32>
    %dot_general3A_67 = tpu.matmul %max3A_62, %get3A_65, %dot_general3A_66 {dimension_numbers = #tpu.dot_dimension_numbers<[1], [0], [0], [1], [0, 0, 1, 1], [], []>, transpose_lhs_hint = false} : vector<1000x128xf32>, vector<128x128xf32>, vector<1000x128xf32> -> vector<1000x128xf32>
    %get3A_68 = arith.constant 0 : index
    %get3A_69 = arith.constant 0 : index
    %get3A_70 = vector.load %arg12[%get3A_68, %get3A_69] : memref<1x128xf32, #tpu.memory_space<vmem>>, vector<1x128xf32>
    %add3A_71 = vector.broadcast %get3A_70 : vector<1x128xf32> to vector<1000x128xf32>
    %add3A_72 = arith.addf %dot_general3A_67, %add3A_71 : vector<1000x128xf32>
    %max3A_73 = arith.constant 0.000000e+00 : f32
    %max3A_74 = vector.broadcast %max3A_73 : f32 to vector<1000x128xf32>
    %max3A_75 = arith.maximumf %add3A_72, %max3A_74 : vector<1000x128xf32>
    %get3A_76 = arith.constant 0 : index
    %get3A_77 = arith.constant 0 : index
    %get3A_78 = vector.load %arg13[%get3A_76, %get3A_77] : memref<128x128xf32, #tpu.memory_space<vmem>>, vector<128x128xf32>
    %dot_general3A_79 = arith.constant dense<0.000000e+00> : vector<1000x128xf32>
    %dot_general3A_80 = tpu.matmul %max3A_75, %get3A_78, %dot_general3A_79 {dimension_numbers = #tpu.dot_dimension_numbers<[1], [0], [0], [1], [0, 0, 1, 1], [], []>, transpose_lhs_hint = false} : vector<1000x128xf32>, vector<128x128xf32>, vector<1000x128xf32> -> vector<1000x128xf32>
    %get3A_81 = arith.constant 0 : index
    %get3A_82 = arith.constant 0 : index
    %get3A_83 = vector.load %arg14[%get3A_81, %get3A_82] : memref<1x128xf32, #tpu.memory_space<vmem>>, vector<1x128xf32>
    %add3A_84 = vector.broadcast %get3A_83 : vector<1x128xf32> to vector<1000x128xf32>
    %add3A_85 = arith.addf %dot_general3A_80, %add3A_84 : vector<1000x128xf32>
    %swap3A = arith.constant 0 : index
    %swap3A_86 = arith.constant 0 : index
    %swap3A_87 = vector.load %arg15[%swap3A, %swap3A_86] : memref<1000x128xf32, #tpu.memory_space<vmem>>, vector<1000x128xf32>
    tpu.vector_store %arg15[%swap3A, %swap3A_86], %add3A_85 {strides = array<i32>} : memref<1000x128xf32, #tpu.memory_space<vmem>>, vector<1000x128xf32>,
    %reshape3A_88 = vector.shape_cast %add3A : vector<1000x128xf32> to vector<40x25x128xf32>
    %reduce_sum3A = arith.constant dense<0.000000e+00> : vector<40x128xf32>
    %reduce_sum3A_89 = vector.multi_reduction <add>, %reshape3A_88, %reduce_sum3A [1] : vector<40x25x128xf32> to vector<40x128xf32>
    %reshape3A_90 = vector.shape_cast %add3A_19 : vector<1000x1xf32> to vector<40x25xf32>
    %reduce_sum3A_91 = arith.constant dense<0.000000e+00> : vector<40xf32>
    %reduce_sum3A_92 = vector.multi_reduction <add>, %reshape3A_90, %reduce_sum3A_91 [1] : vector<40x25xf32> to vector<40xf32>
    %broadcast_in_dim3A_93 = vector.shape_cast %reduce_sum3A_92 : vector<40xf32> to vector<40x1xf32>
    %max3A_94 = arith.constant 1.000000e+00 : f32
    %max3A_95 = vector.broadcast %max3A_94 : f32 to vector<40x1xf32>
    %max3A_96 = arith.maximumf %broadcast_in_dim3A_93, %max3A_95 : vector<40x1xf32>
    %div3A_97 = vector.broadcast %max3A_96 : vector<40x1xf32> to vector<40x128xf32>
    %div3A_98 = arith.divf %reduce_sum3A_89, %div3A_97 : vector<40x128xf32>
    %swap3A_99 = arith.constant 0 : index
    %swap3A_100 = arith.constant 0 : index
    %swap3A_101 = vector.load %arg16[%swap3A_99, %swap3A_100] : memref<40x128xf32, #tpu.memory_space<vmem>>, vector<40x128xf32>
    tpu.vector_store %arg16[%swap3A_99, %swap3A_100], %div3A_98 {strides = array<i32>} : memref<40x128xf32, #tpu.memory_space<vmem>>, vector<40x128xf32>,
    %reshape3A_102 = vector.shape_cast %add3A_85 : vector<1000x128xf32> to vector<40x25x128xf32>
    %reduce_sum3A_103 = arith.constant dense<0.000000e+00> : vector<40x128xf32>
    %reduce_sum3A_104 = vector.multi_reduction <add>, %reshape3A_102, %reduce_sum3A_103 [1] : vector<40x25x128xf32> to vector<40x128xf32>
    %div3A_105 = arith.constant 2.500000e+01 : f32
    %div3A_106 = vector.broadcast %div3A_105 : f32 to vector<40x128xf32>
    %div3A_107 = arith.divf %reduce_sum3A_104, %div3A_106 : vector<40x128xf32>
    %swap3A_108 = arith.constant 0 : index
    %swap3A_109 = arith.constant 0 : index
    %swap3A_110 = vector.load %arg17[%swap3A_108, %swap3A_109] : memref<40x128xf32, #tpu.memory_space<vmem>>, vector<40x128xf32>
    tpu.vector_store %arg17[%swap3A_108, %swap3A_109], %div3A_107 {strides = array<i32>} : memref<40x128xf32, #tpu.memory_space<vmem>>, vector<40x128xf32>,
    return
  }
  func.func @transform_0(%arg0: i32) -> (i32, i32, i32) {
    %c0_i32 = arith.constant 0 : i32
    %c0_i32_0 = arith.constant 0 : i32
    %c0_i32_1 = arith.constant 0 : i32
    return %c0_i32, %arg0, %c0_i32_0 : i32, i32, i32
  }
  func.func @transform_1(%arg0: i32) -> (i32, i32, i32) {
    %c0_i32 = arith.constant 0 : i32
    %c0_i32_0 = arith.constant 0 : i32
    %c0_i32_1 = arith.constant 0 : i32
    return %c0_i32, %arg0, %c0_i32_0 : i32, i32, i32
  }
  func.func @transform_2(%arg0: i32) -> (i32, i32) {
    %c0_i32 = arith.constant 0 : i32
    %c0_i32_0 = arith.constant 0 : i32
    return %arg0, %c0_i32 : i32, i32
  }
  func.func @transform_3(%arg0: i32) -> (i32, i32) {
    %c0_i32 = arith.constant 0 : i32
    %c0_i32_0 = arith.constant 0 : i32
    return %arg0, %c0_i32 : i32, i32
  }
  func.func @transform_4(%arg0: i32) -> (i32, i32) {
    %c0_i32 = arith.constant 0 : i32
    %c0_i32_0 = arith.constant 0 : i32
    return %arg0, %c0_i32 : i32, i32
  }
  func.func @transform_5(%arg0: i32) -> (i32, i32) {
    %c0_i32 = arith.constant 0 : i32
    %c0_i32_0 = arith.constant 0 : i32
    %c0_i32_1 = arith.constant 0 : i32
    return %c0_i32, %c0_i32_0 : i32, i32
  }
  func.func @transform_6(%arg0: i32) -> (i32, i32) {
    %c0_i32 = arith.constant 0 : i32
    %c0_i32_0 = arith.constant 0 : i32
    %c0_i32_1 = arith.constant 0 : i32
    return %c0_i32, %c0_i32_0 : i32, i32
  }
  func.func @transform_7(%arg0: i32) -> (i32, i32) {
    %c0_i32 = arith.constant 0 : i32
    %c0_i32_0 = arith.constant 0 : i32
    %c0_i32_1 = arith.constant 0 : i32
    return %c0_i32, %c0_i32_0 : i32, i32
  }
  func.func @transform_8(%arg0: i32) -> (i32, i32) {
    %c0_i32 = arith.constant 0 : i32
    %c0_i32_0 = arith.constant 0 : i32
    %c0_i32_1 = arith.constant 0 : i32
    return %c0_i32, %c0_i32_0 : i32, i32
  }
  func.func @transform_9(%arg0: i32) -> (i32, i32) {
    %c0_i32 = arith.constant 0 : i32
    %c0_i32_0 = arith.constant 0 : i32
    %c0_i32_1 = arith.constant 0 : i32
    return %c0_i32, %c0_i32_0 : i32, i32
  }
  func.func @transform_10(%arg0: i32) -> (i32, i32) {
    %c0_i32 = arith.constant 0 : i32
    %c0_i32_0 = arith.constant 0 : i32
    %c0_i32_1 = arith.constant 0 : i32
    return %c0_i32, %c0_i32_0 : i32, i32
  }
  func.func @transform_11(%arg0: i32) -> (i32, i32) {
    %c0_i32 = arith.constant 0 : i32
    %c0_i32_0 = arith.constant 0 : i32
    %c0_i32_1 = arith.constant 0 : i32
    return %c0_i32, %c0_i32_0 : i32, i32
  }
  func.func @transform_12(%arg0: i32) -> (i32, i32) {
    %c0_i32 = arith.constant 0 : i32
    %c0_i32_0 = arith.constant 0 : i32
    %c0_i32_1 = arith.constant 0 : i32
    return %c0_i32, %c0_i32_0 : i32, i32
  }
  func.func @transform_13(%arg0: i32) -> (i32, i32) {
    %c0_i32 = arith.constant 0 : i32
    %c0_i32_0 = arith.constant 0 : i32
    %c0_i32_1 = arith.constant 0 : i32
    return %c0_i32, %c0_i32_0 : i32, i32
  }
  func.func @transform_14(%arg0: i32) -> (i32, i32) {
    %c0_i32 = arith.constant 0 : i32
    %c0_i32_0 = arith.constant 0 : i32
    return %arg0, %c0_i32 : i32, i32
  }
  func.func @transform_15(%arg0: i32) -> (i32, i32) {
    %c0_i32 = arith.constant 0 : i32
    %c0_i32_0 = arith.constant 0 : i32
    return %arg0, %c0_i32 : i32, i32
  }
  func.func @transform_16(%arg0: i32) -> (i32, i32) {
    %c0_i32 = arith.constant 0 : i32
    %c0_i32_0 = arith.constant 0 : i32
    return %arg0, %c0_i32 : i32, i32
  }
}

module attributes {stable_mosaic.version = 14 : i64} {
  func.func @_node_body(%arg0: i32, %arg1: memref<2x1000x128xf32, #tpu.memory_space<vmem>>, %arg2: memref<2x1000x128xf32, #tpu.memory_space<vmem>>, %arg3: memref<1000x128xf32, #tpu.memory_space<vmem>>, %arg4: memref<1000x128xf32, #tpu.memory_space<vmem>>, %arg5: memref<40x128xf32, #tpu.memory_space<vmem>>, %arg6: memref<128x128xf32, #tpu.memory_space<vmem>>, %arg7: memref<128x128xf32, #tpu.memory_space<vmem>>, %arg8: memref<128x128xf32, #tpu.memory_space<vmem>>, %arg9: memref<128x128xf32, #tpu.memory_space<vmem>>, %arg10: memref<1x128xf32, #tpu.memory_space<vmem>>, %arg11: memref<128x128xf32, #tpu.memory_space<vmem>>, %arg12: memref<1x128xf32, #tpu.memory_space<vmem>>, %arg13: memref<128x128xf32, #tpu.memory_space<vmem>>, %arg14: memref<1x128xf32, #tpu.memory_space<vmem>>, %arg15: memref<1000x128xf32, #tpu.memory_space<vmem>>, %arg16: memref<40x128xf32, #tpu.memory_space<vmem>>, %arg17: memref<40x128xf32, #tpu.memory_space<vmem>>) attributes {dimension_semantics = [#tpu.dimension_semantics<arbitrary>], iteration_bounds = array<i64: 10>, scalar_prefetch = 0 : i64, scratch_operands = 0 : i64, tpu.core_type = #tpu.core_type<tc>, window_params = [{transform_indices = @transform_0, window_bounds = array<i64: 2, 1000, 128>}, {transform_indices = @transform_1, window_bounds = array<i64: 2, 1000, 128>}, {transform_indices = @transform_2, window_bounds = array<i64: 1000, 128>}, {transform_indices = @transform_3, window_bounds = array<i64: 1000, 128>}, {transform_indices = @transform_4, window_bounds = array<i64: 40, 128>}, {pipeline_mode = #tpu.pipeline_mode<synchronous>, transform_indices = @transform_5, window_bounds = array<i64: 128, 128>}, {pipeline_mode = #tpu.pipeline_mode<synchronous>, transform_indices = @transform_6, window_bounds = array<i64: 128, 128>}, {pipeline_mode = #tpu.pipeline_mode<synchronous>, transform_indices = @transform_7, window_bounds = array<i64: 128, 128>}, {pipeline_mode = #tpu.pipeline_mode<synchronous>, transform_indices = @transform_8, window_bounds = array<i64: 128, 128>}, {pipeline_mode = #tpu.pipeline_mode<synchronous>, transform_indices = @transform_9, window_bounds = array<i64: 1, 128>}, {pipeline_mode = #tpu.pipeline_mode<synchronous>, transform_indices = @transform_10, window_bounds = array<i64: 128, 128>}, {pipeline_mode = #tpu.pipeline_mode<synchronous>, transform_indices = @transform_11, window_bounds = array<i64: 1, 128>}, {pipeline_mode = #tpu.pipeline_mode<synchronous>, transform_indices = @transform_12, window_bounds = array<i64: 128, 128>}, {pipeline_mode = #tpu.pipeline_mode<synchronous>, transform_indices = @transform_13, window_bounds = array<i64: 1, 128>}, {transform_indices = @transform_14, window_bounds = array<i64: 1000, 128>}, {transform_indices = @transform_15, window_bounds = array<i64: 40, 128>}, {transform_indices = @transform_16, window_bounds = array<i64: 40, 128>}]} {
    %get3A = arith.constant 0 : index
    %get3A_0 = arith.constant 0 : index
    %get3A_1 = arith.constant 0 : index
    %get3A_2 = vector.load %arg1[%get3A, %get3A_0, %get3A_1] : memref<2x1000x128xf32, #tpu.memory_space<vmem>>, vector<1x1000x128xf32>
    %get3A_3 = vector.shape_cast %get3A_2 : vector<1x1000x128xf32> to vector<1000x128xf32>
    %get3A_4 = arith.constant 1 : index
    %get3A_5 = arith.constant 0 : index
    %get3A_6 = arith.constant 0 : index
    %get3A_7 = vector.load %arg1[%get3A_4, %get3A_5, %get3A_6] : memref<2x1000x128xf32, #tpu.memory_space<vmem>>, vector<1x1000x128xf32>
    %get3A_8 = vector.shape_cast %get3A_7 : vector<1x1000x128xf32> to vector<1000x128xf32>
    %add3A = arith.addf %get3A_3, %get3A_8 : vector<1000x128xf32>
    %get3A_9 = arith.constant 0 : index
    %get3A_10 = arith.constant 0 : index
    %get3A_11 = arith.constant 0 : index
    %get3A_12 = vector.load %arg2[%get3A_9, %get3A_10, %get3A_11] : memref<2x1000x128xf32, #tpu.memory_space<vmem>>, vector<1x1000x1xf32>
    %get3A_13 = vector.shape_cast %get3A_12 : vector<1x1000x1xf32> to vector<1000x1xf32>
    %get3A_14 = arith.constant 1 : index
    %get3A_15 = arith.constant 0 : index
    %get3A_16 = arith.constant 0 : index
    %get3A_17 = vector.load %arg2[%get3A_14, %get3A_15, %get3A_16] : memref<2x1000x128xf32, #tpu.memory_space<vmem>>, vector<1x1000x1xf32>
    %get3A_18 = vector.shape_cast %get3A_17 : vector<1x1000x1xf32> to vector<1000x1xf32>
    %add3A_19 = arith.addf %get3A_13, %get3A_18 : vector<1000x1xf32>
    %max3A = arith.constant 1.000000e+00 : f32
    %max3A_20 = vector.broadcast %max3A : f32 to vector<1000x1xf32>
    %max3A_21 = arith.maximumf %add3A_19, %max3A_20 : vector<1000x1xf32>
    %div3A = vector.broadcast %max3A_21 : vector<1000x1xf32> to vector<1000x128xf32>
    %div3A_22 = arith.divf %add3A, %div3A : vector<1000x128xf32>
    %get3A_23 = arith.constant 0 : index
    %get3A_24 = arith.constant 0 : index
    %get3A_25 = vector.load %arg3[%get3A_23, %get3A_24] : memref<1000x128xf32, #tpu.memory_space<vmem>>, vector<1000x128xf32>
    %get3A_26 = arith.constant 0 : index
    %get3A_27 = arith.constant 0 : index
    %get3A_28 = vector.load %arg4[%get3A_26, %get3A_27] : memref<1000x128xf32, #tpu.memory_space<vmem>>, vector<1000x128xf32>
    %sub3A = arith.subf %get3A_25, %get3A_28 : vector<1000x128xf32>
    %get3A_29 = arith.constant 0 : index
    %get3A_30 = arith.constant 0 : index
    %get3A_31 = vector.load %arg5[%get3A_29, %get3A_30] : memref<40x128xf32, #tpu.memory_space<vmem>>, vector<40x128xf32>
    %broadcast_in_dim3A = vector.shape_cast %get3A_31 : vector<40x128xf32> to vector<40x1x128xf32>
    %broadcast_in_dim3A_32 = vector.broadcast %broadcast_in_dim3A : vector<40x1x128xf32> to vector<40x25x128xf32>
    %reshape3A = vector.shape_cast %broadcast_in_dim3A_32 : vector<40x25x128xf32> to vector<1000x128xf32>
    %get3A_33 = arith.constant 0 : index
    %get3A_34 = arith.constant 0 : index
    %get3A_35 = vector.load %arg6[%get3A_33, %get3A_34] : memref<128x128xf32, #tpu.memory_space<vmem>>, vector<128x128xf32>
    %dot_general3A = arith.constant dense<0.000000e+00> : vector<1000x128xf32>
    %dot_general3A_36 = tpu.matmul %div3A_22, %get3A_35, %dot_general3A {dimension_numbers = #tpu.dot_dimension_numbers<[1], [0], [0], [1], [0, 0, 1, 1], [], []>, transpose_lhs_hint = false} : vector<1000x128xf32>, vector<128x128xf32>, vector<1000x128xf32> -> vector<1000x128xf32>
    %get3A_37 = arith.constant 0 : index
    %get3A_38 = arith.constant 0 : index
    %get3A_39 = vector.load %arg7[%get3A_37, %get3A_38] : memref<128x128xf32, #tpu.memory_space<vmem>>, vector<128x128xf32>
    %dot_general3A_40 = arith.constant dense<0.000000e+00> : vector<1000x128xf32>
    %dot_general3A_41 = tpu.matmul %get3A_25, %get3A_39, %dot_general3A_40 {dimension_numbers = #tpu.dot_dimension_numbers<[1], [0], [0], [1], [0, 0, 1, 1], [], []>, transpose_lhs_hint = false} : vector<1000x128xf32>, vector<128x128xf32>, vector<1000x128xf32> -> vector<1000x128xf32>
    %add3A_42 = arith.addf %dot_general3A_36, %dot_general3A_41 : vector<1000x128xf32>
    %get3A_43 = arith.constant 0 : index
    %get3A_44 = arith.constant 0 : index
    %get3A_45 = vector.load %arg8[%get3A_43, %get3A_44] : memref<128x128xf32, #tpu.memory_space<vmem>>, vector<128x128xf32>
    %dot_general3A_46 = arith.constant dense<0.000000e+00> : vector<1000x128xf32>
    %dot_general3A_47 = tpu.matmul %sub3A, %get3A_45, %dot_general3A_46 {dimension_numbers = #tpu.dot_dimension_numbers<[1], [0], [0], [1], [0, 0, 1, 1], [], []>, transpose_lhs_hint = false} : vector<1000x128xf32>, vector<128x128xf32>, vector<1000x128xf32> -> vector<1000x128xf32>
    %add3A_48 = arith.addf %add3A_42, %dot_general3A_47 : vector<1000x128xf32>
    %get3A_49 = arith.constant 0 : index
    %get3A_50 = arith.constant 0 : index
    %get3A_51 = vector.load %arg9[%get3A_49, %get3A_50] : memref<128x128xf32, #tpu.memory_space<vmem>>, vector<128x128xf32>
    %dot_general3A_52 = arith.constant dense<0.000000e+00> : vector<1000x128xf32>
    %dot_general3A_53 = tpu.matmul %reshape3A, %get3A_51, %dot_general3A_52 {dimension_numbers = #tpu.dot_dimension_numbers<[1], [0], [0], [1], [0, 0, 1, 1], [], []>, transpose_lhs_hint = false} : vector<1000x128xf32>, vector<128x128xf32>, vector<1000x128xf32> -> vector<1000x128xf32>
    %add3A_54 = arith.addf %add3A_48, %dot_general3A_53 : vector<1000x128xf32>
    %get3A_55 = arith.constant 0 : index
    %get3A_56 = arith.constant 0 : index
    %get3A_57 = vector.load %arg10[%get3A_55, %get3A_56] : memref<1x128xf32, #tpu.memory_space<vmem>>, vector<1x128xf32>
    %add3A_58 = vector.broadcast %get3A_57 : vector<1x128xf32> to vector<1000x128xf32>
    %add3A_59 = arith.addf %add3A_54, %add3A_58 : vector<1000x128xf32>
    %max3A_60 = arith.constant 0.000000e+00 : f32
    %max3A_61 = vector.broadcast %max3A_60 : f32 to vector<1000x128xf32>
    %max3A_62 = arith.maximumf %add3A_59, %max3A_61 : vector<1000x128xf32>
    %get3A_63 = arith.constant 0 : index
    %get3A_64 = arith.constant 0 : index
    %get3A_65 = vector.load %arg11[%get3A_63, %get3A_64] : memref<128x128xf32, #tpu.memory_space<vmem>>, vector<128x128xf32>
    %dot_general3A_66 = arith.constant dense<0.000000e+00> : vector<1000x128xf32>
    %dot_general3A_67 = tpu.matmul %max3A_62, %get3A_65, %dot_general3A_66 {dimension_numbers = #tpu.dot_dimension_numbers<[1], [0], [0], [1], [0, 0, 1, 1], [], []>, transpose_lhs_hint = false} : vector<1000x128xf32>, vector<128x128xf32>, vector<1000x128xf32> -> vector<1000x128xf32>
    %get3A_68 = arith.constant 0 : index
    %get3A_69 = arith.constant 0 : index
    %get3A_70 = vector.load %arg12[%get3A_68, %get3A_69] : memref<1x128xf32, #tpu.memory_space<vmem>>, vector<1x128xf32>
    %add3A_71 = vector.broadcast %get3A_70 : vector<1x128xf32> to vector<1000x128xf32>
    %add3A_72 = arith.addf %dot_general3A_67, %add3A_71 : vector<1000x128xf32>
    %max3A_73 = arith.constant 0.000000e+00 : f32
    %max3A_74 = vector.broadcast %max3A_73 : f32 to vector<1000x128xf32>
    %max3A_75 = arith.maximumf %add3A_72, %max3A_74 : vector<1000x128xf32>
    %get3A_76 = arith.constant 0 : index
    %get3A_77 = arith.constant 0 : index
    %get3A_78 = vector.load %arg13[%get3A_76, %get3A_77] : memref<128x128xf32, #tpu.memory_space<vmem>>, vector<128x128xf32>
    %dot_general3A_79 = arith.constant dense<0.000000e+00> : vector<1000x128xf32>
    %dot_general3A_80 = tpu.matmul %max3A_75, %get3A_78, %dot_general3A_79 {dimension_numbers = #tpu.dot_dimension_numbers<[1], [0], [0], [1], [0, 0, 1, 1], [], []>, transpose_lhs_hint = false} : vector<1000x128xf32>, vector<128x128xf32>, vector<1000x128xf32> -> vector<1000x128xf32>
    %get3A_81 = arith.constant 0 : index
    %get3A_82 = arith.constant 0 : index
    %get3A_83 = vector.load %arg14[%get3A_81, %get3A_82] : memref<1x128xf32, #tpu.memory_space<vmem>>, vector<1x128xf32>
    %add3A_84 = vector.broadcast %get3A_83 : vector<1x128xf32> to vector<1000x128xf32>
    %add3A_85 = arith.addf %dot_general3A_80, %add3A_84 : vector<1000x128xf32>
    %swap3A = arith.constant 0 : index
    %swap3A_86 = arith.constant 0 : index
    %swap3A_87 = vector.load %arg15[%swap3A, %swap3A_86] : memref<1000x128xf32, #tpu.memory_space<vmem>>, vector<1000x128xf32>
    tpu.vector_store %arg15[%swap3A, %swap3A_86], %add3A_85 {strides = array<i32>} : memref<1000x128xf32, #tpu.memory_space<vmem>>, vector<1000x128xf32>,
    %reshape3A_88 = vector.shape_cast %add3A : vector<1000x128xf32> to vector<40x25x128xf32>
    %reduce_sum3A = arith.constant dense<0.000000e+00> : vector<40x128xf32>
    %reduce_sum3A_89 = vector.multi_reduction <add>, %reshape3A_88, %reduce_sum3A [1] : vector<40x25x128xf32> to vector<40x128xf32>
    %reshape3A_90 = vector.shape_cast %add3A_19 : vector<1000x1xf32> to vector<40x25xf32>
    %reduce_sum3A_91 = arith.constant dense<0.000000e+00> : vector<40xf32>
    %reduce_sum3A_92 = vector.multi_reduction <add>, %reshape3A_90, %reduce_sum3A_91 [1] : vector<40x25xf32> to vector<40xf32>
    %broadcast_in_dim3A_93 = vector.shape_cast %reduce_sum3A_92 : vector<40xf32> to vector<40x1xf32>
    %max3A_94 = arith.constant 1.000000e+00 : f32
    %max3A_95 = vector.broadcast %max3A_94 : f32 to vector<40x1xf32>
    %max3A_96 = arith.maximumf %broadcast_in_dim3A_93, %max3A_95 : vector<40x1xf32>
    %div3A_97 = vector.broadcast %max3A_96 : vector<40x1xf32> to vector<40x128xf32>
    %div3A_98 = arith.divf %reduce_sum3A_89, %div3A_97 : vector<40x128xf32>
    %swap3A_99 = arith.constant 0 : index
    %swap3A_100 = arith.constant 0 : index
    %swap3A_101 = vector.load %arg16[%swap3A_99, %swap3A_100] : memref<40x128xf32, #tpu.memory_space<vmem>>, vector<40x128xf32>
    tpu.vector_store %arg16[%swap3A_99, %swap3A_100], %div3A_98 {strides = array<i32>} : memref<40x128xf32, #tpu.memory_space<vmem>>, vector<40x128xf32>,
    %reshape3A_102 = vector.shape_cast %add3A_85 : vector<1000x128xf32> to vector<40x25x128xf32>
    %reduce_sum3A_103 = arith.constant dense<0.000000e+00> : vector<40x128xf32>
    %reduce_sum3A_104 = vector.multi_reduction <add>, %reshape3A_102, %reduce_sum3A_103 [1] : vector<40x25x128xf32> to vector<40x128xf32>
    %div3A_105 = arith.constant 2.500000e+01 : f32
    %div3A_106 = vector.broadcast %div3A_105 : f32 to vector<40x128xf32>
    %div3A_107 = arith.divf %reduce_sum3A_104, %div3A_106 : vector<40x128xf32>
    %swap3A_108 = arith.constant 0 : index
    %swap3A_109 = arith.constant 0 : index
    %swap3A_110 = vector.load %arg17[%swap3A_108, %swap3A_109] : memref<40x128xf32, #tpu.memory_space<vmem>>, vector<40x128xf32>
    tpu.vector_store %arg17[%swap3A_108, %swap3A_109], %div3A_107 {strides = array<i32>} : memref<40x128xf32, #tpu.memory_space<vmem>>, vector<40x128xf32>,
    return
  }
  func.func @transform_0(%arg0: i32) -> (i32, i32, i32) {
    %c0_i32 = arith.constant 0 : i32
    %c0_i32_0 = arith.constant 0 : i32
    %c0_i32_1 = arith.constant 0 : i32
    return %c0_i32, %arg0, %c0_i32_0 : i32, i32, i32
  }
  func.func @transform_1(%arg0: i32) -> (i32, i32, i32) {
    %c0_i32 = arith.constant 0 : i32
    %c0_i32_0 = arith.constant 0 : i32
    %c0_i32_1 = arith.constant 0 : i32
    return %c0_i32, %arg0, %c0_i32_0 : i32, i32, i32
  }
  func.func @transform_2(%arg0: i32) -> (i32, i32) {
    %c0_i32 = arith.constant 0 : i32
    %c0_i32_0 = arith.constant 0 : i32
    return %arg0, %c0_i32 : i32, i32
  }
  func.func @transform_3(%arg0: i32) -> (i32, i32) {
    %c0_i32 = arith.constant 0 : i32
    %c0_i32_0 = arith.constant 0 : i32
    return %arg0, %c0_i32 : i32, i32
  }
  func.func @transform_4(%arg0: i32) -> (i32, i32) {
    %c0_i32 = arith.constant 0 : i32
    %c0_i32_0 = arith.constant 0 : i32
    return %arg0, %c0_i32 : i32, i32
  }
  func.func @transform_5(%arg0: i32) -> (i32, i32) {
    %c0_i32 = arith.constant 0 : i32
    %c0_i32_0 = arith.constant 0 : i32
    %c0_i32_1 = arith.constant 0 : i32
    return %c0_i32, %c0_i32_0 : i32, i32
  }
  func.func @transform_6(%arg0: i32) -> (i32, i32) {
    %c0_i32 = arith.constant 0 : i32
    %c0_i32_0 = arith.constant 0 : i32
    %c0_i32_1 = arith.constant 0 : i32
    return %c0_i32, %c0_i32_0 : i32, i32
  }
  func.func @transform_7(%arg0: i32) -> (i32, i32) {
    %c0_i32 = arith.constant 0 : i32
    %c0_i32_0 = arith.constant 0 : i32
    %c0_i32_1 = arith.constant 0 : i32
    return %c0_i32, %c0_i32_0 : i32, i32
  }
  func.func @transform_8(%arg0: i32) -> (i32, i32) {
    %c0_i32 = arith.constant 0 : i32
    %c0_i32_0 = arith.constant 0 : i32
    %c0_i32_1 = arith.constant 0 : i32
    return %c0_i32, %c0_i32_0 : i32, i32
  }
  func.func @transform_9(%arg0: i32) -> (i32, i32) {
    %c0_i32 = arith.constant 0 : i32
    %c0_i32_0 = arith.constant 0 : i32
    %c0_i32_1 = arith.constant 0 : i32
    return %c0_i32, %c0_i32_0 : i32, i32
  }
  func.func @transform_10(%arg0: i32) -> (i32, i32) {
    %c0_i32 = arith.constant 0 : i32
    %c0_i32_0 = arith.constant 0 : i32
    %c0_i32_1 = arith.constant 0 : i32
    return %c0_i32, %c0_i32_0 : i32, i32
  }
  func.func @transform_11(%arg0: i32) -> (i32, i32) {
    %c0_i32 = arith.constant 0 : i32
    %c0_i32_0 = arith.constant 0 : i32
    %c0_i32_1 = arith.constant 0 : i32
    return %c0_i32, %c0_i32_0 : i32, i32
  }
  func.func @transform_12(%arg0: i32) -> (i32, i32) {
    %c0_i32 = arith.constant 0 : i32
    %c0_i32_0 = arith.constant 0 : i32
    %c0_i32_1 = arith.constant 0 : i32
    return %c0_i32, %c0_i32_0 : i32, i32
  }
  func.func @transform_13(%arg0: i32) -> (i32, i32) {
    %c0_i32 = arith.constant 0 : i32
    %c0_i32_0 = arith.constant 0 : i32
    %c0_i32_1 = arith.constant 0 : i32
    return %c0_i32, %c0_i32_0 : i32, i32
  }
  func.func @transform_14(%arg0: i32) -> (i32, i32) {
    %c0_i32 = arith.constant 0 : i32
    %c0_i32_0 = arith.constant 0 : i32
    return %arg0, %c0_i32 : i32, i32
  }
  func.func @transform_15(%arg0: i32) -> (i32, i32) {
    %c0_i32 = arith.constant 0 : i32
    %c0_i32_0 = arith.constant 0 : i32
    return %arg0, %c0_i32 : i32, i32
  }
  func.func @transform_16(%arg0: i32) -> (i32, i32) {
    %c0_i32 = arith.constant 0 : i32
    %c0_i32_0 = arith.constant 0 : i32
    return %arg0, %c0_i32 : i32, i32
  }
}

module attributes {stable_mosaic.version = 14 : i64} {
  func.func @_glob_body(%arg0: memref<400x128xf32, #tpu.memory_space<vmem>>, %arg1: memref<400x128xf32, #tpu.memory_space<vmem>>, %arg2: memref<400x128xf32, #tpu.memory_space<vmem>>, %arg3: memref<128x128xf32, #tpu.memory_space<vmem>>, %arg4: memref<128x128xf32, #tpu.memory_space<vmem>>, %arg5: memref<128x128xf32, #tpu.memory_space<vmem>>, %arg6: memref<1x128xf32, #tpu.memory_space<vmem>>, %arg7: memref<128x128xf32, #tpu.memory_space<vmem>>, %arg8: memref<1x128xf32, #tpu.memory_space<vmem>>, %arg9: memref<128x128xf32, #tpu.memory_space<vmem>>, %arg10: memref<1x128xf32, #tpu.memory_space<vmem>>, %arg11: memref<400x128xf32, #tpu.memory_space<vmem>>) attributes {dimension_semantics = [], scalar_prefetch = 0 : i64, scratch_operands = 0 : i64, tpu.core_type = #tpu.core_type<tc>} {
    %get3A = arith.constant 0 : index
    %get3A_0 = arith.constant 0 : index
    %get3A_1 = vector.load %arg0[%get3A, %get3A_0] : memref<400x128xf32, #tpu.memory_space<vmem>>, vector<400x128xf32>
    %get3A_2 = arith.constant 0 : index
    %get3A_3 = arith.constant 0 : index
    %get3A_4 = vector.load %arg3[%get3A_2, %get3A_3] : memref<128x128xf32, #tpu.memory_space<vmem>>, vector<128x128xf32>
    %dot_general3A = arith.constant dense<0.000000e+00> : vector<400x128xf32>
    %dot_general3A_5 = tpu.matmul %get3A_1, %get3A_4, %dot_general3A {dimension_numbers = #tpu.dot_dimension_numbers<[1], [0], [0], [1], [0, 0, 1, 1], [], []>, transpose_lhs_hint = false} : vector<400x128xf32>, vector<128x128xf32>, vector<400x128xf32> -> vector<400x128xf32>
    %get3A_6 = arith.constant 0 : index
    %get3A_7 = arith.constant 0 : index
    %get3A_8 = vector.load %arg1[%get3A_6, %get3A_7] : memref<400x128xf32, #tpu.memory_space<vmem>>, vector<400x128xf32>
    %get3A_9 = arith.constant 0 : index
    %get3A_10 = arith.constant 0 : index
    %get3A_11 = vector.load %arg4[%get3A_9, %get3A_10] : memref<128x128xf32, #tpu.memory_space<vmem>>, vector<128x128xf32>
    %dot_general3A_12 = arith.constant dense<0.000000e+00> : vector<400x128xf32>
    %dot_general3A_13 = tpu.matmul %get3A_8, %get3A_11, %dot_general3A_12 {dimension_numbers = #tpu.dot_dimension_numbers<[1], [0], [0], [1], [0, 0, 1, 1], [], []>, transpose_lhs_hint = false} : vector<400x128xf32>, vector<128x128xf32>, vector<400x128xf32> -> vector<400x128xf32>
    %add3A = arith.addf %dot_general3A_5, %dot_general3A_13 : vector<400x128xf32>
    %get3A_14 = arith.constant 0 : index
    %get3A_15 = arith.constant 0 : index
    %get3A_16 = vector.load %arg2[%get3A_14, %get3A_15] : memref<400x128xf32, #tpu.memory_space<vmem>>, vector<400x128xf32>
    %get3A_17 = arith.constant 0 : index
    %get3A_18 = arith.constant 0 : index
    %get3A_19 = vector.load %arg5[%get3A_17, %get3A_18] : memref<128x128xf32, #tpu.memory_space<vmem>>, vector<128x128xf32>
    %dot_general3A_20 = arith.constant dense<0.000000e+00> : vector<400x128xf32>
    %dot_general3A_21 = tpu.matmul %get3A_16, %get3A_19, %dot_general3A_20 {dimension_numbers = #tpu.dot_dimension_numbers<[1], [0], [0], [1], [0, 0, 1, 1], [], []>, transpose_lhs_hint = false} : vector<400x128xf32>, vector<128x128xf32>, vector<400x128xf32> -> vector<400x128xf32>
    %add3A_22 = arith.addf %add3A, %dot_general3A_21 : vector<400x128xf32>
    %get3A_23 = arith.constant 0 : index
    %get3A_24 = arith.constant 0 : index
    %get3A_25 = vector.load %arg6[%get3A_23, %get3A_24] : memref<1x128xf32, #tpu.memory_space<vmem>>, vector<1x128xf32>
    %add3A_26 = vector.broadcast %get3A_25 : vector<1x128xf32> to vector<400x128xf32>
    %add3A_27 = arith.addf %add3A_22, %add3A_26 : vector<400x128xf32>
    %max3A = arith.constant 0.000000e+00 : f32
    %max3A_28 = vector.broadcast %max3A : f32 to vector<400x128xf32>
    %max3A_29 = arith.maximumf %add3A_27, %max3A_28 : vector<400x128xf32>
    %get3A_30 = arith.constant 0 : index
    %get3A_31 = arith.constant 0 : index
    %get3A_32 = vector.load %arg7[%get3A_30, %get3A_31] : memref<128x128xf32, #tpu.memory_space<vmem>>, vector<128x128xf32>
    %dot_general3A_33 = arith.constant dense<0.000000e+00> : vector<400x128xf32>
    %dot_general3A_34 = tpu.matmul %max3A_29, %get3A_32, %dot_general3A_33 {dimension_numbers = #tpu.dot_dimension_numbers<[1], [0], [0], [1], [0, 0, 1, 1], [], []>, transpose_lhs_hint = false} : vector<400x128xf32>, vector<128x128xf32>, vector<400x128xf32> -> vector<400x128xf32>
    %get3A_35 = arith.constant 0 : index
    %get3A_36 = arith.constant 0 : index
    %get3A_37 = vector.load %arg8[%get3A_35, %get3A_36] : memref<1x128xf32, #tpu.memory_space<vmem>>, vector<1x128xf32>
    %add3A_38 = vector.broadcast %get3A_37 : vector<1x128xf32> to vector<400x128xf32>
    %add3A_39 = arith.addf %dot_general3A_34, %add3A_38 : vector<400x128xf32>
    %max3A_40 = arith.constant 0.000000e+00 : f32
    %max3A_41 = vector.broadcast %max3A_40 : f32 to vector<400x128xf32>
    %max3A_42 = arith.maximumf %add3A_39, %max3A_41 : vector<400x128xf32>
    %get3A_43 = arith.constant 0 : index
    %get3A_44 = arith.constant 0 : index
    %get3A_45 = vector.load %arg9[%get3A_43, %get3A_44] : memref<128x128xf32, #tpu.memory_space<vmem>>, vector<128x128xf32>
    %dot_general3A_46 = arith.constant dense<0.000000e+00> : vector<400x128xf32>
    %dot_general3A_47 = tpu.matmul %max3A_42, %get3A_45, %dot_general3A_46 {dimension_numbers = #tpu.dot_dimension_numbers<[1], [0], [0], [1], [0, 0, 1, 1], [], []>, transpose_lhs_hint = false} : vector<400x128xf32>, vector<128x128xf32>, vector<400x128xf32> -> vector<400x128xf32>
    %get3A_48 = arith.constant 0 : index
    %get3A_49 = arith.constant 0 : index
    %get3A_50 = vector.load %arg10[%get3A_48, %get3A_49] : memref<1x128xf32, #tpu.memory_space<vmem>>, vector<1x128xf32>
    %add3A_51 = vector.broadcast %get3A_50 : vector<1x128xf32> to vector<400x128xf32>
    %add3A_52 = arith.addf %dot_general3A_47, %add3A_51 : vector<400x128xf32>
    %swap3A = arith.constant 0 : index
    %swap3A_53 = arith.constant 0 : index
    %swap3A_54 = vector.load %arg11[%swap3A, %swap3A_53] : memref<400x128xf32, #tpu.memory_space<vmem>>, vector<400x128xf32>
    tpu.vector_store %arg11[%swap3A, %swap3A_53], %add3A_52 {strides = array<i32>} : memref<400x128xf32, #tpu.memory_space<vmem>>, vector<400x128xf32>,
    return
  }
}

module attributes {stable_mosaic.version = 14 : i64} {
  func.func @_out_body(%arg0: memref<400x128xf32, #tpu.memory_space<vmem>>, %arg1: memref<400x128xf32, #tpu.memory_space<vmem>>, %arg2: memref<128x128xf32, #tpu.memory_space<vmem>>, %arg3: memref<128x128xf32, #tpu.memory_space<vmem>>, %arg4: memref<1x128xf32, #tpu.memory_space<vmem>>, %arg5: memref<128x128xf32, #tpu.memory_space<vmem>>, %arg6: memref<1x128xf32, #tpu.memory_space<vmem>>, %arg7: memref<128x128xf32, #tpu.memory_space<vmem>>, %arg8: memref<1x128xf32, #tpu.memory_space<vmem>>, %arg9: memref<400x128xf32, #tpu.memory_space<vmem>>) attributes {dimension_semantics = [], scalar_prefetch = 0 : i64, scratch_operands = 0 : i64, tpu.core_type = #tpu.core_type<tc>} {
    %get3A = arith.constant 0 : index
    %get3A_0 = arith.constant 0 : index
    %get3A_1 = vector.load %arg0[%get3A, %get3A_0] : memref<400x128xf32, #tpu.memory_space<vmem>>, vector<400x128xf32>
    %get3A_2 = arith.constant 0 : index
    %get3A_3 = arith.constant 0 : index
    %get3A_4 = vector.load %arg2[%get3A_2, %get3A_3] : memref<128x128xf32, #tpu.memory_space<vmem>>, vector<128x128xf32>
    %dot_general3A = arith.constant dense<0.000000e+00> : vector<400x128xf32>
    %dot_general3A_5 = tpu.matmul %get3A_1, %get3A_4, %dot_general3A {dimension_numbers = #tpu.dot_dimension_numbers<[1], [0], [0], [1], [0, 0, 1, 1], [], []>, transpose_lhs_hint = false} : vector<400x128xf32>, vector<128x128xf32>, vector<400x128xf32> -> vector<400x128xf32>
    %get3A_6 = arith.constant 0 : index
    %get3A_7 = arith.constant 0 : index
    %get3A_8 = vector.load %arg1[%get3A_6, %get3A_7] : memref<400x128xf32, #tpu.memory_space<vmem>>, vector<400x128xf32>
    %get3A_9 = arith.constant 0 : index
    %get3A_10 = arith.constant 0 : index
    %get3A_11 = vector.load %arg3[%get3A_9, %get3A_10] : memref<128x128xf32, #tpu.memory_space<vmem>>, vector<128x128xf32>
    %dot_general3A_12 = arith.constant dense<0.000000e+00> : vector<400x128xf32>
    %dot_general3A_13 = tpu.matmul %get3A_8, %get3A_11, %dot_general3A_12 {dimension_numbers = #tpu.dot_dimension_numbers<[1], [0], [0], [1], [0, 0, 1, 1], [], []>, transpose_lhs_hint = false} : vector<400x128xf32>, vector<128x128xf32>, vector<400x128xf32> -> vector<400x128xf32>
    %add3A = arith.addf %dot_general3A_5, %dot_general3A_13 : vector<400x128xf32>
    %get3A_14 = arith.constant 0 : index
    %get3A_15 = arith.constant 0 : index
    %get3A_16 = vector.load %arg4[%get3A_14, %get3A_15] : memref<1x128xf32, #tpu.memory_space<vmem>>, vector<1x128xf32>
    %add3A_17 = vector.broadcast %get3A_16 : vector<1x128xf32> to vector<400x128xf32>
    %add3A_18 = arith.addf %add3A, %add3A_17 : vector<400x128xf32>
    %max3A = arith.constant 0.000000e+00 : f32
    %max3A_19 = vector.broadcast %max3A : f32 to vector<400x128xf32>
    %max3A_20 = arith.maximumf %add3A_18, %max3A_19 : vector<400x128xf32>
    %get3A_21 = arith.constant 0 : index
    %get3A_22 = arith.constant 0 : index
    %get3A_23 = vector.load %arg5[%get3A_21, %get3A_22] : memref<128x128xf32, #tpu.memory_space<vmem>>, vector<128x128xf32>
    %dot_general3A_24 = arith.constant dense<0.000000e+00> : vector<400x128xf32>
    %dot_general3A_25 = tpu.matmul %max3A_20, %get3A_23, %dot_general3A_24 {dimension_numbers = #tpu.dot_dimension_numbers<[1], [0], [0], [1], [0, 0, 1, 1], [], []>, transpose_lhs_hint = false} : vector<400x128xf32>, vector<128x128xf32>, vector<400x128xf32> -> vector<400x128xf32>
    %get3A_26 = arith.constant 0 : index
    %get3A_27 = arith.constant 0 : index
    %get3A_28 = vector.load %arg6[%get3A_26, %get3A_27] : memref<1x128xf32, #tpu.memory_space<vmem>>, vector<1x128xf32>
    %add3A_29 = vector.broadcast %get3A_28 : vector<1x128xf32> to vector<400x128xf32>
    %add3A_30 = arith.addf %dot_general3A_25, %add3A_29 : vector<400x128xf32>
    %max3A_31 = arith.constant 0.000000e+00 : f32
    %max3A_32 = vector.broadcast %max3A_31 : f32 to vector<400x128xf32>
    %max3A_33 = arith.maximumf %add3A_30, %max3A_32 : vector<400x128xf32>
    %get3A_34 = arith.constant 0 : index
    %get3A_35 = arith.constant 0 : index
    %get3A_36 = vector.load %arg7[%get3A_34, %get3A_35] : memref<128x128xf32, #tpu.memory_space<vmem>>, vector<128x128xf32>
    %dot_general3A_37 = arith.constant dense<0.000000e+00> : vector<400x128xf32>
    %dot_general3A_38 = tpu.matmul %max3A_33, %get3A_36, %dot_general3A_37 {dimension_numbers = #tpu.dot_dimension_numbers<[1], [0], [0], [1], [0, 0, 1, 1], [], []>, transpose_lhs_hint = false} : vector<400x128xf32>, vector<128x128xf32>, vector<400x128xf32> -> vector<400x128xf32>
    %get3A_39 = arith.constant 0 : index
    %get3A_40 = arith.constant 0 : index
    %get3A_41 = vector.load %arg8[%get3A_39, %get3A_40] : memref<1x128xf32, #tpu.memory_space<vmem>>, vector<1x128xf32>
    %add3A_42 = vector.broadcast %get3A_41 : vector<1x128xf32> to vector<400x128xf32>
    %add3A_43 = arith.addf %dot_general3A_38, %add3A_42 : vector<400x128xf32>
    %swap3A = arith.constant 0 : index
    %swap3A_44 = arith.constant 0 : index
    %swap3A_45 = vector.load %arg9[%swap3A, %swap3A_44] : memref<400x128xf32, #tpu.memory_space<vmem>>, vector<400x128xf32>
    tpu.vector_store %arg9[%swap3A, %swap3A_44], %add3A_43 {strides = array<i32>} : memref<400x128xf32, #tpu.memory_space<vmem>>, vector<400x128xf32>,
    return
  }
}

</mosaic_0001>

<sc_bundles>
// kernel: kernel.16.cloned.1.call-start
scs
__scs_entry_jumppad:
0x0: {  	(pc) =	sbr.rel $0x88, $3  }
0x1: {  	(tag) =	ssettag $0x0;
	lr =	simm.s32 $0x1  }
0x2: {  	[smem:$0x3F81] =	sst lr;
	_ =	strace $0xD0000000  }
0x3: {  	_ = 	snop  }
0x4: {  	_ = 	snop  }
0x5: {  	_ = 	snop  }
0x6: {  	_ = 	snop  }
0x7: {  	_ = 	snop  }
__scs_overlays_trampoline_lowered:
0x8: {  	[smem:$0x3F90] =	sst s0  }
0x9: {  	[smem:$0x3F91] =	sst s1  }
0xa: {  	[smem:$0x3F92] =	sst s2  }
0xb: {  	[smem:$0x3F93] =	sst s3  }
0xc: {  	[smem:$0x3F94] =	sst s4  }
0xd: {  	[smem:$0x3F95] =	sst s5  }
0xe: {  	[smem:$0x3F96] =	sst s6  }
0xf: {  	[smem:$0x3F97] =	sst s7  }
0x10: {  	[smem:$0x3F98] =	sst s8  }
0x11: {  	[smem:$0x3F99] =	sst s9;
	s0 =	simm.s32 @!p0 $0x0  }
0x12: {  	s1 =	sld [smem:$0x3F7F];
	s0 =	simm.s32 @p0 $0x1  }
0x13: {  	[smem:$0x3F9A] =	sst s0;
	s0 =	simm.s32 @!p1 $0x0  }
0x14: {  	s2 =	sld [smem:$0x3F7E];
	s0 =	simm.s32 @p1 $0x1  }
0x15: {  	[smem:$0x3F9B] =	sst s0;
	s0 =	simm.s32 @!p2 $0x0  }
0x16: {  	s3 =	sld [smem:$0x3FDB];
	s0 =	simm.s32 @p2 $0x1  }
0x17: {  	s4 =	simm.s32 $0x1BF5;
	[smem:$0x3F9D] =	sst s0  }
0x18: {  	s0 =	sld [smem:$0x3F80];
	_ =	swait.ge [sflag:s4], $0x0  }
0x19: {  	s7 =	sld [smem:$0x3F81]  }
0x1a: {  	s8 =	sadd.s32 $0xFFFFE003, lr  }
0x1b: {  	s9 =	sadd.s32 $0xFFFFFEF7, lr;
	s5 =	simm.s32 $0xFFFFFFFF;
	p2 =	slt.u32 s8, $0xFFFFF086  }
0x1c: {  	p1 =	slt.u32 s9, $0xF7A;
	s5 =	simm.s32 @!p2 $0x0  }
0x1d: {  	s5 =	simm.s32 @p1 $0x1;
	p0 =	seq.s32 s7, s2  }
0x1e: {  	s7 =	smul.u32 @!p0 $0xF7A, s2;
	p2 =	seq.s32 @!p0 s5, $0x0  }
0x1f: {  	s9 =	smul.u32 $0xF7A, s1;
	s8 =	simm.s32 @!p0 $0x1BF5;
	p2 =	por !p2, p0  }
0x20: {  	[sflag:s8] =	ssyncset.s32 @!p0 $0xFFFFF086;
	s6 =	sadd.s32 @!p0 s3, s7;
	s7 =	simm.s32 @!p0 $0x108  }
0x21: {  	s3 =	sadd.s32 s3, s9;
	s6 =	sadd.s32 @!p0 $0x88, s6;
	s7 =	simm.s32 @p2 $0x1082  }
0x22: {  	[simem:s7], [sflag:s8] =	dma.local @!p0 [hbm:s6], $0xF7A  }
0x23: {  	s9 =	sor.u32 $0xD0000000, s2;
	s6 =	simm.s32 $0x108;
	_ =	swait.ge @!p0 [sflag:s8], $0x0  }
0x24: {  	s3 =	sadd.s32 $0x88, s3;
	s6 =	simm.s32 @!p1 $0x1082;
	[sflag:s4] =	ssyncset.s32 $0xFFFFF086  }
0x25: {  	[simem:s6], [sflag:s4] =	dma.local [hbm:s3], $0xF7A  }
0x26: {  	[smem:$0x3F81] =	sst s1;
	(tag) =	ssettag s2;
	_ =	strace s9  }
0x27: {  	s1 =	sld [smem:$0x3F91]  }
0x28: {  	s2 =	sld [smem:$0x3F92]  }
0x29: {  	s4 =	sld [smem:$0x3F94]  }
0x2a: {  	p0 =	seq.s32 s5, $0x0;
	s5 =	sld [smem:$0x3F95]  }
0x2b: {  	s6 =	sld [smem:$0x3F96]  }
0x2c: {  	s7 =	sld [smem:$0x3F97]  }
0x2d: {  	s3 =	simm.s32 $0x108;
	s8 =	sld [smem:$0x3F98]  }
0x2e: {  	s3 =	simm.s32 @!p0 $0x1082;
	s9 =	sld [smem:$0x3F99]  }
0x2f: {  	lr =	sadd.s32 s0, s3;
	s0 =	sld [smem:$0x3F90]  }
0x30: {  	s3 =	sld [smem:$0x3F93]  }
0x31: {  	[smem:$0x3F9C] =	sst s10  }
0x32: {  	s10 =	sld [smem:$0x3F9A];
	_ =	sdelay $0x3  }
0x33: {  	p0 =	seq.s32 s10, $0x1;
	s10 =	sld [smem:$0x3F9C];
	_ =	sdelay $0x3  }
0x34: {  	[smem:$0x3F9C] =	sst s10  }
0x35: {  	s10 =	sld [smem:$0x3F9B];
	_ =	sdelay $0x3  }
0x36: {  	p1 =	seq.s32 s10, $0x1;
	s10 =	sld [smem:$0x3F9C];
	_ =	sdelay $0x3  }
0x37: {  	[smem:$0x3F9C] =	sst s10  }
0x38: {  	s10 =	sld [smem:$0x3F9D]  }
0x39: {  	_ = 	snop;
	(pc) =	sbr.ind lr, $3  }
0x3a: {  	_ = 	snop  }
0x3b: {  	_ = 	snop  }
0x3c: {  	p2 =	seq.s32 s10, $0x1;
	s10 =	sld [smem:$0x3F9C]  }
0x3d: {  	_ =	shalt  }
0x3e: {  	_ =	shalt  }
0x3f: {  	_ =	shalt  }
0x40: {  	_ =	shalt  }
0x41: {  	_ =	shalt  }
0x42: {  	_ =	shalt  }
0x43: {  	_ =	shalt  }
0x44: {  	_ =	shalt  }
0x45: {  	_ =	shalt  }
0x46: {  	_ =	shalt  }
0x47: {  	_ =	shalt  }
0x48: {  	_ =	shalt  }
0x49: {  	_ =	shalt  }
0x4a: {  	_ =	shalt  }
0x4b: {  	_ =	shalt  }
0x4c: {  	_ =	shalt  }
0x4d: {  	_ =	shalt  }
0x4e: {  	_ =	shalt  }
0x4f: {  	_ =	shalt  }
0x50: {  	_ =	shalt  }
0x51: {  	_ =	shalt  }
0x52: {  	_ =	shalt  }
0x53: {  	_ =	shalt  }
0x54: {  	_ =	shalt  }
0x55: {  	_ =	shalt  }
0x56: {  	_ =	shalt  }
0x57: {  	_ =	shalt  }
0x58: {  	_ =	shalt  }
0x59: {  	_ =	shalt  }
0x5a: {  	_ =	shalt  }
0x5b: {  	_ =	shalt  }
0x5c: {  	_ =	shalt  }
0x5d: {  	_ =	shalt  }
0x5e: {  	_ =	shalt  }
0x5f: {  	_ =	shalt  }
0x60: {  	_ =	shalt  }
0x61: {  	_ =	shalt  }
0x62: {  	_ =	shalt  }
0x63: {  	_ =	shalt  }
0x64: {  	_ =	shalt  }
0x65: {  	_ =	shalt  }
0x66: {  	_ =	shalt  }
0x67: {  	_ =	shalt  }
0x68: {  	_ =	shalt  }
0x69: {  	_ =	shalt  }
0x6a: {  	_ =	shalt  }
0x6b: {  	_ =	shalt  }
0x6c: {  	_ =	shalt  }
0x6d: {  	_ =	shalt  }
0x6e: {  	_ =	shalt  }
0x6f: {  	_ =	shalt  }
0x70: {  	_ =	shalt  }
0x71: {  	_ =	shalt  }
0x72: {  	_ =	shalt  }
0x73: {  	_ =	shalt  }
0x74: {  	_ =	shalt  }
0x75: {  	_ =	shalt  }
0x76: {  	_ =	shalt  }
0x77: {  	_ =	shalt  }
0x78: {  	_ =	shalt  }
0x79: {  	_ =	shalt  }
0x7a: {  	_ =	shalt  }
0x7b: {  	_ =	shalt  }
0x7c: {  	_ =	shalt  }
0x7d: {  	_ =	shalt  }
0x7e: {  	_ =	shalt  }
0x7f: {  	_ =	shalt  }
0x80: {  	_ =	shalt  }
0x81: {  	_ =	shalt  }
0x82: {  	_ =	shalt  }
0x83: {  	_ =	shalt  }
0x84: {  	_ =	shalt  }
0x85: {  	_ =	shalt  }
0x86: {  	_ =	shalt  }
0x87: {  	_ =	shalt  }
.Lfunc_end0:
.L_simem_size_0:
called_computation_lowered:
.L_overlay_start_0:
0x88: {  	s2 =	sld [smem:$0x3FD9]  }
0x89: {  	s3 =	sld [smem:$0x3FFE];
	_ =	sdelay $0x1  }
0x8a: {  	s1 =	srdreg.scid  }
0x8b: {  	s0 =	sand.u32 $0x1, s1  }
0x8c: {  	s17 =	sshll.u32 s0, $0xA;
	s2 =	sadd.s32 s3, s2  }
0x8d: {  	s2 =	sadd.s32 s2, s17  }
0x8e: {  	[smem:$0x3FA8] =	sst s2  }
0x8f: {  	_ = 	snop  }
0x90: {  	(tm) =	ssettm $0x1  }
0x91: {  	s18 =	sld [smem:$0x3FFB];
	_ =	sdelay $0x3  }
0x92: {  	_ =	strace s18  }
0x93: {  	s2 =	sld [smem:$0x3FFC];
	_ =	sdelay $0x3  }
0x94: {  	_ =	strace s2  }
0x95: {  	s2 =	sld [smem:$0x3FFD];
	_ =	sdelay $0x3  }
0x96: {  	_ =	strace s2  }
0x97: {  	_ =	strace $0x8FFFFFFF  }
0x98: {  	s19 =	sld [smem:$0x3FDB];
	_ =	sdelay $0x1  }
0x99: {  	s20 =	simm.s32 $_scs_section_size  }
0x9a: {  	s4 =	simm.s32 $_size__tile_overlayer_lowered;
	s5 =	simm.s32 $_tile_overlayer_lowered  }
0x9b: {  	s6 =	simm.s32 $0x1BFF;
	s21 =	sshll.u32 s5, $0x1;
	s3 =	sadd.s32 s20, s19  }
0x9c: {  	s22 =	simm.s32 $0x0;
	s4 =	sshll.u32 s4, $0x1;
	s5 =	sadd.s32 s21, s3  }
0x9d: {  	[timem:s22], [sflag:s6] =	dma.local [hbm:s5], s4  }
0x9e: {  	_ =	swait.ge [sflag:s6], s4  }
0x9f: {  	s4 =	ssub.s32 $0x0, s4;
	[sflag:s6] =	ssyncset.done $0x0  }
0xa0: {  	[sflag:s6] =	ssyncadd.s32 s4;
	_ =	sdelay $0x1  }
0xa1: {  	s23 =	simm.s32 $0x1B8B  }
0xa2: {  	_ =	swait.ge [sflag:s23], $0x1  }
0xa3: {  	[sflag:s23] =	ssyncset.done $0x0  }
0xa4: {  	[sflag:s23] =	ssyncadd.s32 $0xFFFFFFFF  }
0xa5: {  	s4 =	sld [smem:$0x0]  }
0xa6: {  	s5 =	sand.u32 $0xFFFFFFFE, s1  }
0xa7: {  	p0 =	sne.s32 s1, s5  }
0xa8: {  	s5 =	sshll.u32 @p0 s5, $0xE  }
0xa9: {  	s5 =	sadd.s32 @p0 $0x11B8D, s5;
	s6 =	sshll.u32 @p0 s4, $0x11  }
0xaa: {  	s5 =	sor.u32 @p0 s6, s5  }
0xab: {  	[sflag:s5] =	ssyncadd.remote.s32 @p0 $0x1;
	_ =	sdelay $0x1  }
0xac: {  	s5 =	simm.s32 @p0 $0x1B8D  }
0xad: {  	_ =	swait.eq @p0 [sflag:s5], $0x1  }
0xae: {  	[sflag:s5] =	ssyncadd.s32 @p0 $0xFFFFFFFF  }
0xaf: {  	s6 =	sshll.u32 @!p0 s1, $0xE  }
0xb0: {  	s6 =	sor.u32 @!p0 $0x4000, s6;
	s5 =	simm.s32 @!p0 $0x1B8D  }
0xb1: {  	s4 =	sshll.u32 @!p0 s4, $0x11;
	s6 =	sadd.s32 @!p0 $0x11B8D, s6;
	_ =	swait.eq @!p0 [sflag:s5], $0x1  }
0xb2: {  	s4 =	sor.u32 @!p0 s4, s6;
	[sflag:s5] =	ssyncadd.s32 @!p0 $0xFFFFFFFF  }
0xb3: {  	s25 =	simm.s32 $0x1B8E;
	s24 =	sld [smem:$0x3FFE];
	[sflag:s4] =	ssyncadd.remote.s32 @!p0 $0x1  }
0xb4: {  	s26 =	simm.s32 $execute0_lowered;
	[smem:$0x3FD2] =	sst s25  }
0xb5: {  	s5 =	sshll.u32 s26, $0x1;
	_ =	strace $0x80000049;
	[dreg:$0x1] =	wrdreg $0xFFFFFFFF  }
0xb6: {  	s28 =	simm.s32 $_size_execute0_lowered;
	s3 =	sadd.s32 s3, s5;
	[dreg:$0x0] =	wrdreg $0x0  }
0xb7: {  	s5 =	sshll.u32 s28, $0x1;
	[dreg:$0x2] =	wrdreg s3  }
0xb8: {  	[dreg:$0x3] =	wrdreg s5  }
0xb9: {  	[dreg:$0x4] =	wrdreg $0xC0  }
0xba: {  	_ =	task [dreg:s22], $0x5FFFF  }
0xbb: {  	[dreg:$0x1] =	wrdreg $0xFFFFFFFF  }
0xbc: {  	[dreg:$0x0] =	wrdreg $0x60  }
0xbd: {  	[dreg:$0x2] =	wrdreg s24  }
0xbe: {  	[dreg:$0x3] =	wrdreg $0x9  }
0xbf: {  	_ =	task.clear_ibuf [dreg:s22], $0x4FFFF;
	_ =	strace $0x90000049  }
0xc0: {  	s29 =	simm.s32 $0x9;
	_ =	strace $0x8000004B  }
0xc1: {  	_ =	swait.ge [sflag:s29], $0x1  }
0xc2: {  	[sflag:s29] =	ssyncadd.s32 $0xFFFFFFFF  }
0xc3: {  	_ =	strace $0x9000004B  }
0xc4: {  	_ =	sfence  }
0xc5: {  	s30 =	sld [smem:$0x0];
	_ =	sdelay $0x2  }
0xc6: {  	s31 =	sshll.u32 s1, $0xD;
	s1 =	sshrl.u32 s1, $0x2  }
0xc7: {  	s4 =	sand.u32 $0x4000, s31;
	s1 =	sadd.s32 s1, s30  }
0xc8: {  	s0 =	sor.u32 s4, s0;
	s1 =	sshll.u32 s1, $0x11  }
0xc9: {  	s0 =	sor.u32 s1, s0  }
0xca: {  	s0 =	sadd.s32 $0x8F2B, s0  }
0xcb: {  	[sflag:s0] =	ssyncadd.remote.s32 $0x1  }
0xcc: {  	_ =	sfence.sel $0xFFFF  }
0xcd: {  	[dreg:$0x0] =	wrdreg $0xFFFFFFFF;
	(pc) =	sbr.abs _section_cstart, $3  }
0xce: {  	[dreg:$0x1] =	wrdreg $0xFFFFFFFF  }
0xcf: {  	_ =	task.clear_ibuf [dreg:s22], $0x2FFFF;
	_ =	strace $0x9FFFFFFF  }
0xd0: {  	(tm) =	ssettm $0x7FFFFFFF  }
0xd1: {  	_ =	shalt  }
tec
execute0_lowered:
.L_overlay_start_1:
0x0: {  	(tag) =	ssettag $0x1  }
0x1: {  	s7 =	rddreg [dreg:$0x0]  }
0x2: {  	s0 =	rddreg [dreg:$0x1];
	s1 =	simm.s32 $0x0  }
0x3: {  	s2 =	srdreg.scid;
	s12 =	simm.s32 $0x100;
	s13 =	simm.s32 $0x4100  }
0x4: {  	s14 =	simm.s32 $0x1;
	s15 =	simm.s32 $0x2;
	s16 =	simm.s32 $0x0  }
0x5: {  	[smem:$0x7FF] =	sst s1;
	s3 =	sadd.s32 $0x2F3E00, s7;
	s4 =	sadd.s32 $0x31B000, s7  }
0x6: {  	s8 =	sand.u32 $0x1, s2;
	s5 =	sadd.s32 $0x2EEE00, s7;
	s2 =	stileid.u32  }
0x7: {  	s6 =	sadd.s32 $0xCA00, s7;
	s7 =	sadd.s32 $0x342200, s7;
	s9 =	ssub.s32 $0x2, s8  }
0x8: {  	_ =	strace $0x8000004A;
	s11 =	sshll.u32 s2, $0x1;
	s10 =	sshrl.u32 s9, $0x1  }
0x9: {  	s8 =	sor.u32 s8, s11;
	s11 =	simm.s32 $0x80;
	s9 =	ssub.s32 s9, s10  }
0xa: {  	s8 =	smul.u32 $0x28, s8;
	s10 =	simm.s32 $0x3;
	s9 =	smax.u32 s9, $0x1  }
.LBB2_1:
0xb: {  	s17 =	simm.s32 $0x0  }
.LBB2_2:
0xc: {  	s18 =	sadd.s32 s8, s17  }
0xd: {  	s19 =	sshll.u32 s18, $0x4  }
0xe: {  	s21 =	simm.s32 $0x0;
	s20 =	sadd.s32 s6, s19  }
0xf: {  	[tilespmem:s21], [sflag:$0x3] =	stream.linear.gather [hbm4b:s20+s21], $0x80, $0x38;
	[tilespmem:$0x8100] =	vst v63  }
0x10: {  	_ =	swait.ge [sflag:s10], $0x80  }
0x11: {  	[sflag:s10] =	ssyncset.done $0x0  }
0x12: {  	s19 =	sadd.s32 s5, s19;
	[sflag:s10] =	ssyncadd.s32 $0xFFFFFF80  }
0x13: {  	[tilespmem:s11], [sflag:$0x3] =	stream.linear.gather [hbm4b:s19+s21], $0x80, $0x38;
	[tilespmem:$0x8100] =	vst v63  }
0x14: {  	_ =	swait.ge [sflag:s10], $0x80  }
0x15: {  	[sflag:s10] =	ssyncset.done $0x0  }
0x16: {  	[sflag:s10] =	ssyncadd.s32 $0xFFFFFF80  }
0x17: {  	[tilespmem:s12], [sflag:$0x1] =	stream.indirect.gather [hbm4b:s3+s11], $0x80, s21, s11, $0xb8;
	[tilespmem:$0x8100] =	vst v63  }
0x18: {  	_ = 	snop  }
0x19: {  	[tilespmem:s13], [sflag:$0x2] =	stream.indirect.gather [hbm4b:s4+s11], $0x80, s11, s11, $0xb8;
	[tilespmem:$0x8100] =	vst v63  }
0x1a: {  	_ =	swait.ge [sflag:s14], $0x4000  }
0x1b: {  	[sflag:s14] =	ssyncset.done $0x0  }
0x1c: {  	[sflag:s14] =	ssyncadd.s32 $0xFFFFC000  }
0x1d: {  	_ =	swait.ge [sflag:s15], $0x4000  }
0x1e: {  	[sflag:s15] =	ssyncset.done $0x0  }
0x1f: {  	s19 =	simm.s32 $0x0;
	[sflag:s15] =	ssyncadd.s32 $0xFFFFC000  }
0x20: {  	v7 =	vld [tilespmem:s19+$0x4100]  }
0x21: {  	v11 =	vld [tilespmem:s19+$0x4110]  }
0x22: {  	v5 =	vld [tilespmem:s19+$0x4120]  }
0x23: {  	v4 =	vld [tilespmem:s19+$0x4130]  }
0x24: {  	v3 =	vld [tilespmem:s19+$0x4140]  }
0x25: {  	v2 =	vld [tilespmem:s19+$0x4150]  }
0x26: {  	v1 =	vld [tilespmem:s19+$0x4160]  }
0x27: {  	v0 =	vld [tilespmem:s19+$0x4170]  }
0x28: {  	v12 =	vld [tilespmem:s19+$0x100]  }
0x29: {  	v13 =	vld [tilespmem:s19+$0x110]  }
0x2a: {  	v10 =	vld [tilespmem:s19+$0x120]  }
0x2b: {  	v9 =	vld [tilespmem:s19+$0x130]  }
0x2c: {  	v8 =	vld [tilespmem:s19+$0x140]  }
0x2d: {  	v6 =	vld [tilespmem:s19+$0x150];
	v12 =	vadd.f32 v7, v12  }
0x2e: {  	s20 =	simm.s32 $0x200;
	v11 =	vadd.f32 v11, v13;
	v7 =	vld [tilespmem:s19+$0x160]  }
.LBB2_3:
0x2f: {  	s21 =	sshra.s32 s20, $0x2;
	p0 =	sne.s32 s20, $0xFE00;
	[tilespmem:s19+$0x100] =	vst v12;
	v5 =	vadd.f32 v5, v10;
	v10 =	vld [tilespmem:s19+$0x170]  }
0x30: {  	v12 =	vld [tilespmem:s21+$0x4100];
	[tilespmem:s19+$0x110] =	vst v11;
	v4 =	vadd.f32 v4, v9  }
0x31: {  	v11 =	vld [tilespmem:s21+$0x4110];
	[tilespmem:s19+$0x120] =	vst v5;
	v3 =	vadd.f32 v3, v8  }
0x32: {  	v5 =	vld [tilespmem:s21+$0x4120];
	[tilespmem:s19+$0x130] =	vst v4;
	v2 =	vadd.f32 v2, v6  }
0x33: {  	v4 =	vld [tilespmem:s21+$0x4130];
	[tilespmem:s19+$0x140] =	vst v3;
	v1 =	vadd.f32 v1, v7  }
0x34: {  	v3 =	vld [tilespmem:s21+$0x4140];
	[tilespmem:s19+$0x150] =	vst v2;
	v0 =	vadd.f32 v0, v10  }
0x35: {  	v2 =	vld [tilespmem:s21+$0x4150];
	[tilespmem:s19+$0x160] =	vst v1  }
0x36: {  	v1 =	vld [tilespmem:s21+$0x4160];
	[tilespmem:s19+$0x170] =	vst v0;
	s19 =	smov.u32 s21  }
0x37: {  	v0 =	vld [tilespmem:s19+$0x4170]  }
0x38: {  	v6 =	vld [tilespmem:s19+$0x100]  }
0x39: {  	v7 =	vld [tilespmem:s19+$0x110]  }
.Ltmp0:
0x3a: {  	v10 =	vld [tilespmem:s19+$0x120];
	(pc) =	sbr.rel @p0 .LBB2_3-.Ltmp0, $4  }
0x3b: {  	v9 =	vld [tilespmem:s19+$0x130]  }
0x3c: {  	v8 =	vld [tilespmem:s19+$0x140]  }
0x3d: {  	v12 =	vadd.f32 v12, v6;
	v6 =	vld [tilespmem:s19+$0x150]  }
0x3e: {  	s20 =	sadd.s32 $0x200, s20;
	v11 =	vadd.f32 v11, v7;
	v7 =	vld [tilespmem:s19+$0x160]  }
0x3f: {  	[tilespmem:s19+$0x100] =	vst v12;
	v5 =	vadd.f32 v5, v10;
	v63 =	vld [tilespmem:s19+$0x170]  }
0x40: {  	[tilespmem:s19+$0x110] =	vst v11;
	v4 =	vadd.f32 v4, v9  }
0x41: {  	[tilespmem:s19+$0x120] =	vst v5;
	v3 =	vadd.f32 v3, v8  }
0x42: {  	[tilespmem:s19+$0x130] =	vst v4;
	v2 =	vadd.f32 v2, v6  }
0x43: {  	[tilespmem:s19+$0x140] =	vst v3;
	v1 =	vadd.f32 v1, v7  }
0x44: {  	s17 =	sadd.s32 $0x1, s17;
	[tilespmem:s19+$0x150] =	vst v2;
	v0 =	vadd.f32 v0, v63  }
0x45: {  	s18 =	sshll.u32 s18, $0xB;
	p0 =	sne.s32 s17, $0x28;
	[tilespmem:s19+$0x160] =	vst v1  }
.Ltmp1:
0x46: {  	s18 =	sadd.s32 s7, s18;
	[tilespmem:s19+$0x170] =	vst v0;
	(pc) =	sbr.rel @p0 .LBB2_2-.Ltmp1, $4  }
0x47: {  	[hbm4b:s18+s1] =	stream.linear.scatter [tilespmem:s12], [sflag:$0x3], $0x4000, $0x38;
	[tilespmem:$0x8100] =	vst v63  }
0x48: {  	_ =	swait.ge [sflag:s10], $0x4000  }
0x49: {  	[sflag:s10] =	ssyncset.done $0x0  }
0x4a: {  	[sflag:s10] =	ssyncadd.s32 $0xFFFFC000  }
0x4b: {  	s16 =	sadd.s32 $0x1, s16  }
0x4c: {  	p0 =	sne.s32 s16, s9  }
.Ltmp2:
0x4d: {  	_ = 	snop;
	(pc) =	sbr.rel @p0 .LBB2_1-.Ltmp2, $1  }
0x4e: {  	_ =	sdelay $0x3  }
0x4f: {  	_ =	sfence.sel $0x180000  }
0x50: {  	[bflag:$0x0] =	sbarrier.arrive $0xFFFF  }
0x51: {  	p0 =	sne.s32 s2, $0x0;
	_ =	strace $0x9000004A  }
0x52: {  	s0 =	sadd.s32 @!p0 $0x100000, s0;
	[bflag:$0x2] =	sbarrier.arrive $0xFFFF  }
0x53: {  	[sflag:s0] =	ssyncadd.tile.s32 @!p0 $0x1;
	_ =	shalt  }
.Lfunc_end2:
_tile_overlayer_lowered:
.L_overlay_start_2:
0x54: {  	(tag) =	ssettag $0x2  }
0x55: {  	s0 =	rddreg [dreg:$0x0];
	s2 =	stileid.u32  }
0x56: {  	s1 =	rddreg [dreg:$0x1];
	p0 =	sne.s32 s2, $0x0  }
0x57: {  	s3 =	rddreg [dreg:$0x2];
	[bflag:$0x3] =	sbarrier.arrive $0xFFFF;
	s2 =	simm.s32 @!p0 $0x1C03  }
0x58: {  	[timem:s3], [sflag:s2] =	dma.local @!p0 [hbm:s0], s1  }
0x59: {  	s0 =	simm.s32 @!p0 $0x3  }
0x5a: {  	_ =	swait.ge @!p0 [sflag:s0], s1  }
0x5b: {  	s1 =	ssub.s32 @!p0 $0x0, s1;
	[sflag:s0] =	ssyncset.done @!p0 $0x0  }
0x5c: {  	[sflag:s0] =	ssyncadd.s32 @!p0 s1  }
0x5d: {  	[bflag:$0x3] =	sbarrier.arrive $0xFFFF  }
0x5e: {  	_ =	shalt  }

// kernel: kernel.19.cloned.1.call-start
scs
__scs_entry_jumppad:
0x0: {  	(pc) =	sbr.rel $0x88, $3  }
0x1: {  	(tag) =	ssettag $0x0;
	lr =	simm.s32 $0x1  }
0x2: {  	[smem:$0x3F81] =	sst lr;
	_ =	strace $0xD0000000  }
0x3: {  	_ = 	snop  }
0x4: {  	_ = 	snop  }
0x5: {  	_ = 	snop  }
0x6: {  	_ = 	snop  }
0x7: {  	_ = 	snop  }
__scs_overlays_trampoline_lowered:
0x8: {  	[smem:$0x3F90] =	sst s0  }
0x9: {  	[smem:$0x3F91] =	sst s1  }
0xa: {  	[smem:$0x3F92] =	sst s2  }
0xb: {  	[smem:$0x3F93] =	sst s3  }
0xc: {  	[smem:$0x3F94] =	sst s4  }
0xd: {  	[smem:$0x3F95] =	sst s5  }
0xe: {  	[smem:$0x3F96] =	sst s6  }
0xf: {  	[smem:$0x3F97] =	sst s7  }
0x10: {  	[smem:$0x3F98] =	sst s8  }
0x11: {  	[smem:$0x3F99] =	sst s9;
	s0 =	simm.s32 @!p0 $0x0  }
0x12: {  	s1 =	sld [smem:$0x3F7F];
	s0 =	simm.s32 @p0 $0x1  }
0x13: {  	[smem:$0x3F9A] =	sst s0;
	s0 =	simm.s32 @!p1 $0x0  }
0x14: {  	s2 =	sld [smem:$0x3F7E];
	s0 =	simm.s32 @p1 $0x1  }
0x15: {  	[smem:$0x3F9B] =	sst s0;
	s0 =	simm.s32 @!p2 $0x0  }
0x16: {  	s3 =	sld [smem:$0x3FDB];
	s0 =	simm.s32 @p2 $0x1  }
0x17: {  	s4 =	simm.s32 $0x1BF5;
	[smem:$0x3F9D] =	sst s0  }
0x18: {  	s0 =	sld [smem:$0x3F80];
	_ =	swait.ge [sflag:s4], $0x0  }
0x19: {  	s7 =	sld [smem:$0x3F81]  }
0x1a: {  	s8 =	sadd.s32 $0xFFFFE003, lr  }
0x1b: {  	s9 =	sadd.s32 $0xFFFFFEF7, lr;
	s5 =	simm.s32 $0xFFFFFFFF;
	p2 =	slt.u32 s8, $0xFFFFF086  }
0x1c: {  	p1 =	slt.u32 s9, $0xF7A;
	s5 =	simm.s32 @!p2 $0x0  }
0x1d: {  	s5 =	simm.s32 @p1 $0x1;
	p0 =	seq.s32 s7, s2  }
0x1e: {  	s7 =	smul.u32 @!p0 $0xF7A, s2;
	p2 =	seq.s32 @!p0 s5, $0x0  }
0x1f: {  	s9 =	smul.u32 $0xF7A, s1;
	s8 =	simm.s32 @!p0 $0x1BF5;
	p2 =	por !p2, p0  }
0x20: {  	[sflag:s8] =	ssyncset.s32 @!p0 $0xFFFFF086;
	s6 =	sadd.s32 @!p0 s3, s7;
	s7 =	simm.s32 @!p0 $0x108  }
0x21: {  	s3 =	sadd.s32 s3, s9;
	s6 =	sadd.s32 @!p0 $0x88, s6;
	s7 =	simm.s32 @p2 $0x1082  }
0x22: {  	[simem:s7], [sflag:s8] =	dma.local @!p0 [hbm:s6], $0xF7A  }
0x23: {  	s9 =	sor.u32 $0xD0000000, s2;
	s6 =	simm.s32 $0x108;
	_ =	swait.ge @!p0 [sflag:s8], $0x0  }
0x24: {  	s3 =	sadd.s32 $0x88, s3;
	s6 =	simm.s32 @!p1 $0x1082;
	[sflag:s4] =	ssyncset.s32 $0xFFFFF086  }
0x25: {  	[simem:s6], [sflag:s4] =	dma.local [hbm:s3], $0xF7A  }
0x26: {  	[smem:$0x3F81] =	sst s1;
	(tag) =	ssettag s2;
	_ =	strace s9  }
0x27: {  	s1 =	sld [smem:$0x3F91]  }
0x28: {  	s2 =	sld [smem:$0x3F92]  }
0x29: {  	s4 =	sld [smem:$0x3F94]  }
0x2a: {  	p0 =	seq.s32 s5, $0x0;
	s5 =	sld [smem:$0x3F95]  }
0x2b: {  	s6 =	sld [smem:$0x3F96]  }
0x2c: {  	s7 =	sld [smem:$0x3F97]  }
0x2d: {  	s3 =	simm.s32 $0x108;
	s8 =	sld [smem:$0x3F98]  }
0x2e: {  	s3 =	simm.s32 @!p0 $0x1082;
	s9 =	sld [smem:$0x3F99]  }
0x2f: {  	lr =	sadd.s32 s0, s3;
	s0 =	sld [smem:$0x3F90]  }
0x30: {  	s3 =	sld [smem:$0x3F93]  }
0x31: {  	[smem:$0x3F9C] =	sst s10  }
0x32: {  	s10 =	sld [smem:$0x3F9A];
	_ =	sdelay $0x3  }
0x33: {  	p0 =	seq.s32 s10, $0x1;
	s10 =	sld [smem:$0x3F9C];
	_ =	sdelay $0x3  }
0x34: {  	[smem:$0x3F9C] =	sst s10  }
0x35: {  	s10 =	sld [smem:$0x3F9B];
	_ =	sdelay $0x3  }
0x36: {  	p1 =	seq.s32 s10, $0x1;
	s10 =	sld [smem:$0x3F9C];
	_ =	sdelay $0x3  }
0x37: {  	[smem:$0x3F9C] =	sst s10  }
0x38: {  	s10 =	sld [smem:$0x3F9D]  }
0x39: {  	_ = 	snop;
	(pc) =	sbr.ind lr, $3  }
0x3a: {  	_ = 	snop  }
0x3b: {  	_ = 	snop  }
0x3c: {  	p2 =	seq.s32 s10, $0x1;
	s10 =	sld [smem:$0x3F9C]  }
0x3d: {  	_ =	shalt  }
0x3e: {  	_ =	shalt  }
0x3f: {  	_ =	shalt  }
0x40: {  	_ =	shalt  }
0x41: {  	_ =	shalt  }
0x42: {  	_ =	shalt  }
0x43: {  	_ =	shalt  }
0x44: {  	_ =	shalt  }
0x45: {  	_ =	shalt  }
0x46: {  	_ =	shalt  }
0x47: {  	_ =	shalt  }
0x48: {  	_ =	shalt  }
0x49: {  	_ =	shalt  }
0x4a: {  	_ =	shalt  }
0x4b: {  	_ =	shalt  }
0x4c: {  	_ =	shalt  }
0x4d: {  	_ =	shalt  }
0x4e: {  	_ =	shalt  }
0x4f: {  	_ =	shalt  }
0x50: {  	_ =	shalt  }
0x51: {  	_ =	shalt  }
0x52: {  	_ =	shalt  }
0x53: {  	_ =	shalt  }
0x54: {  	_ =	shalt  }
0x55: {  	_ =	shalt  }
0x56: {  	_ =	shalt  }
0x57: {  	_ =	shalt  }
0x58: {  	_ =	shalt  }
0x59: {  	_ =	shalt  }
0x5a: {  	_ =	shalt  }
0x5b: {  	_ =	shalt  }
0x5c: {  	_ =	shalt  }
0x5d: {  	_ =	shalt  }
0x5e: {  	_ =	shalt  }
0x5f: {  	_ =	shalt  }
0x60: {  	_ =	shalt  }
0x61: {  	_ =	shalt  }
0x62: {  	_ =	shalt  }
0x63: {  	_ =	shalt  }
0x64: {  	_ =	shalt  }
0x65: {  	_ =	shalt  }
0x66: {  	_ =	shalt  }
0x67: {  	_ =	shalt  }
0x68: {  	_ =	shalt  }
0x69: {  	_ =	shalt  }
0x6a: {  	_ =	shalt  }
0x6b: {  	_ =	shalt  }
0x6c: {  	_ =	shalt  }
0x6d: {  	_ =	shalt  }
0x6e: {  	_ =	shalt  }
0x6f: {  	_ =	shalt  }
0x70: {  	_ =	shalt  }
0x71: {  	_ =	shalt  }
0x72: {  	_ =	shalt  }
0x73: {  	_ =	shalt  }
0x74: {  	_ =	shalt  }
0x75: {  	_ =	shalt  }
0x76: {  	_ =	shalt  }
0x77: {  	_ =	shalt  }
0x78: {  	_ =	shalt  }
0x79: {  	_ =	shalt  }
0x7a: {  	_ =	shalt  }
0x7b: {  	_ =	shalt  }
0x7c: {  	_ =	shalt  }
0x7d: {  	_ =	shalt  }
0x7e: {  	_ =	shalt  }
0x7f: {  	_ =	shalt  }
0x80: {  	_ =	shalt  }
0x81: {  	_ =	shalt  }
0x82: {  	_ =	shalt  }
0x83: {  	_ =	shalt  }
0x84: {  	_ =	shalt  }
0x85: {  	_ =	shalt  }
0x86: {  	_ =	shalt  }
0x87: {  	_ =	shalt  }
.Lfunc_end0:
.L_simem_size_0:
called_computation.1_lowered:
.L_overlay_start_0:
0x88: {  	s2 =	sld [smem:$0x3FD9]  }
0x89: {  	s3 =	sld [smem:$0x3FFE];
	_ =	sdelay $0x1  }
0x8a: {  	s1 =	srdreg.scid  }
0x8b: {  	s0 =	sand.u32 $0x1, s1  }
0x8c: {  	s16 =	sshll.u32 s0, $0xA;
	s2 =	sadd.s32 s3, s2  }
0x8d: {  	s2 =	sadd.s32 s2, s16  }
0x8e: {  	[smem:$0x3FA8] =	sst s2  }
0x8f: {  	_ = 	snop  }
0x90: {  	(tm) =	ssettm $0x1  }
0x91: {  	s17 =	sld [smem:$0x3FFB];
	_ =	sdelay $0x3  }
0x92: {  	_ =	strace s17  }
0x93: {  	s2 =	sld [smem:$0x3FFC];
	_ =	sdelay $0x3  }
0x94: {  	_ =	strace s2  }
0x95: {  	s2 =	sld [smem:$0x3FFD];
	_ =	sdelay $0x3  }
0x96: {  	_ =	strace s2  }
0x97: {  	_ =	strace $0x8FFFFFFF  }
0x98: {  	s18 =	sld [smem:$0x3FDB];
	_ =	sdelay $0x1  }
0x99: {  	s19 =	simm.s32 $_scs_section_size  }
0x9a: {  	s4 =	simm.s32 $_size__tile_overlayer_lowered;
	s5 =	simm.s32 $_tile_overlayer_lowered  }
0x9b: {  	s22 =	simm.s32 $0x1BFF;
	s21 =	sshll.u32 s5, $0x1;
	s2 =	sadd.s32 s19, s18  }
0x9c: {  	s6 =	simm.s32 $0x0;
	s20 =	sshll.u32 s4, $0x1;
	s4 =	sadd.s32 s21, s2  }
0x9d: {  	[timem:s6], [sflag:s22] =	dma.local [hbm:s4], s20  }
0x9e: {  	_ =	swait.ge [sflag:s22], s20  }
0x9f: {  	s3 =	ssub.s32 $0x0, s20;
	[sflag:s22] =	ssyncset.done $0x0  }
0xa0: {  	[sflag:s22] =	ssyncadd.s32 s3;
	_ =	sdelay $0x1  }
0xa1: {  	s23 =	simm.s32 $0x1B8B  }
0xa2: {  	_ =	swait.ge [sflag:s23], $0x1  }
0xa3: {  	[sflag:s23] =	ssyncset.done $0x0  }
0xa4: {  	s25 =	simm.s32 $0x1B8E;
	s24 =	sld [smem:$0x3FFE];
	[sflag:s23] =	ssyncadd.s32 $0xFFFFFFFF  }
0xa5: {  	s26 =	simm.s32 $execute0_lowered;
	[smem:$0x3FD2] =	sst s25  }
0xa6: {  	s4 =	sshll.u32 s26, $0x1;
	_ =	strace $0x80000046;
	[dreg:$0x1] =	wrdreg $0xFFFFFFFF  }
0xa7: {  	s28 =	simm.s32 $_size_execute0_lowered;
	s2 =	sadd.s32 s2, s4;
	[dreg:$0x0] =	wrdreg $0x0  }
0xa8: {  	s4 =	sshll.u32 s28, $0x1;
	[dreg:$0x2] =	wrdreg s2  }
0xa9: {  	[dreg:$0x3] =	wrdreg s4  }
0xaa: {  	[dreg:$0x4] =	wrdreg $0xC0  }
0xab: {  	_ =	task [dreg:s6], $0x5FFFF  }
0xac: {  	[dreg:$0x1] =	wrdreg $0xFFFFFFFF  }
0xad: {  	[dreg:$0x0] =	wrdreg $0x60  }
0xae: {  	[dreg:$0x2] =	wrdreg s24  }
0xaf: {  	[dreg:$0x3] =	wrdreg $0xA  }
0xb0: {  	_ =	task.clear_ibuf [dreg:s6], $0x4FFFF;
	_ =	strace $0x90000046  }
0xb1: {  	s29 =	simm.s32 $0xA;
	_ =	strace $0x80000048  }
0xb2: {  	_ =	swait.ge [sflag:s29], $0x1  }
0xb3: {  	[sflag:s29] =	ssyncadd.s32 $0xFFFFFFFF  }
0xb4: {  	_ =	strace $0x90000048  }
0xb5: {  	_ =	sfence  }
0xb6: {  	s30 =	sld [smem:$0x0];
	_ =	sdelay $0x2  }
0xb7: {  	s31 =	sshll.u32 s1, $0xD;
	s1 =	sshrl.u32 s1, $0x2  }
0xb8: {  	s3 =	sand.u32 $0x4000, s31;
	s1 =	sadd.s32 s1, s30  }
0xb9: {  	s0 =	sor.u32 s3, s0;
	s1 =	sshll.u32 s1, $0x11  }
0xba: {  	s0 =	sor.u32 s1, s0  }
0xbb: {  	s0 =	sadd.s32 $0x8F2B, s0  }
0xbc: {  	[sflag:s0] =	ssyncadd.remote.s32 $0x1  }
0xbd: {  	_ =	sfence.sel $0xFFFF  }
0xbe: {  	[dreg:$0x0] =	wrdreg $0xFFFFFFFF;
	(pc) =	sbr.abs _section_cstart, $3  }
0xbf: {  	[dreg:$0x1] =	wrdreg $0xFFFFFFFF  }
0xc0: {  	_ =	task.clear_ibuf [dreg:s6], $0x2FFFF;
	_ =	strace $0x9FFFFFFF  }
0xc1: {  	(tm) =	ssettm $0x7FFFFFFF  }
tec
execute0_lowered:
.L_overlay_start_1:
0x0: {  	(tag) =	ssettag $0x1  }
0x1: {  	s7 =	rddreg [dreg:$0x0]  }
0x2: {  	s0 =	rddreg [dreg:$0x1];
	s1 =	simm.s32 $0x0  }
0x3: {  	s2 =	srdreg.scid;
	s12 =	simm.s32 $0x100;
	s13 =	simm.s32 $0x4100  }
0x4: {  	s14 =	simm.s32 $0x1;
	s15 =	simm.s32 $0x2;
	s16 =	simm.s32 $0x0  }
0x5: {  	[smem:$0x7FF] =	sst s1;
	s3 =	sadd.s32 $0x20A00, s7;
	s4 =	sadd.s32 $0x47C00, s7  }
0x6: {  	s8 =	sand.u32 $0x1, s2;
	s5 =	sadd.s32 $0x1BA00, s7;
	s2 =	stileid.u32  }
0x7: {  	s6 =	sadd.s32 $0x7A00, s7;
	s7 =	sadd.s32 $0x6EE00, s7;
	s9 =	ssub.s32 $0x2, s8  }
0x8: {  	_ =	strace $0x80000047;
	s11 =	sshll.u32 s2, $0x1;
	s10 =	sshrl.u32 s9, $0x1  }
0x9: {  	s8 =	sor.u32 s8, s11;
	s11 =	simm.s32 $0x80;
	s9 =	ssub.s32 s9, s10  }
0xa: {  	s8 =	smul.u32 $0x28, s8;
	s10 =	simm.s32 $0x3;
	s9 =	smax.u32 s9, $0x1  }
.LBB2_1:
0xb: {  	s17 =	simm.s32 $0x0  }
.LBB2_2:
0xc: {  	s18 =	sadd.s32 s8, s17  }
0xd: {  	s19 =	sshll.u32 s18, $0x4  }
0xe: {  	s21 =	simm.s32 $0x0;
	s20 =	sadd.s32 s6, s19  }
0xf: {  	[tilespmem:s21], [sflag:$0x3] =	stream.linear.gather [hbm4b:s20+s21], $0x80, $0x38;
	[tilespmem:$0x8100] =	vst v63  }
0x10: {  	_ =	swait.ge [sflag:s10], $0x80  }
0x11: {  	[sflag:s10] =	ssyncset.done $0x0  }
0x12: {  	s19 =	sadd.s32 s5, s19;
	[sflag:s10] =	ssyncadd.s32 $0xFFFFFF80  }
0x13: {  	[tilespmem:s11], [sflag:$0x3] =	stream.linear.gather [hbm4b:s19+s21], $0x80, $0x38;
	[tilespmem:$0x8100] =	vst v63  }
0x14: {  	_ =	swait.ge [sflag:s10], $0x80  }
0x15: {  	[sflag:s10] =	ssyncset.done $0x0  }
0x16: {  	[sflag:s10] =	ssyncadd.s32 $0xFFFFFF80  }
0x17: {  	[tilespmem:s12], [sflag:$0x1] =	stream.indirect.gather [hbm4b:s3+s11], $0x80, s21, s11, $0xb8;
	[tilespmem:$0x8100] =	vst v63  }
0x18: {  	_ = 	snop  }
0x19: {  	[tilespmem:s13], [sflag:$0x2] =	stream.indirect.gather [hbm4b:s4+s11], $0x80, s11, s11, $0xb8;
	[tilespmem:$0x8100] =	vst v63  }
0x1a: {  	_ =	swait.ge [sflag:s14], $0x4000  }
0x1b: {  	[sflag:s14] =	ssyncset.done $0x0  }
0x1c: {  	[sflag:s14] =	ssyncadd.s32 $0xFFFFC000  }
0x1d: {  	_ =	swait.ge [sflag:s15], $0x4000  }
0x1e: {  	[sflag:s15] =	ssyncset.done $0x0  }
0x1f: {  	s19 =	simm.s32 $0x0;
	[sflag:s15] =	ssyncadd.s32 $0xFFFFC000  }
0x20: {  	v7 =	vld [tilespmem:s19+$0x4100]  }
0x21: {  	v11 =	vld [tilespmem:s19+$0x4110]  }
0x22: {  	v5 =	vld [tilespmem:s19+$0x4120]  }
0x23: {  	v4 =	vld [tilespmem:s19+$0x4130]  }
0x24: {  	v3 =	vld [tilespmem:s19+$0x4140]  }
0x25: {  	v2 =	vld [tilespmem:s19+$0x4150]  }
0x26: {  	v1 =	vld [tilespmem:s19+$0x4160]  }
0x27: {  	v0 =	vld [tilespmem:s19+$0x4170]  }
0x28: {  	v12 =	vld [tilespmem:s19+$0x100]  }
0x29: {  	v13 =	vld [tilespmem:s19+$0x110]  }
0x2a: {  	v10 =	vld [tilespmem:s19+$0x120]  }
0x2b: {  	v9 =	vld [tilespmem:s19+$0x130]  }
0x2c: {  	v8 =	vld [tilespmem:s19+$0x140]  }
0x2d: {  	v6 =	vld [tilespmem:s19+$0x150];
	v12 =	vadd.f32 v7, v12  }
0x2e: {  	s20 =	simm.s32 $0x200;
	v11 =	vadd.f32 v11, v13;
	v7 =	vld [tilespmem:s19+$0x160]  }
.LBB2_3:
0x2f: {  	s21 =	sshra.s32 s20, $0x2;
	p0 =	sne.s32 s20, $0xFE00;
	[tilespmem:s19+$0x100] =	vst v12;
	v5 =	vadd.f32 v5, v10;
	v10 =	vld [tilespmem:s19+$0x170]  }
0x30: {  	v12 =	vld [tilespmem:s21+$0x4100];
	[tilespmem:s19+$0x110] =	vst v11;
	v4 =	vadd.f32 v4, v9  }
0x31: {  	v11 =	vld [tilespmem:s21+$0x4110];
	[tilespmem:s19+$0x120] =	vst v5;
	v3 =	vadd.f32 v3, v8  }
0x32: {  	v5 =	vld [tilespmem:s21+$0x4120];
	[tilespmem:s19+$0x130] =	vst v4;
	v2 =	vadd.f32 v2, v6  }
0x33: {  	v4 =	vld [tilespmem:s21+$0x4130];
	[tilespmem:s19+$0x140] =	vst v3;
	v1 =	vadd.f32 v1, v7  }
0x34: {  	v3 =	vld [tilespmem:s21+$0x4140];
	[tilespmem:s19+$0x150] =	vst v2;
	v0 =	vadd.f32 v0, v10  }
0x35: {  	v2 =	vld [tilespmem:s21+$0x4150];
	[tilespmem:s19+$0x160] =	vst v1  }
0x36: {  	v1 =	vld [tilespmem:s21+$0x4160];
	[tilespmem:s19+$0x170] =	vst v0;
	s19 =	smov.u32 s21  }
0x37: {  	v0 =	vld [tilespmem:s19+$0x4170]  }
0x38: {  	v6 =	vld [tilespmem:s19+$0x100]  }
0x39: {  	v7 =	vld [tilespmem:s19+$0x110]  }
.Ltmp0:
0x3a: {  	v10 =	vld [tilespmem:s19+$0x120];
	(pc) =	sbr.rel @p0 .LBB2_3-.Ltmp0, $4  }
0x3b: {  	v9 =	vld [tilespmem:s19+$0x130]  }
0x3c: {  	v8 =	vld [tilespmem:s19+$0x140]  }
0x3d: {  	v12 =	vadd.f32 v12, v6;
	v6 =	vld [tilespmem:s19+$0x150]  }
0x3e: {  	s20 =	sadd.s32 $0x200, s20;
	v11 =	vadd.f32 v11, v7;
	v7 =	vld [tilespmem:s19+$0x160]  }
0x3f: {  	[tilespmem:s19+$0x100] =	vst v12;
	v5 =	vadd.f32 v5, v10;
	v63 =	vld [tilespmem:s19+$0x170]  }
0x40: {  	[tilespmem:s19+$0x110] =	vst v11;
	v4 =	vadd.f32 v4, v9  }
0x41: {  	[tilespmem:s19+$0x120] =	vst v5;
	v3 =	vadd.f32 v3, v8  }
0x42: {  	[tilespmem:s19+$0x130] =	vst v4;
	v2 =	vadd.f32 v2, v6  }
0x43: {  	[tilespmem:s19+$0x140] =	vst v3;
	v1 =	vadd.f32 v1, v7  }
0x44: {  	s17 =	sadd.s32 $0x1, s17;
	[tilespmem:s19+$0x150] =	vst v2;
	v0 =	vadd.f32 v0, v63  }
0x45: {  	s18 =	sshll.u32 s18, $0xB;
	p0 =	sne.s32 s17, $0x28;
	[tilespmem:s19+$0x160] =	vst v1  }
.Ltmp1:
0x46: {  	s18 =	sadd.s32 s7, s18;
	[tilespmem:s19+$0x170] =	vst v0;
	(pc) =	sbr.rel @p0 .LBB2_2-.Ltmp1, $4  }
0x47: {  	[hbm4b:s18+s1] =	stream.linear.scatter [tilespmem:s12], [sflag:$0x3], $0x4000, $0x38;
	[tilespmem:$0x8100] =	vst v63  }
0x48: {  	_ =	swait.ge [sflag:s10], $0x4000  }
0x49: {  	[sflag:s10] =	ssyncset.done $0x0  }
0x4a: {  	[sflag:s10] =	ssyncadd.s32 $0xFFFFC000  }
0x4b: {  	s16 =	sadd.s32 $0x1, s16  }
0x4c: {  	p0 =	sne.s32 s16, s9  }
.Ltmp2:
0x4d: {  	_ = 	snop;
	(pc) =	sbr.rel @p0 .LBB2_1-.Ltmp2, $1  }
0x4e: {  	_ =	sdelay $0x3  }
0x4f: {  	_ =	sfence.sel $0x180000  }
0x50: {  	[bflag:$0x0] =	sbarrier.arrive $0xFFFF  }
0x51: {  	p0 =	sne.s32 s2, $0x0;
	_ =	strace $0x90000047  }
0x52: {  	s0 =	sadd.s32 @!p0 $0x100000, s0;
	[bflag:$0x2] =	sbarrier.arrive $0xFFFF  }
0x53: {  	[sflag:s0] =	ssyncadd.tile.s32 @!p0 $0x1;
	_ =	shalt  }
.Lfunc_end2:
_tile_overlayer_lowered:
.L_overlay_start_2:
0x54: {  	(tag) =	ssettag $0x2  }
0x55: {  	s0 =	rddreg [dreg:$0x0];
	s2 =	stileid.u32  }
0x56: {  	s1 =	rddreg [dreg:$0x1];
	p0 =	sne.s32 s2, $0x0  }
0x57: {  	s3 =	rddreg [dreg:$0x2];
	[bflag:$0x3] =	sbarrier.arrive $0xFFFF;
	s2 =	simm.s32 @!p0 $0x1C03  }
0x58: {  	[timem:s3], [sflag:s2] =	dma.local @!p0 [hbm:s0], s1  }
0x59: {  	s0 =	simm.s32 @!p0 $0x3  }
0x5a: {  	_ =	swait.ge @!p0 [sflag:s0], s1  }
0x5b: {  	s1 =	ssub.s32 @!p0 $0x0, s1;
	[sflag:s0] =	ssyncset.done @!p0 $0x0  }
0x5c: {  	[sflag:s0] =	ssyncadd.s32 @!p0 s1  }
0x5d: {  	[bflag:$0x3] =	sbarrier.arrive $0xFFFF  }
0x5e: {  	_ =	shalt  }

// kernel: kernel.22.cloned.1.call-start
scs
__scs_entry_jumppad:
0x0: {  	(pc) =	sbr.rel $0x88, $3  }
0x1: {  	(tag) =	ssettag $0x0;
	lr =	simm.s32 $0x1  }
0x2: {  	[smem:$0x3F81] =	sst lr;
	_ =	strace $0xD0000000  }
0x3: {  	_ = 	snop  }
0x4: {  	_ = 	snop  }
0x5: {  	_ = 	snop  }
0x6: {  	_ = 	snop  }
0x7: {  	_ = 	snop  }
__scs_overlays_trampoline_lowered:
0x8: {  	[smem:$0x3F90] =	sst s0  }
0x9: {  	[smem:$0x3F91] =	sst s1  }
0xa: {  	[smem:$0x3F92] =	sst s2  }
0xb: {  	[smem:$0x3F93] =	sst s3  }
0xc: {  	[smem:$0x3F94] =	sst s4  }
0xd: {  	[smem:$0x3F95] =	sst s5  }
0xe: {  	[smem:$0x3F96] =	sst s6  }
0xf: {  	[smem:$0x3F97] =	sst s7  }
0x10: {  	[smem:$0x3F98] =	sst s8  }
0x11: {  	[smem:$0x3F99] =	sst s9;
	s0 =	simm.s32 @!p0 $0x0  }
0x12: {  	s1 =	sld [smem:$0x3F7F];
	s0 =	simm.s32 @p0 $0x1  }
0x13: {  	[smem:$0x3F9A] =	sst s0;
	s0 =	simm.s32 @!p1 $0x0  }
0x14: {  	s2 =	sld [smem:$0x3F7E];
	s0 =	simm.s32 @p1 $0x1  }
0x15: {  	[smem:$0x3F9B] =	sst s0;
	s0 =	simm.s32 @!p2 $0x0  }
0x16: {  	s3 =	sld [smem:$0x3FDB];
	s0 =	simm.s32 @p2 $0x1  }
0x17: {  	s4 =	simm.s32 $0x1BF5;
	[smem:$0x3F9D] =	sst s0  }
0x18: {  	s0 =	sld [smem:$0x3F80];
	_ =	swait.ge [sflag:s4], $0x0  }
0x19: {  	s7 =	sld [smem:$0x3F81]  }
0x1a: {  	s8 =	sadd.s32 $0xFFFFE003, lr  }
0x1b: {  	s9 =	sadd.s32 $0xFFFFFEF7, lr;
	s5 =	simm.s32 $0xFFFFFFFF;
	p2 =	slt.u32 s8, $0xFFFFF086  }
0x1c: {  	p1 =	slt.u32 s9, $0xF7A;
	s5 =	simm.s32 @!p2 $0x0  }
0x1d: {  	s5 =	simm.s32 @p1 $0x1;
	p0 =	seq.s32 s7, s2  }
0x1e: {  	s7 =	smul.u32 @!p0 $0xF7A, s2;
	p2 =	seq.s32 @!p0 s5, $0x0  }
0x1f: {  	s9 =	smul.u32 $0xF7A, s1;
	s8 =	simm.s32 @!p0 $0x1BF5;
	p2 =	por !p2, p0  }
0x20: {  	[sflag:s8] =	ssyncset.s32 @!p0 $0xFFFFF086;
	s6 =	sadd.s32 @!p0 s3, s7;
	s7 =	simm.s32 @!p0 $0x108  }
0x21: {  	s3 =	sadd.s32 s3, s9;
	s6 =	sadd.s32 @!p0 $0x88, s6;
	s7 =	simm.s32 @p2 $0x1082  }
0x22: {  	[simem:s7], [sflag:s8] =	dma.local @!p0 [hbm:s6], $0xF7A  }
0x23: {  	s9 =	sor.u32 $0xD0000000, s2;
	s6 =	simm.s32 $0x108;
	_ =	swait.ge @!p0 [sflag:s8], $0x0  }
0x24: {  	s3 =	sadd.s32 $0x88, s3;
	s6 =	simm.s32 @!p1 $0x1082;
	[sflag:s4] =	ssyncset.s32 $0xFFFFF086  }
0x25: {  	[simem:s6], [sflag:s4] =	dma.local [hbm:s3], $0xF7A  }
0x26: {  	[smem:$0x3F81] =	sst s1;
	(tag) =	ssettag s2;
	_ =	strace s9  }
0x27: {  	s1 =	sld [smem:$0x3F91]  }
0x28: {  	s2 =	sld [smem:$0x3F92]  }
0x29: {  	s4 =	sld [smem:$0x3F94]  }
0x2a: {  	p0 =	seq.s32 s5, $0x0;
	s5 =	sld [smem:$0x3F95]  }
0x2b: {  	s6 =	sld [smem:$0x3F96]  }
0x2c: {  	s7 =	sld [smem:$0x3F97]  }
0x2d: {  	s3 =	simm.s32 $0x108;
	s8 =	sld [smem:$0x3F98]  }
0x2e: {  	s3 =	simm.s32 @!p0 $0x1082;
	s9 =	sld [smem:$0x3F99]  }
0x2f: {  	lr =	sadd.s32 s0, s3;
	s0 =	sld [smem:$0x3F90]  }
0x30: {  	s3 =	sld [smem:$0x3F93]  }
0x31: {  	[smem:$0x3F9C] =	sst s10  }
0x32: {  	s10 =	sld [smem:$0x3F9A];
	_ =	sdelay $0x3  }
0x33: {  	p0 =	seq.s32 s10, $0x1;
	s10 =	sld [smem:$0x3F9C];
	_ =	sdelay $0x3  }
0x34: {  	[smem:$0x3F9C] =	sst s10  }
0x35: {  	s10 =	sld [smem:$0x3F9B];
	_ =	sdelay $0x3  }
0x36: {  	p1 =	seq.s32 s10, $0x1;
	s10 =	sld [smem:$0x3F9C];
	_ =	sdelay $0x3  }
0x37: {  	[smem:$0x3F9C] =	sst s10  }
0x38: {  	s10 =	sld [smem:$0x3F9D]  }
0x39: {  	_ = 	snop;
	(pc) =	sbr.ind lr, $3  }
0x3a: {  	_ = 	snop  }
0x3b: {  	_ = 	snop  }
0x3c: {  	p2 =	seq.s32 s10, $0x1;
	s10 =	sld [smem:$0x3F9C]  }
0x3d: {  	_ =	shalt  }
0x3e: {  	_ =	shalt  }
0x3f: {  	_ =	shalt  }
0x40: {  	_ =	shalt  }
0x41: {  	_ =	shalt  }
0x42: {  	_ =	shalt  }
0x43: {  	_ =	shalt  }
0x44: {  	_ =	shalt  }
0x45: {  	_ =	shalt  }
0x46: {  	_ =	shalt  }
0x47: {  	_ =	shalt  }
0x48: {  	_ =	shalt  }
0x49: {  	_ =	shalt  }
0x4a: {  	_ =	shalt  }
0x4b: {  	_ =	shalt  }
0x4c: {  	_ =	shalt  }
0x4d: {  	_ =	shalt  }
0x4e: {  	_ =	shalt  }
0x4f: {  	_ =	shalt  }
0x50: {  	_ =	shalt  }
0x51: {  	_ =	shalt  }
0x52: {  	_ =	shalt  }
0x53: {  	_ =	shalt  }
0x54: {  	_ =	shalt  }
0x55: {  	_ =	shalt  }
0x56: {  	_ =	shalt  }
0x57: {  	_ =	shalt  }
0x58: {  	_ =	shalt  }
0x59: {  	_ =	shalt  }
0x5a: {  	_ =	shalt  }
0x5b: {  	_ =	shalt  }
0x5c: {  	_ =	shalt  }
0x5d: {  	_ =	shalt  }
0x5e: {  	_ =	shalt  }
0x5f: {  	_ =	shalt  }
0x60: {  	_ =	shalt  }
0x61: {  	_ =	shalt  }
0x62: {  	_ =	shalt  }
0x63: {  	_ =	shalt  }
0x64: {  	_ =	shalt  }
0x65: {  	_ =	shalt  }
0x66: {  	_ =	shalt  }
0x67: {  	_ =	shalt  }
0x68: {  	_ =	shalt  }
0x69: {  	_ =	shalt  }
0x6a: {  	_ =	shalt  }
0x6b: {  	_ =	shalt  }
0x6c: {  	_ =	shalt  }
0x6d: {  	_ =	shalt  }
0x6e: {  	_ =	shalt  }
0x6f: {  	_ =	shalt  }
0x70: {  	_ =	shalt  }
0x71: {  	_ =	shalt  }
0x72: {  	_ =	shalt  }
0x73: {  	_ =	shalt  }
0x74: {  	_ =	shalt  }
0x75: {  	_ =	shalt  }
0x76: {  	_ =	shalt  }
0x77: {  	_ =	shalt  }
0x78: {  	_ =	shalt  }
0x79: {  	_ =	shalt  }
0x7a: {  	_ =	shalt  }
0x7b: {  	_ =	shalt  }
0x7c: {  	_ =	shalt  }
0x7d: {  	_ =	shalt  }
0x7e: {  	_ =	shalt  }
0x7f: {  	_ =	shalt  }
0x80: {  	_ =	shalt  }
0x81: {  	_ =	shalt  }
0x82: {  	_ =	shalt  }
0x83: {  	_ =	shalt  }
0x84: {  	_ =	shalt  }
0x85: {  	_ =	shalt  }
0x86: {  	_ =	shalt  }
0x87: {  	_ =	shalt  }
.Lfunc_end0:
.L_simem_size_0:
called_computation.2_lowered:
.L_overlay_start_0:
0x88: {  	s2 =	sld [smem:$0x3FD9]  }
0x89: {  	s3 =	sld [smem:$0x3FFE];
	_ =	sdelay $0x1  }
0x8a: {  	s1 =	srdreg.scid  }
0x8b: {  	s0 =	sand.u32 $0x1, s1  }
0x8c: {  	s16 =	sshll.u32 s0, $0xA;
	s2 =	sadd.s32 s3, s2  }
0x8d: {  	s2 =	sadd.s32 s2, s16  }
0x8e: {  	[smem:$0x3FA8] =	sst s2  }
0x8f: {  	_ = 	snop  }
0x90: {  	(tm) =	ssettm $0x1  }
0x91: {  	s17 =	sld [smem:$0x3FFB];
	_ =	sdelay $0x3  }
0x92: {  	_ =	strace s17  }
0x93: {  	s2 =	sld [smem:$0x3FFC];
	_ =	sdelay $0x3  }
0x94: {  	_ =	strace s2  }
0x95: {  	s2 =	sld [smem:$0x3FFD];
	_ =	sdelay $0x3  }
0x96: {  	_ =	strace s2  }
0x97: {  	_ =	strace $0x8FFFFFFF  }
0x98: {  	s18 =	sld [smem:$0x3FDB];
	_ =	sdelay $0x1  }
0x99: {  	s19 =	simm.s32 $_scs_section_size  }
0x9a: {  	s4 =	simm.s32 $_size__tile_overlayer_lowered;
	s5 =	simm.s32 $_tile_overlayer_lowered  }
0x9b: {  	s22 =	simm.s32 $0x1BFF;
	s21 =	sshll.u32 s5, $0x1;
	s2 =	sadd.s32 s19, s18  }
0x9c: {  	s6 =	simm.s32 $0x0;
	s20 =	sshll.u32 s4, $0x1;
	s4 =	sadd.s32 s21, s2  }
0x9d: {  	[timem:s6], [sflag:s22] =	dma.local [hbm:s4], s20  }
0x9e: {  	_ =	swait.ge [sflag:s22], s20  }
0x9f: {  	s3 =	ssub.s32 $0x0, s20;
	[sflag:s22] =	ssyncset.done $0x0  }
0xa0: {  	[sflag:s22] =	ssyncadd.s32 s3;
	_ =	sdelay $0x1  }
0xa1: {  	s23 =	simm.s32 $0x1B8B  }
0xa2: {  	_ =	swait.ge [sflag:s23], $0x1  }
0xa3: {  	[sflag:s23] =	ssyncset.done $0x0  }
0xa4: {  	s25 =	simm.s32 $0x1B8E;
	s24 =	sld [smem:$0x3FFE];
	[sflag:s23] =	ssyncadd.s32 $0xFFFFFFFF  }
0xa5: {  	s26 =	simm.s32 $execute0_lowered;
	[smem:$0x3FD2] =	sst s25  }
0xa6: {  	s4 =	sshll.u32 s26, $0x1;
	_ =	strace $0x8000004C;
	[dreg:$0x1] =	wrdreg $0xFFFFFFFF  }
0xa7: {  	s28 =	simm.s32 $_size_execute0_lowered;
	s2 =	sadd.s32 s2, s4;
	[dreg:$0x0] =	wrdreg $0x0  }
0xa8: {  	s4 =	sshll.u32 s28, $0x1;
	[dreg:$0x2] =	wrdreg s2  }
0xa9: {  	[dreg:$0x3] =	wrdreg s4  }
0xaa: {  	[dreg:$0x4] =	wrdreg $0xC0  }
0xab: {  	_ =	task [dreg:s6], $0x5FFFF  }
0xac: {  	[dreg:$0x1] =	wrdreg $0xFFFFFFFF  }
0xad: {  	[dreg:$0x0] =	wrdreg $0x60  }
0xae: {  	[dreg:$0x2] =	wrdreg s24  }
0xaf: {  	[dreg:$0x3] =	wrdreg $0x80800  }
0xb0: {  	[dreg:$0x4] =	wrdreg $0x9  }
0xb1: {  	_ =	task.clear_ibuf [dreg:s6], $0x5FFFF;
	_ =	strace $0x9000004C  }
0xb2: {  	s29 =	simm.s32 $0x9;
	_ =	strace $0x8000004E  }
0xb3: {  	_ =	swait.ge [sflag:s29], $0x1  }
0xb4: {  	[sflag:s29] =	ssyncadd.s32 $0xFFFFFFFF  }
0xb5: {  	_ =	strace $0x9000004E  }
0xb6: {  	_ =	sfence  }
0xb7: {  	s30 =	sld [smem:$0x0];
	_ =	sdelay $0x2  }
0xb8: {  	s31 =	sshll.u32 s1, $0xD;
	s1 =	sshrl.u32 s1, $0x2  }
0xb9: {  	s3 =	sand.u32 $0x4000, s31;
	s1 =	sadd.s32 s1, s30  }
0xba: {  	s0 =	sor.u32 s3, s0;
	s1 =	sshll.u32 s1, $0x11  }
0xbb: {  	s0 =	sor.u32 s1, s0  }
0xbc: {  	s0 =	sadd.s32 $0x8F2B, s0  }
0xbd: {  	[sflag:s0] =	ssyncadd.remote.s32 $0x1  }
0xbe: {  	_ =	sfence.sel $0xFFFF  }
0xbf: {  	[dreg:$0x0] =	wrdreg $0xFFFFFFFF;
	(pc) =	sbr.abs _section_cstart, $3  }
0xc0: {  	[dreg:$0x1] =	wrdreg $0xFFFFFFFF  }
0xc1: {  	_ =	task.clear_ibuf [dreg:s6], $0x2FFFF;
	_ =	strace $0x9FFFFFFF  }
0xc2: {  	(tm) =	ssettm $0x7FFFFFFF  }
0xc3: {  	_ =	shalt  }
tec
execute0_lowered:
.L_overlay_start_1:
0x0: {  	(tag) =	ssettag $0x1  }
0x1: {  	s23 =	stileid.u32  }
0x2: {  	s0 =	rddreg [dreg:$0x0];
	s1 =	simm.s32 $0x0;
	s2 =	smul.u32 $0x28000, s23  }
0x3: {  	[smem:$0x7FF] =	sst s1;
	s3 =	smul.u32 $0x500, s23  }
0x4: {  	s5 =	srdreg.scid;
	s4 =	sadd.s32 $0x29BA00, s0;
	s6 =	sadd.s32 $0x2EBA00, s0  }
0x5: {  	s5 =	sand.u32 $0x1, s5;
	s7 =	smul.u32 $0x14000, s23;
	s8 =	sadd.s32 $0x33BA00, s0  }
0x6: {  	s9 =	smul.u32 $0x140000, s5;
	s11 =	ssub.s32 $0x2, s5;
	s2 =	sadd.s32 s2, s0  }
0x7: {  	s10 =	sadd.s32 $0x4000, s7;
	s14 =	sshrl.u32 s11, $0x1;
	s20 =	sadd.s32 $0x8000, s7  }
0x8: {  	s29 =	sadd.s32 $0xC000, s7;
	s12 =	sadd.s32 s9, s7;
	s13 =	sadd.s32 s9, s10  }
0x9: {  	s11 =	ssub.s32 s11, s14;
	s25 =	sadd.s32 s9, s20;
	s12 =	sshrl.u32 s12, $0x3  }
0xa: {  	s15 =	sadd.s32 s9, s29;
	s13 =	sshrl.u32 s13, $0x3;
	s22 =	sadd.s32 s4, s12  }
0xb: {  	s19 =	sshrl.u32 s25, $0x3;
	s24 =	sadd.s32 s4, s13;
	[dreg:$0x3] =	wrdreg s22  }
0xc: {  	s21 =	sshrl.u32 s15, $0x3;
	s14 =	sadd.s32 s4, s19;
	[dreg:$0x4] =	wrdreg s24  }
0xd: {  	s3 =	sadd.s32 s3, s0;
	s26 =	sadd.s32 s4, s21;
	[dreg:$0x5] =	wrdreg s14  }
0xe: {  	s0 =	sadd.s32 $0x38BA00, s0;
	s15 =	sadd.s32 s6, s12;
	[dreg:$0x6] =	wrdreg s26  }
0xf: {  	s7 =	sadd.s32 $0x10000, s7;
	s16 =	sadd.s32 s6, s13;
	[dreg:$0x8] =	wrdreg s15  }
0x10: {  	s9 =	sadd.s32 s9, s7;
	s17 =	sadd.s32 s6, s19;
	[dreg:$0x9] =	wrdreg s16  }
0x11: {  	s9 =	sshrl.u32 s9, $0x3;
	s18 =	sadd.s32 s6, s21;
	[dreg:$0xa] =	wrdreg s17  }
0x12: {  	s25 =	sadd.s32 s8, s13;
	s4 =	sadd.s32 s4, s9;
	[dreg:$0xb] =	wrdreg s18  }
0x13: {  	s22 =	sadd.s32 s6, s9;
	s24 =	sadd.s32 s8, s12;
	[dreg:$0xe] =	wrdreg s25  }
0x14: {  	s26 =	sadd.s32 s8, s19;
	s6 =	sadd.s32 s8, s21;
	s16 =	sadd.s32 s8, s9  }
0x15: {  	s17 =	sadd.s32 s0, s12;
	s12 =	smul.u32 $0x14000, s5;
	[dreg:$0x7] =	wrdreg s4  }
0x16: {  	s18 =	sadd.s32 s0, s13;
	s19 =	sadd.s32 s0, s19;
	[dreg:$0xc] =	wrdreg s22  }
0x17: {  	s5 =	smul.u32 $0x280, s5;
	s21 =	sadd.s32 s0, s21;
	[dreg:$0xd] =	wrdreg s24  }
0x18: {  	s13 =	smul.u32 $0x50000, s23;
	s23 =	sadd.s32 s0, s9;
	[dreg:$0xf] =	wrdreg s26  }
0x19: {  	s25 =	smax.u32 s11, $0x1;
	s8 =	simm.s32 $0x1;
	[dreg:$0x10] =	wrdreg s6  }
0x1a: {  	s9 =	simm.s32 $0x80;
	s22 =	rddreg [dreg:$0x1];
	s14 =	sadd.s32 s12, s2  }
0x1b: {  	s15 =	sadd.s32 s5, s3;
	_ =	strace $0x8000004D;
	s26 =	sshrl.u32 s13, $0x2  }
0x1c: {  	s28 =	sadd.s32 s20, s22;
	s29 =	sadd.s32 s29, s22;
	s30 =	sadd.s32 s7, s22  }
0x1d: {  	s7 =	simm.s32 $0x4080;
	s24 =	sadd.s32 s26, s22;
	s26 =	sadd.s32 s10, s22  }
0x1e: {  	s31 =	sadd.s32 $0x1BA00, s14;
	s20 =	sadd.s32 $0x5C2200, s14;
	s0 =	sadd.s32 $0x16A00, s15  }
0x1f: {  	s2 =	sadd.s32 $0x11A00, s15;
	s10 =	simm.s32 $0x0;
	s3 =	sadd.s32 $0x4000, s24  }
0x20: {  	v0 =	vimm.f32 $0.0e+00;
	v1 =	vimm.f32 $1.000000000e+00;
	s4 =	sadd.s32 $0x8000, s24;
	s5 =	sadd.s32 $0xC000, s24;
	s6 =	sadd.s32 $0x10000, s24  }
.LBB2_1:
0x21: {  	s11 =	simm.s32 $0x0;
	s12 =	simm.s32 $0x200  }
.LBB2_2:
0x22: {  	p0 =	sne.s32 s12, $0xFE00;
	[tilespmem:s11+$0x40F0] =	vst v0  }
0x23: {  	[tilespmem:s11+$0x4080] =	vst v0  }
0x24: {  	[tilespmem:s11+$0x4090] =	vst v0  }
.Ltmp0:
0x25: {  	[tilespmem:s11+$0x40A0] =	vst v0;
	(pc) =	sbr.rel @p0 .LBB2_2-.Ltmp0, $4  }
0x26: {  	[tilespmem:s11+$0x40B0] =	vst v0  }
0x27: {  	[tilespmem:s11+$0x40C0] =	vst v0  }
0x28: {  	[tilespmem:s11+$0x40D0] =	vst v0  }
0x29: {  	[tilespmem:s11+$0x40E0] =	vst v0;
	s11 =	sshra.s32 s12, $0x2;
	s12 =	sadd.s32 $0x200, s12  }
0x2a: {  	[tilespmem:s11+$0x40F0] =	vst v0  }
0x2b: {  	[tilespmem:s11+$0x4080] =	vst v0  }
0x2c: {  	[tilespmem:s11+$0x4090] =	vst v0  }
0x2d: {  	[tilespmem:s11+$0x40A0] =	vst v0  }
0x2e: {  	[tilespmem:s11+$0x40B0] =	vst v0  }
0x2f: {  	[tilespmem:s11+$0x40C0] =	vst v0  }
0x30: {  	[tilespmem:s11+$0x40D0] =	vst v0  }
0x31: {  	[tilespmem:s11+$0x40E0] =	vst v0  }
0x32: {  	[spmem:s24] =	stream.linear.scatter [tilespmem:s7], [sflag:$0x1], $0x4000, $0x38;
	[tilespmem:$0x1C080] =	vst v63  }
0x33: {  	_ =	swait.ge [sflag:s8], $0x4000  }
0x34: {  	[sflag:s8] =	ssyncset.done $0x0  }
0x35: {  	[sflag:s8] =	ssyncadd.s32 $0xFFFFC000  }
0x36: {  	[spmem:s3] =	stream.linear.scatter [tilespmem:s7], [sflag:$0x1], $0x4000, $0x38;
	[tilespmem:$0x1C080] =	vst v63  }
0x37: {  	_ =	swait.ge [sflag:s8], $0x4000  }
0x38: {  	[sflag:s8] =	ssyncset.done $0x0  }
0x39: {  	[sflag:s8] =	ssyncadd.s32 $0xFFFFC000  }
0x3a: {  	[spmem:s4] =	stream.linear.scatter [tilespmem:s7], [sflag:$0x1], $0x4000, $0x38;
	[tilespmem:$0x1C080] =	vst v63  }
0x3b: {  	_ =	swait.ge [sflag:s8], $0x4000  }
0x3c: {  	[sflag:s8] =	ssyncset.done $0x0  }
0x3d: {  	[sflag:s8] =	ssyncadd.s32 $0xFFFFC000  }
0x3e: {  	[spmem:s5] =	stream.linear.scatter [tilespmem:s7], [sflag:$0x1], $0x4000, $0x38;
	[tilespmem:$0x1C080] =	vst v63  }
0x3f: {  	_ =	swait.ge [sflag:s8], $0x4000  }
0x40: {  	[sflag:s8] =	ssyncset.done $0x0  }
0x41: {  	[sflag:s8] =	ssyncadd.s32 $0xFFFFC000  }
0x42: {  	[spmem:s6] =	stream.linear.scatter [tilespmem:s7], [sflag:$0x1], $0x4000, $0x38;
	[tilespmem:$0x1C080] =	vst v63  }
0x43: {  	_ =	swait.ge [sflag:s8], $0x4000  }
0x44: {  	[sflag:s8] =	ssyncset.done $0x0  }
0x45: {  	[sflag:s8] =	ssyncadd.s32 $0xFFFFC000  }
0x46: {  	s15 =	sadd.s32 $0x0, s0;
	[bflag:$0x0] =	sbarrier.arrive $0xFFFF  }
0x47: {  	[tilespmem:s1], [sflag:$0x1] =	stream.linear.gather [hbm4b:s15+s1], $0x80, $0x38;
	[tilespmem:$0x1C080] =	vst v63  }
0x48: {  	_ =	swait.ge [sflag:s8], $0x80  }
0x49: {  	[sflag:s8] =	ssyncset.done $0x0  }
0x4a: {  	[sflag:s8] =	ssyncadd.s32 $0xFFFFFF80  }
0x4b: {  	[tilespmem:s9], [sflag:$0x1] =	stream.linear.gather [hbm4b:s31+s1], $0x4000, $0x38;
	[tilespmem:$0x1C080] =	vst v63  }
0x4c: {  	_ =	swait.ge [sflag:s8], $0x4000  }
0x4d: {  	[sflag:s8] =	ssyncset.done $0x0  }
0x4e: {  	[sflag:s8] =	ssyncadd.s32 $0xFFFFC000  }
0x4f: {  	[spmem:s22] =	stream.indirect.scatter.add.f32 [tilespmem:s9], [sflag:$0x1], $0x80, s1, s9, $0xb8;
	[tilespmem:$0x1C080] =	vst v63  }
0x50: {  	s12 =	simm.s32 $0x10;
	_ =	swait.ge [sflag:s8], $0x4000  }
0x51: {  	s13 =	simm.s32 $0x20;
	s11 =	sadd.s32 $0x800, s31;
	[sflag:s8] =	ssyncset.done $0x0  }
.LBB2_4:
0x52: {  	s14 =	sadd.s32 s12, s0  }
0x53: {  	[sflag:s8] =	ssyncadd.s32 $0xFFFFC000;
	s12 =	smov.u32 s13;
	s15 =	sadd.s32 $0x10, s13  }
0x54: {  	[tilespmem:s1], [sflag:$0x1] =	stream.linear.gather [hbm4b:s14+s1], $0x80, $0x38;
	[tilespmem:$0x1C080] =	vst v63  }
0x55: {  	p0 =	sne.s32 s13, $0x270;
	_ =	swait.ge [sflag:s8], $0x80  }
0x56: {  	[sflag:s8] =	ssyncset.done $0x0  }
0x57: {  	[sflag:s8] =	ssyncadd.s32 $0xFFFFFF80  }
0x58: {  	[tilespmem:s9], [sflag:$0x1] =	stream.linear.gather [hbm4b:s11+s1], $0x4000, $0x38;
	[tilespmem:$0x1C080] =	vst v63  }
0x59: {  	_ =	swait.ge [sflag:s8], $0x4000  }
.Ltmp1:
0x5a: {  	[sflag:s8] =	ssyncset.done $0x0;
	(pc) =	sbr.rel @p0 .LBB2_4-.Ltmp1, $4  }
0x5b: {  	[sflag:s8] =	ssyncadd.s32 $0xFFFFC000  }
0x5c: {  	[spmem:s22] =	stream.indirect.scatter.add.f32 [tilespmem:s9], [sflag:$0x1], $0x80, s1, s9, $0xb8;
	[tilespmem:$0x1C080] =	vst v63  }
0x5d: {  	_ =	swait.ge [sflag:s8], $0x4000  }
0x5e: {  	s13 =	smov.u32 s15;
	s11 =	sadd.s32 $0x800, s11;
	[sflag:s8] =	ssyncset.done $0x0  }
0x5f: {  	s12 =	sadd.s32 s12, s0;
	[sflag:s8] =	ssyncadd.s32 $0xFFFFC000  }
0x60: {  	[tilespmem:s1], [sflag:$0x1] =	stream.linear.gather [hbm4b:s12+s1], $0x80, $0x38;
	[tilespmem:$0x1C080] =	vst v63  }
0x61: {  	_ =	swait.ge [sflag:s8], $0x80  }
0x62: {  	[sflag:s8] =	ssyncset.done $0x0  }
0x63: {  	[sflag:s8] =	ssyncadd.s32 $0xFFFFFF80  }
0x64: {  	[tilespmem:s9], [sflag:$0x1] =	stream.linear.gather [hbm4b:s11+s1], $0x4000, $0x38;
	[tilespmem:$0x1C080] =	vst v63  }
0x65: {  	_ =	swait.ge [sflag:s8], $0x4000  }
0x66: {  	[sflag:s8] =	ssyncset.done $0x0  }
0x67: {  	[sflag:s8] =	ssyncadd.s32 $0xFFFFC000  }
0x68: {  	[spmem:s22] =	stream.indirect.scatter.add.f32 [tilespmem:s9], [sflag:$0x1], $0x80, s1, s9, $0xb8;
	[tilespmem:$0x1C080] =	vst v63  }
0x69: {  	_ =	swait.ge [sflag:s8], $0x4000  }
0x6a: {  	[sflag:s8] =	ssyncset.done $0x0  }
0x6b: {  	[sflag:s8] =	ssyncadd.s32 $0xFFFFC000  }
0x6c: {  	[bflag:$0x0] =	sbarrier.arrive $0xFFFF  }
0x6d: {  	[tilespmem:s7], [sflag:$0x1] =	stream.linear.gather [spmem:s24], $0x4000, $0x38;
	[tilespmem:$0x1C080] =	vst v63  }
0x6e: {  	_ =	swait.ge [sflag:s8], $0x4000  }
0x6f: {  	[sflag:s8] =	ssyncset.done $0x0  }
0x70: {  	s11 =	simm.s32 $0x0;
	s14 =	rddreg [dreg:$0x3];
	[sflag:s8] =	ssyncadd.s32 $0xFFFFC000  }
0x71: {  	[hbm4b:s14+s11] =	stream.linear.scatter [tilespmem:s7], [sflag:$0x1], $0x4000, $0x38;
	[tilespmem:$0x1C080] =	vst v63  }
0x72: {  	_ =	swait.ge [sflag:s8], $0x4000  }
0x73: {  	[sflag:s8] =	ssyncset.done $0x0  }
0x74: {  	[sflag:s8] =	ssyncadd.s32 $0xFFFFC000  }
0x75: {  	[tilespmem:s7], [sflag:$0x1] =	stream.linear.gather [spmem:s26], $0x4000, $0x38;
	[tilespmem:$0x1C080] =	vst v63  }
0x76: {  	_ =	swait.ge [sflag:s8], $0x4000  }
0x77: {  	[sflag:s8] =	ssyncset.done $0x0  }
0x78: {  	s15 =	rddreg [dreg:$0x4];
	[sflag:s8] =	ssyncadd.s32 $0xFFFFC000  }
0x79: {  	[hbm4b:s15+s11] =	stream.linear.scatter [tilespmem:s7], [sflag:$0x1], $0x4000, $0x38;
	[tilespmem:$0x1C080] =	vst v63  }
0x7a: {  	_ =	swait.ge [sflag:s8], $0x4000  }
0x7b: {  	[sflag:s8] =	ssyncset.done $0x0  }
0x7c: {  	[sflag:s8] =	ssyncadd.s32 $0xFFFFC000  }
0x7d: {  	[tilespmem:s7], [sflag:$0x1] =	stream.linear.gather [spmem:s28], $0x4000, $0x38;
	[tilespmem:$0x1C080] =	vst v63  }
0x7e: {  	_ =	swait.ge [sflag:s8], $0x4000  }
0x7f: {  	[sflag:s8] =	ssyncset.done $0x0  }
0x80: {  	s13 =	rddreg [dreg:$0x5];
	[sflag:s8] =	ssyncadd.s32 $0xFFFFC000  }
0x81: {  	[hbm4b:s13+s11] =	stream.linear.scatter [tilespmem:s7], [sflag:$0x1], $0x4000, $0x38;
	[tilespmem:$0x1C080] =	vst v63  }
0x82: {  	_ =	swait.ge [sflag:s8], $0x4000  }
0x83: {  	[sflag:s8] =	ssyncset.done $0x0  }
0x84: {  	[sflag:s8] =	ssyncadd.s32 $0xFFFFC000  }
0x85: {  	[tilespmem:s7], [sflag:$0x1] =	stream.linear.gather [spmem:s29], $0x4000, $0x38;
	[tilespmem:$0x1C080] =	vst v63  }
0x86: {  	_ =	swait.ge [sflag:s8], $0x4000  }
0x87: {  	[sflag:s8] =	ssyncset.done $0x0  }
0x88: {  	s14 =	rddreg [dreg:$0x6];
	[sflag:s8] =	ssyncadd.s32 $0xFFFFC000  }
0x89: {  	[hbm4b:s14+s11] =	stream.linear.scatter [tilespmem:s7], [sflag:$0x1], $0x4000, $0x38;
	[tilespmem:$0x1C080] =	vst v63  }
0x8a: {  	_ =	swait.ge [sflag:s8], $0x4000  }
0x8b: {  	[sflag:s8] =	ssyncset.done $0x0  }
0x8c: {  	[sflag:s8] =	ssyncadd.s32 $0xFFFFC000  }
0x8d: {  	[tilespmem:s7], [sflag:$0x1] =	stream.linear.gather [spmem:s30], $0x4000, $0x38;
	[tilespmem:$0x1C080] =	vst v63  }
0x8e: {  	_ =	swait.ge [sflag:s8], $0x4000  }
0x8f: {  	[sflag:s8] =	ssyncset.done $0x0  }
0x90: {  	s15 =	rddreg [dreg:$0x7];
	[sflag:s8] =	ssyncadd.s32 $0xFFFFC000  }
0x91: {  	[hbm4b:s15+s11] =	stream.linear.scatter [tilespmem:s7], [sflag:$0x1], $0x4000, $0x38;
	[tilespmem:$0x1C080] =	vst v63  }
0x92: {  	_ =	swait.ge [sflag:s8], $0x4000  }
0x93: {  	[sflag:s8] =	ssyncset.done $0x0  }
0x94: {  	s12 =	simm.s32 $0x200;
	s11 =	simm.s32 $0x0;
	[sflag:s8] =	ssyncadd.s32 $0xFFFFC000  }
.LBB2_6:
0x95: {  	p0 =	seq.s32 s12, $0xFE00;
	[tilespmem:s11+$0x40F0] =	vst v0  }
0x96: {  	[tilespmem:s11+$0x4080] =	vst v0  }
0x97: {  	[tilespmem:s11+$0x4090] =	vst v0  }
.Ltmp2:
0x98: {  	[tilespmem:s11+$0x40A0] =	vst v0;
	(pc) =	sbr.rel @!p0 .LBB2_6-.Ltmp2, $4  }
0x99: {  	[tilespmem:s11+$0x40B0] =	vst v0  }
0x9a: {  	[tilespmem:s11+$0x40C0] =	vst v0  }
0x9b: {  	[tilespmem:s11+$0x40D0] =	vst v0  }
0x9c: {  	[tilespmem:s11+$0x40E0] =	vst v0;
	s11 =	sshra.s32 s12, $0x2;
	s12 =	sadd.s32 $0x200, s12  }
0x9d: {  	[tilespmem:s11+$0x40F0] =	vst v0  }
0x9e: {  	[tilespmem:s11+$0x4080] =	vst v0  }
0x9f: {  	[tilespmem:s11+$0x4090] =	vst v0  }
0xa0: {  	[tilespmem:s11+$0x40A0] =	vst v0  }
0xa1: {  	[tilespmem:s11+$0x40B0] =	vst v0  }
0xa2: {  	[tilespmem:s11+$0x40C0] =	vst v0  }
0xa3: {  	[tilespmem:s11+$0x40D0] =	vst v0  }
0xa4: {  	[tilespmem:s11+$0x40E0] =	vst v0  }
0xa5: {  	[spmem:s24] =	stream.linear.scatter [tilespmem:s7], [sflag:$0x1], $0x4000, $0x38;
	[tilespmem:$0x1C080] =	vst v63  }
0xa6: {  	_ =	swait.ge [sflag:s8], $0x4000  }
0xa7: {  	[sflag:s8] =	ssyncset.done $0x0  }
0xa8: {  	[sflag:s8] =	ssyncadd.s32 $0xFFFFC000  }
0xa9: {  	[spmem:s3] =	stream.linear.scatter [tilespmem:s7], [sflag:$0x1], $0x4000, $0x38;
	[tilespmem:$0x1C080] =	vst v63  }
0xaa: {  	_ =	swait.ge [sflag:s8], $0x4000  }
0xab: {  	[sflag:s8] =	ssyncset.done $0x0  }
0xac: {  	[sflag:s8] =	ssyncadd.s32 $0xFFFFC000  }
0xad: {  	[spmem:s4] =	stream.linear.scatter [tilespmem:s7], [sflag:$0x1], $0x4000, $0x38;
	[tilespmem:$0x1C080] =	vst v63  }
0xae: {  	_ =	swait.ge [sflag:s8], $0x4000  }
0xaf: {  	[sflag:s8] =	ssyncset.done $0x0  }
0xb0: {  	[sflag:s8] =	ssyncadd.s32 $0xFFFFC000  }
0xb1: {  	[spmem:s5] =	stream.linear.scatter [tilespmem:s7], [sflag:$0x1], $0x4000, $0x38;
	[tilespmem:$0x1C080] =	vst v63  }
0xb2: {  	_ =	swait.ge [sflag:s8], $0x4000  }
0xb3: {  	[sflag:s8] =	ssyncset.done $0x0  }
0xb4: {  	[sflag:s8] =	ssyncadd.s32 $0xFFFFC000  }
0xb5: {  	[spmem:s6] =	stream.linear.scatter [tilespmem:s7], [sflag:$0x1], $0x4000, $0x38;
	[tilespmem:$0x1C080] =	vst v63  }
0xb6: {  	_ =	swait.ge [sflag:s8], $0x4000  }
0xb7: {  	[sflag:s8] =	ssyncset.done $0x0  }
0xb8: {  	s11 =	simm.s32 $0x0;
	s12 =	simm.s32 $0x200;
	[sflag:s8] =	ssyncadd.s32 $0xFFFFC000  }
.LBB2_8:
0xb9: {  	p0 =	sne.s32 s12, $0xFE00;
	[tilespmem:s11+$0xF0] =	vst v1  }
0xba: {  	[tilespmem:s11+$0x80] =	vst v1  }
0xbb: {  	[tilespmem:s11+$0x90] =	vst v1  }
.Ltmp3:
0xbc: {  	[tilespmem:s11+$0xA0] =	vst v1;
	(pc) =	sbr.rel @p0 .LBB2_8-.Ltmp3, $4  }
0xbd: {  	[tilespmem:s11+$0xB0] =	vst v1  }
0xbe: {  	[tilespmem:s11+$0xC0] =	vst v1  }
0xbf: {  	[tilespmem:s11+$0xD0] =	vst v1  }
0xc0: {  	[tilespmem:s11+$0xE0] =	vst v1;
	s11 =	sshra.s32 s12, $0x2;
	s12 =	sadd.s32 $0x200, s12  }
0xc1: {  	[tilespmem:s11+$0xF0] =	vst v1  }
0xc2: {  	[tilespmem:s11+$0x80] =	vst v1  }
0xc3: {  	[tilespmem:s11+$0x90] =	vst v1  }
0xc4: {  	[tilespmem:s11+$0xA0] =	vst v1  }
0xc5: {  	[tilespmem:s11+$0xB0] =	vst v1  }
0xc6: {  	[tilespmem:s11+$0xC0] =	vst v1  }
0xc7: {  	[tilespmem:s11+$0xD0] =	vst v1  }
0xc8: {  	[tilespmem:s11+$0xE0] =	vst v1  }
0xc9: {  	s15 =	sadd.s32 $0x0, s0;
	[bflag:$0x0] =	sbarrier.arrive $0xFFFF  }
0xca: {  	[tilespmem:s1], [sflag:$0x1] =	stream.linear.gather [hbm4b:s15+s1], $0x80, $0x38;
	[tilespmem:$0x1C080] =	vst v63  }
0xcb: {  	_ =	swait.ge [sflag:s8], $0x80  }
0xcc: {  	[sflag:s8] =	ssyncset.done $0x0  }
0xcd: {  	[sflag:s8] =	ssyncadd.s32 $0xFFFFFF80  }
0xce: {  	[spmem:s22] =	stream.indirect.scatter.add.f32 [tilespmem:s9], [sflag:$0x1], $0x80, s1, s9, $0xb8;
	[tilespmem:$0x1C080] =	vst v63  }
0xcf: {  	_ =	swait.ge [sflag:s8], $0x4000  }
0xd0: {  	s11 =	simm.s32 $0x10;
	s12 =	simm.s32 $0x20;
	[sflag:s8] =	ssyncset.done $0x0  }
.LBB2_10:
0xd1: {  	s13 =	sadd.s32 s11, s0  }
0xd2: {  	[sflag:s8] =	ssyncadd.s32 $0xFFFFC000;
	s11 =	smov.u32 s12;
	s14 =	sadd.s32 $0x10, s12  }
0xd3: {  	[tilespmem:s1], [sflag:$0x1] =	stream.linear.gather [hbm4b:s13+s1], $0x80, $0x38;
	[tilespmem:$0x1C080] =	vst v63  }
0xd4: {  	p0 =	sne.s32 s12, $0x270;
	_ =	swait.ge [sflag:s8], $0x80  }
.Ltmp4:
0xd5: {  	[sflag:s8] =	ssyncset.done $0x0;
	(pc) =	sbr.rel @p0 .LBB2_10-.Ltmp4, $4  }
0xd6: {  	[sflag:s8] =	ssyncadd.s32 $0xFFFFFF80  }
0xd7: {  	[spmem:s22] =	stream.indirect.scatter.add.f32 [tilespmem:s9], [sflag:$0x1], $0x80, s1, s9, $0xb8;
	[tilespmem:$0x1C080] =	vst v63  }
0xd8: {  	_ =	swait.ge [sflag:s8], $0x4000  }
0xd9: {  	s12 =	smov.u32 s14;
	[sflag:s8] =	ssyncset.done $0x0  }
0xda: {  	s11 =	sadd.s32 s11, s0;
	[sflag:s8] =	ssyncadd.s32 $0xFFFFC000  }
0xdb: {  	[tilespmem:s1], [sflag:$0x1] =	stream.linear.gather [hbm4b:s11+s1], $0x80, $0x38;
	[tilespmem:$0x1C080] =	vst v63  }
0xdc: {  	_ =	swait.ge [sflag:s8], $0x80  }
0xdd: {  	[sflag:s8] =	ssyncset.done $0x0  }
0xde: {  	[sflag:s8] =	ssyncadd.s32 $0xFFFFFF80  }
0xdf: {  	[spmem:s22] =	stream.indirect.scatter.add.f32 [tilespmem:s9], [sflag:$0x1], $0x80, s1, s9, $0xb8;
	[tilespmem:$0x1C080] =	vst v63  }
0xe0: {  	_ =	swait.ge [sflag:s8], $0x4000  }
0xe1: {  	[sflag:s8] =	ssyncset.done $0x0  }
0xe2: {  	[sflag:s8] =	ssyncadd.s32 $0xFFFFC000  }
0xe3: {  	[bflag:$0x0] =	sbarrier.arrive $0xFFFF  }
0xe4: {  	[tilespmem:s7], [sflag:$0x1] =	stream.linear.gather [spmem:s24], $0x4000, $0x38;
	[tilespmem:$0x1C080] =	vst v63  }
0xe5: {  	_ =	swait.ge [sflag:s8], $0x4000  }
0xe6: {  	[sflag:s8] =	ssyncset.done $0x0  }
0xe7: {  	s11 =	simm.s32 $0x0;
	s12 =	rddreg [dreg:$0x8];
	[sflag:s8] =	ssyncadd.s32 $0xFFFFC000  }
0xe8: {  	[hbm4b:s12+s11] =	stream.linear.scatter [tilespmem:s7], [sflag:$0x1], $0x4000, $0x38;
	[tilespmem:$0x1C080] =	vst v63  }
0xe9: {  	_ =	swait.ge [sflag:s8], $0x4000  }
0xea: {  	[sflag:s8] =	ssyncset.done $0x0  }
0xeb: {  	[sflag:s8] =	ssyncadd.s32 $0xFFFFC000  }
0xec: {  	[tilespmem:s7], [sflag:$0x1] =	stream.linear.gather [spmem:s26], $0x4000, $0x38;
	[tilespmem:$0x1C080] =	vst v63  }
0xed: {  	_ =	swait.ge [sflag:s8], $0x4000  }
0xee: {  	[sflag:s8] =	ssyncset.done $0x0  }
0xef: {  	s15 =	rddreg [dreg:$0x9];
	[sflag:s8] =	ssyncadd.s32 $0xFFFFC000  }
0xf0: {  	[hbm4b:s15+s11] =	stream.linear.scatter [tilespmem:s7], [sflag:$0x1], $0x4000, $0x38;
	[tilespmem:$0x1C080] =	vst v63  }
0xf1: {  	_ =	swait.ge [sflag:s8], $0x4000  }
0xf2: {  	[sflag:s8] =	ssyncset.done $0x0  }
0xf3: {  	[sflag:s8] =	ssyncadd.s32 $0xFFFFC000  }
0xf4: {  	[tilespmem:s7], [sflag:$0x1] =	stream.linear.gather [spmem:s28], $0x4000, $0x38;
	[tilespmem:$0x1C080] =	vst v63  }
0xf5: {  	_ =	swait.ge [sflag:s8], $0x4000  }
0xf6: {  	[sflag:s8] =	ssyncset.done $0x0  }
0xf7: {  	s13 =	rddreg [dreg:$0xa];
	[sflag:s8] =	ssyncadd.s32 $0xFFFFC000  }
0xf8: {  	[hbm4b:s13+s11] =	stream.linear.scatter [tilespmem:s7], [sflag:$0x1], $0x4000, $0x38;
	[tilespmem:$0x1C080] =	vst v63  }
0xf9: {  	_ =	swait.ge [sflag:s8], $0x4000  }
0xfa: {  	[sflag:s8] =	ssyncset.done $0x0  }
0xfb: {  	[sflag:s8] =	ssyncadd.s32 $0xFFFFC000  }
0xfc: {  	[tilespmem:s7], [sflag:$0x1] =	stream.linear.gather [spmem:s29], $0x4000, $0x38;
	[tilespmem:$0x1C080] =	vst v63  }
0xfd: {  	_ =	swait.ge [sflag:s8], $0x4000  }
0xfe: {  	[sflag:s8] =	ssyncset.done $0x0  }
0xff: {  	s14 =	rddreg [dreg:$0xb];
	[sflag:s8] =	ssyncadd.s32 $0xFFFFC000  }
0x100: {  	[hbm4b:s14+s11] =	stream.linear.scatter [tilespmem:s7], [sflag:$0x1], $0x4000, $0x38;
	[tilespmem:$0x1C080] =	vst v63  }
0x101: {  	_ =	swait.ge [sflag:s8], $0x4000  }
0x102: {  	[sflag:s8] =	ssyncset.done $0x0  }
0x103: {  	[sflag:s8] =	ssyncadd.s32 $0xFFFFC000  }
0x104: {  	[tilespmem:s7], [sflag:$0x1] =	stream.linear.gather [spmem:s30], $0x4000, $0x38;
	[tilespmem:$0x1C080] =	vst v63  }
0x105: {  	_ =	swait.ge [sflag:s8], $0x4000  }
0x106: {  	[sflag:s8] =	ssyncset.done $0x0  }
0x107: {  	s15 =	rddreg [dreg:$0xc];
	[sflag:s8] =	ssyncadd.s32 $0xFFFFC000  }
0x108: {  	[hbm4b:s15+s11] =	stream.linear.scatter [tilespmem:s7], [sflag:$0x1], $0x4000, $0x38;
	[tilespmem:$0x1C080] =	vst v63  }
0x109: {  	_ =	swait.ge [sflag:s8], $0x4000  }
0x10a: {  	[sflag:s8] =	ssyncset.done $0x0  }
0x10b: {  	s12 =	simm.s32 $0x200;
	s11 =	simm.s32 $0x0;
	[sflag:s8] =	ssyncadd.s32 $0xFFFFC000  }
.LBB2_12:
0x10c: {  	p0 =	seq.s32 s12, $0xFE00;
	[tilespmem:s11+$0x40F0] =	vst v0  }
0x10d: {  	[tilespmem:s11+$0x4080] =	vst v0  }
0x10e: {  	[tilespmem:s11+$0x4090] =	vst v0  }
.Ltmp5:
0x10f: {  	[tilespmem:s11+$0x40A0] =	vst v0;
	(pc) =	sbr.rel @!p0 .LBB2_12-.Ltmp5, $4  }
0x110: {  	[tilespmem:s11+$0x40B0] =	vst v0  }
0x111: {  	[tilespmem:s11+$0x40C0] =	vst v0  }
0x112: {  	[tilespmem:s11+$0x40D0] =	vst v0  }
0x113: {  	[tilespmem:s11+$0x40E0] =	vst v0;
	s11 =	sshra.s32 s12, $0x2;
	s12 =	sadd.s32 $0x200, s12  }
0x114: {  	[tilespmem:s11+$0x40F0] =	vst v0  }
0x115: {  	[tilespmem:s11+$0x4080] =	vst v0  }
0x116: {  	[tilespmem:s11+$0x4090] =	vst v0  }
0x117: {  	[tilespmem:s11+$0x40A0] =	vst v0  }
0x118: {  	[tilespmem:s11+$0x40B0] =	vst v0  }
0x119: {  	[tilespmem:s11+$0x40C0] =	vst v0  }
0x11a: {  	[tilespmem:s11+$0x40D0] =	vst v0  }
0x11b: {  	[tilespmem:s11+$0x40E0] =	vst v0  }
0x11c: {  	[spmem:s24] =	stream.linear.scatter [tilespmem:s7], [sflag:$0x1], $0x4000, $0x38;
	[tilespmem:$0x1C080] =	vst v63  }
0x11d: {  	_ =	swait.ge [sflag:s8], $0x4000  }
0x11e: {  	[sflag:s8] =	ssyncset.done $0x0  }
0x11f: {  	[sflag:s8] =	ssyncadd.s32 $0xFFFFC000  }
0x120: {  	[spmem:s3] =	stream.linear.scatter [tilespmem:s7], [sflag:$0x1], $0x4000, $0x38;
	[tilespmem:$0x1C080] =	vst v63  }
0x121: {  	_ =	swait.ge [sflag:s8], $0x4000  }
0x122: {  	[sflag:s8] =	ssyncset.done $0x0  }
0x123: {  	[sflag:s8] =	ssyncadd.s32 $0xFFFFC000  }
0x124: {  	[spmem:s4] =	stream.linear.scatter [tilespmem:s7], [sflag:$0x1], $0x4000, $0x38;
	[tilespmem:$0x1C080] =	vst v63  }
0x125: {  	_ =	swait.ge [sflag:s8], $0x4000  }
0x126: {  	[sflag:s8] =	ssyncset.done $0x0  }
0x127: {  	[sflag:s8] =	ssyncadd.s32 $0xFFFFC000  }
0x128: {  	[spmem:s5] =	stream.linear.scatter [tilespmem:s7], [sflag:$0x1], $0x4000, $0x38;
	[tilespmem:$0x1C080] =	vst v63  }
0x129: {  	_ =	swait.ge [sflag:s8], $0x4000  }
0x12a: {  	[sflag:s8] =	ssyncset.done $0x0  }
0x12b: {  	[sflag:s8] =	ssyncadd.s32 $0xFFFFC000  }
0x12c: {  	[spmem:s6] =	stream.linear.scatter [tilespmem:s7], [sflag:$0x1], $0x4000, $0x38;
	[tilespmem:$0x1C080] =	vst v63  }
0x12d: {  	_ =	swait.ge [sflag:s8], $0x4000  }
0x12e: {  	[sflag:s8] =	ssyncset.done $0x0  }
0x12f: {  	[sflag:s8] =	ssyncadd.s32 $0xFFFFC000  }
0x130: {  	s15 =	sadd.s32 $0x0, s2;
	[bflag:$0x0] =	sbarrier.arrive $0xFFFF  }
0x131: {  	[tilespmem:s1], [sflag:$0x1] =	stream.linear.gather [hbm4b:s15+s1], $0x80, $0x38;
	[tilespmem:$0x1C080] =	vst v63  }
0x132: {  	_ =	swait.ge [sflag:s8], $0x80  }
0x133: {  	[sflag:s8] =	ssyncset.done $0x0  }
0x134: {  	[sflag:s8] =	ssyncadd.s32 $0xFFFFFF80  }
0x135: {  	[tilespmem:s9], [sflag:$0x1] =	stream.linear.gather [hbm4b:s20+s1], $0x4000, $0x38;
	[tilespmem:$0x1C080] =	vst v63  }
0x136: {  	_ =	swait.ge [sflag:s8], $0x4000  }
0x137: {  	[sflag:s8] =	ssyncset.done $0x0  }
0x138: {  	[sflag:s8] =	ssyncadd.s32 $0xFFFFC000  }
0x139: {  	[spmem:s22] =	stream.indirect.scatter.add.f32 [tilespmem:s9], [sflag:$0x1], $0x80, s1, s9, $0xb8;
	[tilespmem:$0x1C080] =	vst v63  }
0x13a: {  	s12 =	simm.s32 $0x10;
	_ =	swait.ge [sflag:s8], $0x4000  }
0x13b: {  	s13 =	simm.s32 $0x20;
	s11 =	sadd.s32 $0x800, s20;
	[sflag:s8] =	ssyncset.done $0x0  }
.LBB2_14:
0x13c: {  	s14 =	sadd.s32 s12, s2  }
0x13d: {  	[sflag:s8] =	ssyncadd.s32 $0xFFFFC000;
	s12 =	smov.u32 s13;
	s15 =	sadd.s32 $0x10, s13  }
0x13e: {  	[tilespmem:s1], [sflag:$0x1] =	stream.linear.gather [hbm4b:s14+s1], $0x80, $0x38;
	[tilespmem:$0x1C080] =	vst v63  }
0x13f: {  	p0 =	sne.s32 s13, $0x270;
	_ =	swait.ge [sflag:s8], $0x80  }
0x140: {  	[sflag:s8] =	ssyncset.done $0x0  }
0x141: {  	[sflag:s8] =	ssyncadd.s32 $0xFFFFFF80  }
0x142: {  	[tilespmem:s9], [sflag:$0x1] =	stream.linear.gather [hbm4b:s11+s1], $0x4000, $0x38;
	[tilespmem:$0x1C080] =	vst v63  }
0x143: {  	_ =	swait.ge [sflag:s8], $0x4000  }
.Ltmp6:
0x144: {  	[sflag:s8] =	ssyncset.done $0x0;
	(pc) =	sbr.rel @p0 .LBB2_14-.Ltmp6, $4  }
0x145: {  	[sflag:s8] =	ssyncadd.s32 $0xFFFFC000  }
0x146: {  	[spmem:s22] =	stream.indirect.scatter.add.f32 [tilespmem:s9], [sflag:$0x1], $0x80, s1, s9, $0xb8;
	[tilespmem:$0x1C080] =	vst v63  }
0x147: {  	_ =	swait.ge [sflag:s8], $0x4000  }
0x148: {  	s13 =	smov.u32 s15;
	s11 =	sadd.s32 $0x800, s11;
	[sflag:s8] =	ssyncset.done $0x0  }
0x149: {  	s12 =	sadd.s32 s12, s2;
	[sflag:s8] =	ssyncadd.s32 $0xFFFFC000  }
0x14a: {  	[tilespmem:s1], [sflag:$0x1] =	stream.linear.gather [hbm4b:s12+s1], $0x80, $0x38;
	[tilespmem:$0x1C080] =	vst v63  }
0x14b: {  	_ =	swait.ge [sflag:s8], $0x80  }
0x14c: {  	[sflag:s8] =	ssyncset.done $0x0  }
0x14d: {  	[sflag:s8] =	ssyncadd.s32 $0xFFFFFF80  }
0x14e: {  	[tilespmem:s9], [sflag:$0x1] =	stream.linear.gather [hbm4b:s11+s1], $0x4000, $0x38;
	[tilespmem:$0x1C080] =	vst v63  }
0x14f: {  	_ =	swait.ge [sflag:s8], $0x4000  }
0x150: {  	[sflag:s8] =	ssyncset.done $0x0  }
0x151: {  	[sflag:s8] =	ssyncadd.s32 $0xFFFFC000  }
0x152: {  	[spmem:s22] =	stream.indirect.scatter.add.f32 [tilespmem:s9], [sflag:$0x1], $0x80, s1, s9, $0xb8;
	[tilespmem:$0x1C080] =	vst v63  }
0x153: {  	_ =	swait.ge [sflag:s8], $0x4000  }
0x154: {  	[sflag:s8] =	ssyncset.done $0x0  }
0x155: {  	[sflag:s8] =	ssyncadd.s32 $0xFFFFC000  }
0x156: {  	[bflag:$0x0] =	sbarrier.arrive $0xFFFF  }
0x157: {  	[tilespmem:s7], [sflag:$0x1] =	stream.linear.gather [spmem:s24], $0x4000, $0x38;
	[tilespmem:$0x1C080] =	vst v63  }
0x158: {  	_ =	swait.ge [sflag:s8], $0x4000  }
0x159: {  	[sflag:s8] =	ssyncset.done $0x0  }
0x15a: {  	s11 =	simm.s32 $0x0;
	s15 =	rddreg [dreg:$0xd];
	[sflag:s8] =	ssyncadd.s32 $0xFFFFC000  }
0x15b: {  	[hbm4b:s15+s11] =	stream.linear.scatter [tilespmem:s7], [sflag:$0x1], $0x4000, $0x38;
	[tilespmem:$0x1C080] =	vst v63  }
0x15c: {  	_ =	swait.ge [sflag:s8], $0x4000  }
0x15d: {  	[sflag:s8] =	ssyncset.done $0x0  }
0x15e: {  	[sflag:s8] =	ssyncadd.s32 $0xFFFFC000  }
0x15f: {  	[tilespmem:s7], [sflag:$0x1] =	stream.linear.gather [spmem:s26], $0x4000, $0x38;
	[tilespmem:$0x1C080] =	vst v63  }
0x160: {  	_ =	swait.ge [sflag:s8], $0x4000  }
0x161: {  	[sflag:s8] =	ssyncset.done $0x0  }
0x162: {  	s13 =	rddreg [dreg:$0xe];
	[sflag:s8] =	ssyncadd.s32 $0xFFFFC000  }
0x163: {  	[hbm4b:s13+s11] =	stream.linear.scatter [tilespmem:s7], [sflag:$0x1], $0x4000, $0x38;
	[tilespmem:$0x1C080] =	vst v63  }
0x164: {  	_ =	swait.ge [sflag:s8], $0x4000  }
0x165: {  	[sflag:s8] =	ssyncset.done $0x0  }
0x166: {  	[sflag:s8] =	ssyncadd.s32 $0xFFFFC000  }
0x167: {  	[tilespmem:s7], [sflag:$0x1] =	stream.linear.gather [spmem:s28], $0x4000, $0x38;
	[tilespmem:$0x1C080] =	vst v63  }
0x168: {  	_ =	swait.ge [sflag:s8], $0x4000  }
0x169: {  	[sflag:s8] =	ssyncset.done $0x0  }
0x16a: {  	s14 =	rddreg [dreg:$0xf];
	[sflag:s8] =	ssyncadd.s32 $0xFFFFC000  }
0x16b: {  	[hbm4b:s14+s11] =	stream.linear.scatter [tilespmem:s7], [sflag:$0x1], $0x4000, $0x38;
	[tilespmem:$0x1C080] =	vst v63  }
0x16c: {  	_ =	swait.ge [sflag:s8], $0x4000  }
0x16d: {  	[sflag:s8] =	ssyncset.done $0x0  }
0x16e: {  	[sflag:s8] =	ssyncadd.s32 $0xFFFFC000  }
0x16f: {  	[tilespmem:s7], [sflag:$0x1] =	stream.linear.gather [spmem:s29], $0x4000, $0x38;
	[tilespmem:$0x1C080] =	vst v63  }
0x170: {  	_ =	swait.ge [sflag:s8], $0x4000  }
0x171: {  	[sflag:s8] =	ssyncset.done $0x0  }
0x172: {  	s15 =	rddreg [dreg:$0x10];
	[sflag:s8] =	ssyncadd.s32 $0xFFFFC000  }
0x173: {  	[hbm4b:s15+s11] =	stream.linear.scatter [tilespmem:s7], [sflag:$0x1], $0x4000, $0x38;
	[tilespmem:$0x1C080] =	vst v63  }
0x174: {  	_ =	swait.ge [sflag:s8], $0x4000  }
0x175: {  	[sflag:s8] =	ssyncset.done $0x0  }
0x176: {  	[sflag:s8] =	ssyncadd.s32 $0xFFFFC000  }
0x177: {  	[tilespmem:s7], [sflag:$0x1] =	stream.linear.gather [spmem:s30], $0x4000, $0x38;
	[tilespmem:$0x1C080] =	vst v63  }
0x178: {  	_ =	swait.ge [sflag:s8], $0x4000  }
0x179: {  	[sflag:s8] =	ssyncset.done $0x0  }
0x17a: {  	[sflag:s8] =	ssyncadd.s32 $0xFFFFC000  }
0x17b: {  	[hbm4b:s16+s11] =	stream.linear.scatter [tilespmem:s7], [sflag:$0x1], $0x4000, $0x38;
	[tilespmem:$0x1C080] =	vst v63  }
0x17c: {  	_ =	swait.ge [sflag:s8], $0x4000  }
0x17d: {  	[sflag:s8] =	ssyncset.done $0x0  }
0x17e: {  	s12 =	simm.s32 $0x200;
	s11 =	simm.s32 $0x0;
	[sflag:s8] =	ssyncadd.s32 $0xFFFFC000  }
.LBB2_16:
0x17f: {  	p0 =	seq.s32 s12, $0xFE00;
	[tilespmem:s11+$0x40F0] =	vst v0  }
0x180: {  	[tilespmem:s11+$0x4080] =	vst v0  }
0x181: {  	[tilespmem:s11+$0x4090] =	vst v0  }
.Ltmp7:
0x182: {  	[tilespmem:s11+$0x40A0] =	vst v0;
	(pc) =	sbr.rel @!p0 .LBB2_16-.Ltmp7, $4  }
0x183: {  	[tilespmem:s11+$0x40B0] =	vst v0  }
0x184: {  	[tilespmem:s11+$0x40C0] =	vst v0  }
0x185: {  	[tilespmem:s11+$0x40D0] =	vst v0  }
0x186: {  	[tilespmem:s11+$0x40E0] =	vst v0;
	s11 =	sshra.s32 s12, $0x2;
	s12 =	sadd.s32 $0x200, s12  }
0x187: {  	[tilespmem:s11+$0x40F0] =	vst v0  }
0x188: {  	[tilespmem:s11+$0x4080] =	vst v0  }
0x189: {  	[tilespmem:s11+$0x4090] =	vst v0  }
0x18a: {  	[tilespmem:s11+$0x40A0] =	vst v0  }
0x18b: {  	[tilespmem:s11+$0x40B0] =	vst v0  }
0x18c: {  	[tilespmem:s11+$0x40C0] =	vst v0  }
0x18d: {  	[tilespmem:s11+$0x40D0] =	vst v0  }
0x18e: {  	[tilespmem:s11+$0x40E0] =	vst v0  }
0x18f: {  	[spmem:s24] =	stream.linear.scatter [tilespmem:s7], [sflag:$0x1], $0x4000, $0x38;
	[tilespmem:$0x1C080] =	vst v63  }
0x190: {  	_ =	swait.ge [sflag:s8], $0x4000  }
0x191: {  	[sflag:s8] =	ssyncset.done $0x0  }
0x192: {  	[sflag:s8] =	ssyncadd.s32 $0xFFFFC000  }
0x193: {  	[spmem:s3] =	stream.linear.scatter [tilespmem:s7], [sflag:$0x1], $0x4000, $0x38;
	[tilespmem:$0x1C080] =	vst v63  }
0x194: {  	_ =	swait.ge [sflag:s8], $0x4000  }
0x195: {  	[sflag:s8] =	ssyncset.done $0x0  }
0x196: {  	[sflag:s8] =	ssyncadd.s32 $0xFFFFC000  }
0x197: {  	[spmem:s4] =	stream.linear.scatter [tilespmem:s7], [sflag:$0x1], $0x4000, $0x38;
	[tilespmem:$0x1C080] =	vst v63  }
0x198: {  	_ =	swait.ge [sflag:s8], $0x4000  }
0x199: {  	[sflag:s8] =	ssyncset.done $0x0  }
0x19a: {  	[sflag:s8] =	ssyncadd.s32 $0xFFFFC000  }
0x19b: {  	[spmem:s5] =	stream.linear.scatter [tilespmem:s7], [sflag:$0x1], $0x4000, $0x38;
	[tilespmem:$0x1C080] =	vst v63  }
0x19c: {  	_ =	swait.ge [sflag:s8], $0x4000  }
0x19d: {  	[sflag:s8] =	ssyncset.done $0x0  }
0x19e: {  	[sflag:s8] =	ssyncadd.s32 $0xFFFFC000  }
0x19f: {  	[spmem:s6] =	stream.linear.scatter [tilespmem:s7], [sflag:$0x1], $0x4000, $0x38;
	[tilespmem:$0x1C080] =	vst v63  }
0x1a0: {  	_ =	swait.ge [sflag:s8], $0x4000  }
0x1a1: {  	[sflag:s8] =	ssyncset.done $0x0  }
0x1a2: {  	s11 =	simm.s32 $0x0;
	s12 =	simm.s32 $0x200;
	[sflag:s8] =	ssyncadd.s32 $0xFFFFC000  }
.LBB2_18:
0x1a3: {  	p0 =	sne.s32 s12, $0xFE00;
	[tilespmem:s11+$0xF0] =	vst v1  }
0x1a4: {  	[tilespmem:s11+$0x80] =	vst v1  }
0x1a5: {  	[tilespmem:s11+$0x90] =	vst v1  }
.Ltmp8:
0x1a6: {  	[tilespmem:s11+$0xA0] =	vst v1;
	(pc) =	sbr.rel @p0 .LBB2_18-.Ltmp8, $4  }
0x1a7: {  	[tilespmem:s11+$0xB0] =	vst v1  }
0x1a8: {  	[tilespmem:s11+$0xC0] =	vst v1  }
0x1a9: {  	[tilespmem:s11+$0xD0] =	vst v1  }
0x1aa: {  	[tilespmem:s11+$0xE0] =	vst v1;
	s11 =	sshra.s32 s12, $0x2;
	s12 =	sadd.s32 $0x200, s12  }
0x1ab: {  	[tilespmem:s11+$0xF0] =	vst v1  }
0x1ac: {  	[tilespmem:s11+$0x80] =	vst v1  }
0x1ad: {  	[tilespmem:s11+$0x90] =	vst v1  }
0x1ae: {  	[tilespmem:s11+$0xA0] =	vst v1  }
0x1af: {  	[tilespmem:s11+$0xB0] =	vst v1  }
0x1b0: {  	[tilespmem:s11+$0xC0] =	vst v1  }
0x1b1: {  	[tilespmem:s11+$0xD0] =	vst v1  }
0x1b2: {  	[tilespmem:s11+$0xE0] =	vst v1  }
0x1b3: {  	s15 =	sadd.s32 $0x0, s2;
	[bflag:$0x0] =	sbarrier.arrive $0xFFFF  }
0x1b4: {  	[tilespmem:s1], [sflag:$0x1] =	stream.linear.gather [hbm4b:s15+s1], $0x80, $0x38;
	[tilespmem:$0x1C080] =	vst v63  }
0x1b5: {  	_ =	swait.ge [sflag:s8], $0x80  }
0x1b6: {  	[sflag:s8] =	ssyncset.done $0x0  }
0x1b7: {  	[sflag:s8] =	ssyncadd.s32 $0xFFFFFF80  }
0x1b8: {  	[spmem:s22] =	stream.indirect.scatter.add.f32 [tilespmem:s9], [sflag:$0x1], $0x80, s1, s9, $0xb8;
	[tilespmem:$0x1C080] =	vst v63  }
0x1b9: {  	_ =	swait.ge [sflag:s8], $0x4000  }
0x1ba: {  	s11 =	simm.s32 $0x10;
	s12 =	simm.s32 $0x20;
	[sflag:s8] =	ssyncset.done $0x0  }
.LBB2_20:
0x1bb: {  	s13 =	sadd.s32 s11, s2  }
0x1bc: {  	[sflag:s8] =	ssyncadd.s32 $0xFFFFC000;
	s11 =	smov.u32 s12;
	s14 =	sadd.s32 $0x10, s12  }
0x1bd: {  	[tilespmem:s1], [sflag:$0x1] =	stream.linear.gather [hbm4b:s13+s1], $0x80, $0x38;
	[tilespmem:$0x1C080] =	vst v63  }
0x1be: {  	p0 =	sne.s32 s12, $0x270;
	_ =	swait.ge [sflag:s8], $0x80  }
.Ltmp9:
0x1bf: {  	[sflag:s8] =	ssyncset.done $0x0;
	(pc) =	sbr.rel @p0 .LBB2_20-.Ltmp9, $4  }
0x1c0: {  	[sflag:s8] =	ssyncadd.s32 $0xFFFFFF80  }
0x1c1: {  	[spmem:s22] =	stream.indirect.scatter.add.f32 [tilespmem:s9], [sflag:$0x1], $0x80, s1, s9, $0xb8;
	[tilespmem:$0x1C080] =	vst v63  }
0x1c2: {  	_ =	swait.ge [sflag:s8], $0x4000  }
0x1c3: {  	s12 =	smov.u32 s14;
	[sflag:s8] =	ssyncset.done $0x0  }
0x1c4: {  	s11 =	sadd.s32 s11, s2;
	[sflag:s8] =	ssyncadd.s32 $0xFFFFC000  }
0x1c5: {  	[tilespmem:s1], [sflag:$0x1] =	stream.linear.gather [hbm4b:s11+s1], $0x80, $0x38;
	[tilespmem:$0x1C080] =	vst v63  }
0x1c6: {  	_ =	swait.ge [sflag:s8], $0x80  }
0x1c7: {  	[sflag:s8] =	ssyncset.done $0x0  }
0x1c8: {  	[sflag:s8] =	ssyncadd.s32 $0xFFFFFF80  }
0x1c9: {  	[spmem:s22] =	stream.indirect.scatter.add.f32 [tilespmem:s9], [sflag:$0x1], $0x80, s1, s9, $0xb8;
	[tilespmem:$0x1C080] =	vst v63  }
0x1ca: {  	_ =	swait.ge [sflag:s8], $0x4000  }
0x1cb: {  	[sflag:s8] =	ssyncset.done $0x0  }
0x1cc: {  	[sflag:s8] =	ssyncadd.s32 $0xFFFFC000  }
0x1cd: {  	[bflag:$0x0] =	sbarrier.arrive $0xFFFF  }
0x1ce: {  	[tilespmem:s7], [sflag:$0x1] =	stream.linear.gather [spmem:s24], $0x4000, $0x38;
	[tilespmem:$0x1C080] =	vst v63  }
0x1cf: {  	_ =	swait.ge [sflag:s8], $0x4000  }
0x1d0: {  	[sflag:s8] =	ssyncset.done $0x0  }
0x1d1: {  	[sflag:s8] =	ssyncadd.s32 $0xFFFFC000  }
0x1d2: {  	[hbm4b:s17+s1] =	stream.linear.scatter [tilespmem:s7], [sflag:$0x1], $0x4000, $0x38;
	[tilespmem:$0x1C080] =	vst v63  }
0x1d3: {  	_ =	swait.ge [sflag:s8], $0x4000  }
0x1d4: {  	[sflag:s8] =	ssyncset.done $0x0  }
0x1d5: {  	[sflag:s8] =	ssyncadd.s32 $0xFFFFC000  }
0x1d6: {  	[tilespmem:s7], [sflag:$0x1] =	stream.linear.gather [spmem:s26], $0x4000, $0x38;
	[tilespmem:$0x1C080] =	vst v63  }
0x1d7: {  	_ =	swait.ge [sflag:s8], $0x4000  }
0x1d8: {  	[sflag:s8] =	ssyncset.done $0x0  }
0x1d9: {  	[sflag:s8] =	ssyncadd.s32 $0xFFFFC000  }
0x1da: {  	[hbm4b:s18+s1] =	stream.linear.scatter [tilespmem:s7], [sflag:$0x1], $0x4000, $0x38;
	[tilespmem:$0x1C080] =	vst v63  }
0x1db: {  	_ =	swait.ge [sflag:s8], $0x4000  }
0x1dc: {  	[sflag:s8] =	ssyncset.done $0x0  }
0x1dd: {  	[sflag:s8] =	ssyncadd.s32 $0xFFFFC000  }
0x1de: {  	[tilespmem:s7], [sflag:$0x1] =	stream.linear.gather [spmem:s28], $0x4000, $0x38;
	[tilespmem:$0x1C080] =	vst v63  }
0x1df: {  	_ =	swait.ge [sflag:s8], $0x4000  }
0x1e0: {  	[sflag:s8] =	ssyncset.done $0x0  }
0x1e1: {  	[sflag:s8] =	ssyncadd.s32 $0xFFFFC000  }
0x1e2: {  	[hbm4b:s19+s1] =	stream.linear.scatter [tilespmem:s7], [sflag:$0x1], $0x4000, $0x38;
	[tilespmem:$0x1C080] =	vst v63  }
0x1e3: {  	_ =	swait.ge [sflag:s8], $0x4000  }
0x1e4: {  	[sflag:s8] =	ssyncset.done $0x0  }
0x1e5: {  	[sflag:s8] =	ssyncadd.s32 $0xFFFFC000  }
0x1e6: {  	[tilespmem:s7], [sflag:$0x1] =	stream.linear.gather [spmem:s29], $0x4000, $0x38;
	[tilespmem:$0x1C080] =	vst v63  }
0x1e7: {  	_ =	swait.ge [sflag:s8], $0x4000  }
0x1e8: {  	[sflag:s8] =	ssyncset.done $0x0  }
0x1e9: {  	[sflag:s8] =	ssyncadd.s32 $0xFFFFC000  }
0x1ea: {  	[hbm4b:s21+s1] =	stream.linear.scatter [tilespmem:s7], [sflag:$0x1], $0x4000, $0x38;
	[tilespmem:$0x1C080] =	vst v63  }
0x1eb: {  	_ =	swait.ge [sflag:s8], $0x4000  }
0x1ec: {  	[sflag:s8] =	ssyncset.done $0x0  }
0x1ed: {  	[sflag:s8] =	ssyncadd.s32 $0xFFFFC000  }
0x1ee: {  	[tilespmem:s7], [sflag:$0x1] =	stream.linear.gather [spmem:s30], $0x4000, $0x38;
	[tilespmem:$0x1C080] =	vst v63  }
0x1ef: {  	s10 =	sadd.s32 $0x1, s10;
	_ =	swait.ge [sflag:s8], $0x4000  }
0x1f0: {  	p0 =	sne.s32 s10, s25;
	[sflag:s8] =	ssyncset.done $0x0  }
.Ltmp10:
0x1f1: {  	[sflag:s8] =	ssyncadd.s32 $0xFFFFC000;
	(pc) =	sbr.rel @p0 .LBB2_1-.Ltmp10, $4  }
0x1f2: {  	[hbm4b:s23+s1] =	stream.linear.scatter [tilespmem:s7], [sflag:$0x1], $0x4000, $0x38;
	[tilespmem:$0x1C080] =	vst v63  }
0x1f3: {  	_ =	swait.ge [sflag:s8], $0x4000  }
0x1f4: {  	[sflag:s8] =	ssyncset.done $0x0  }
0x1f5: {  	[sflag:s8] =	ssyncadd.s32 $0xFFFFC000  }
0x1f6: {  	_ =	sfence.sel $0x180000  }
0x1f7: {  	[bflag:$0x0] =	sbarrier.arrive $0xFFFF  }
0x1f8: {  	_ =	strace $0x9000004D  }
0x1f9: {  	s0 =	stileid.u32;
	[bflag:$0x2] =	sbarrier.arrive $0xFFFF  }
0x1fa: {  	p0 =	sne.s32 s0, $0x0;
	s0 =	rddreg [dreg:$0x2]  }
0x1fb: {  	s0 =	sadd.s32 @!p0 $0x100000, s0  }
0x1fc: {  	[sflag:s0] =	ssyncadd.tile.s32 @!p0 $0x1;
	_ =	shalt  }
.Lfunc_end2:
_tile_overlayer_lowered:
.L_overlay_start_2:
0x1fd: {  	(tag) =	ssettag $0x2  }
0x1fe: {  	s0 =	rddreg [dreg:$0x0];
	s2 =	stileid.u32  }
0x1ff: {  	s1 =	rddreg [dreg:$0x1];
	p0 =	sne.s32 s2, $0x0  }
0x200: {  	s3 =	rddreg [dreg:$0x2];
	[bflag:$0x3] =	sbarrier.arrive $0xFFFF;
	s2 =	simm.s32 @!p0 $0x1C01  }
0x201: {  	[timem:s3], [sflag:s2] =	dma.local @!p0 [hbm:s0], s1  }
0x202: {  	s0 =	simm.s32 @!p0 $0x1  }
0x203: {  	_ =	swait.ge @!p0 [sflag:s0], s1  }
0x204: {  	s1 =	ssub.s32 @!p0 $0x0, s1;
	[sflag:s0] =	ssyncset.done @!p0 $0x0  }
0x205: {  	[sflag:s0] =	ssyncadd.s32 @!p0 s1  }
0x206: {  	[bflag:$0x3] =	sbarrier.arrive $0xFFFF  }
0x207: {  	_ =	shalt  }

</sc_bundles>
